<compile_context>
chip_gen: v7x
topology: tpu7x:2x2x1
jax: 0.10.2.dev20260603
libtpu: 0.0.44.dev20260713+nightly
codegen_flags: <defaults>
</compile_context>

<pallas_src>
import functools

import jax
import jax.numpy as jnp
from jax import lax
from jax.experimental import pallas as pl
from jax.experimental.pallas import tpu as pltpu
from jax.experimental.pallas import tpu_sc as plsc

N = 10000
NPAD = 10240
E = 320000
D = 128
ALPHA = 0.1

NC = 2
NS = 16
NW = NC * NS
ET = E // NW
EB = 128
NB = ET // EB + 1
ETP = NB * EB
RPT = NPAD // NS
ZROW = NPAD - EB

BR = 1024
GRID = NPAD // BR

_mesh = plsc.VectorSubcoreMesh(core_axis_name="c", subcore_axis_name="s")



def _deg_body(c3, degp, deg_s, c_v, ones_v, z_v):
    cid = lax.axis_index("c")
    sid = lax.axis_index("s")
    w = sid * NC + cid
    for k in range(EB // 16):
        ones_v[pl.ds(k * 16, 16)] = jnp.ones((16,), jnp.float32)
    for k in range(RPT // 16):
        z_v[pl.ds(k * 16, 16)] = jnp.zeros((16,), jnp.float32)
    rsl = pl.ds(sid * RPT, RPT)
    pltpu.sync_copy(z_v, deg_s.at[rsl])
    plsc.subcore_barrier()
    pltpu.sync_copy(c3.at[w], c_v)

    def blk(j, carry):
        pltpu.sync_copy(ones_v, deg_s.at[c_v.at[j]], add=True)
        return carry

    lax.fori_loop(0, NB, blk, 0)
    plsc.subcore_barrier()
    pltpu.sync_copy(deg_s.at[rsl], degp.at[cid, rsl])


_deg = pl.kernel(
    _deg_body,
    out_type=jax.ShapeDtypeStruct((NC, NPAD), jnp.float32),
    mesh=_mesh,
    scratch_types=[
        pltpu.VMEM_SHARED((NPAD,), jnp.float32),
        pltpu.VMEM((NB, EB), jnp.int32),
        pltpu.VMEM((EB,), jnp.float32),
        pltpu.VMEM((RPT,), jnp.float32),
    ],
)



def _prop_body(hp, r3, c3, sout, acc_s, r_v, c_v, buf_a, buf_b, sem_a, sem_b):
    cid = lax.axis_index("c")
    sid = lax.axis_index("s")
    w = sid * NC + cid
    rsl = pl.ds(sid * RPT, RPT)

    @pl.when(cid == 0)
    def _():
        pltpu.sync_copy(hp.at[rsl], acc_s.at[rsl])

    @pl.when(cid != 0)
    def _():
        for k in range(RPT // EB):
            pltpu.sync_copy(hp.at[pl.ds(ZROW, EB)],
                            acc_s.at[pl.ds(sid * RPT + k * EB, EB)])

    plsc.subcore_barrier()

    for h, nbh in ((0, NB // 2 + 1), (1, NB - NB // 2 - 1)):
        pltpu.sync_copy(r3.at[w, pl.ds(h * (NB // 2 + 1), nbh)],
                        r_v.at[pl.ds(0, nbh)])
        pltpu.sync_copy(c3.at[w, pl.ds(h * (NB // 2 + 1), nbh)],
                        c_v.at[pl.ds(0, nbh)])
        pltpu.async_copy(hp.at[r_v.at[0]], buf_a, sem_a)

        def blk(i, carry):
            j0 = 2 * i
            pltpu.async_copy(hp.at[r_v.at[j0 + 1]], buf_b, sem_b)
            pltpu.make_async_copy(hp.at[r_v.at[0]], buf_a, sem_a).wait()
            pltpu.sync_copy(buf_a, acc_s.at[c_v.at[j0]], add=True)
            j2 = jnp.minimum(j0 + 2, nbh - 1)
            pltpu.async_copy(hp.at[r_v.at[j2]], buf_a, sem_a)
            pltpu.make_async_copy(hp.at[r_v.at[0]], buf_b, sem_b).wait()
            pltpu.sync_copy(buf_b, acc_s.at[c_v.at[j0 + 1]], add=True)
            return carry

        lax.fori_loop(0, nbh // 2, blk, 0)
        pltpu.make_async_copy(hp.at[r_v.at[0]], buf_a, sem_a).wait()
        if nbh % 2:
            pltpu.sync_copy(buf_a, acc_s.at[c_v.at[nbh - 1]], add=True)

    plsc.subcore_barrier()
    pltpu.sync_copy(acc_s.at[rsl], sout.at[cid, rsl])


_prop = pl.kernel(
    _prop_body,
    out_type=jax.ShapeDtypeStruct((NC, NPAD, D), jnp.float32),
    mesh=_mesh,
    scratch_types=[
        pltpu.VMEM_SHARED((NPAD, D), jnp.float32),
        pltpu.VMEM((NB // 2 + 1, EB), jnp.int32),
        pltpu.VMEM((NB // 2 + 1, EB), jnp.int32),
        pltpu.VMEM((EB, D), jnp.float32),
        pltpu.VMEM((EB, D), jnp.float32),
        pltpu.SemaphoreType.DMA,
        pltpu.SemaphoreType.DMA,
    ],
)



def _enc_body(x_ref, wt_ref, b_ref, qe_ref, qwt_ref, qb_ref, h0_ref, q_ref):
    h0_ref[...] = (
        jnp.dot(x_ref[...], wt_ref[...], preferred_element_type=jnp.float32)
        + b_ref[...]
    )

    @pl.when(pl.program_id(0) == 0)
    def _():
        q_ref[...] = (
            jnp.dot(qe_ref[...], qwt_ref[...],
                    preferred_element_type=jnp.float32)
            + qb_ref[...]
        )


_enc = pl.pallas_call(
    _enc_body,
    grid=(GRID,),
    in_specs=[
        pl.BlockSpec((BR, D), lambda i: (i, 0)),
        pl.BlockSpec((D, D), lambda i: (0, 0)),
        pl.BlockSpec((1, D), lambda i: (0, 0)),
        pl.BlockSpec((1, D), lambda i: (0, 0)),
        pl.BlockSpec((D, D), lambda i: (0, 0)),
        pl.BlockSpec((1, D), lambda i: (0, 0)),
    ],
    out_specs=[
        pl.BlockSpec((BR, D), lambda i: (i, 0)),
        pl.BlockSpec((1, D), lambda i: (0, 0)),
    ],
    out_shape=[
        jax.ShapeDtypeStruct((NPAD, D), jnp.float32),
        jax.ShapeDtypeStruct((1, D), jnp.float32),
    ],
)


def _pre_body(h0_ref, dinv_ref, hp_ref):
    i = pl.program_id(0)
    rows = i * BR + lax.broadcasted_iota(jnp.int32, (BR, 1), 0)
    m = (rows < N).astype(jnp.float32)
    hp_ref[...] = h0_ref[...] * dinv_ref[...] * m


_pre = pl.pallas_call(
    _pre_body,
    grid=(GRID,),
    in_specs=[
        pl.BlockSpec((BR, D), lambda i: (i, 0)),
        pl.BlockSpec((BR, 1), lambda i: (i, 0)),
    ],
    out_specs=pl.BlockSpec((BR, D), lambda i: (i, 0)),
    out_shape=jax.ShapeDtypeStruct((NPAD, D), jnp.float32),
)


def _upd_body(s0_ref, s1_ref, dinv_ref, h0_ref, out_ref, *, emit_prime):
    s = s0_ref[0] + s1_ref[0]
    h = (1.0 - ALPHA) * dinv_ref[...] * s + ALPHA * h0_ref[...]
    if emit_prime:
        i = pl.program_id(0)
        rows = i * BR + lax.broadcasted_iota(jnp.int32, (BR, 1), 0)
        m = (rows < N).astype(jnp.float32)
        out_ref[...] = h * dinv_ref[...] * m
    else:
        out_ref[...] = h


def _make_upd(emit_prime):
    return pl.pallas_call(
        functools.partial(_upd_body, emit_prime=emit_prime),
        grid=(GRID,),
        in_specs=[
            pl.BlockSpec((1, BR, D), lambda i: (0, i, 0)),
            pl.BlockSpec((1, BR, D), lambda i: (1, i, 0)),
            pl.BlockSpec((BR, 1), lambda i: (i, 0)),
            pl.BlockSpec((BR, D), lambda i: (i, 0)),
        ],
        out_specs=pl.BlockSpec((BR, D), lambda i: (i, 0)),
        out_shape=jax.ShapeDtypeStruct((NPAD, D), jnp.float32),
    )


_upd_prime = _make_upd(True)
_upd_final = _make_upd(False)



@jax.jit
def _run(x, edge_index, q_emb, t_W, t_b, q_W, q_b):
    xpad = jnp.pad(x, ((0, NPAD - N), (0, 0)))
    r = edge_index[0].reshape(NW, ET)
    c = edge_index[1].reshape(NW, ET)
    r3 = jnp.pad(r, ((0, 0), (0, ETP - ET)), constant_values=N).reshape(NW, NB, EB)
    c3 = jnp.pad(c, ((0, 0), (0, ETP - ET)), constant_values=N).reshape(NW, NB, EB)

    degp = _deg(c3)
    h0, ques = _enc(xpad, t_W.T, t_b[None], q_emb[None], q_W.T, q_b[None])
    deg = degp[0] + degp[1] + 1.0
    dinv = lax.rsqrt(deg)[:, None]

    hp = _pre(h0, dinv)
    s = _prop(hp, r3, c3)
    hp = _upd_prime(s, s, dinv, h0)
    s = _prop(hp, r3, c3)
    h2 = _upd_final(s, s, dinv, h0)

    return ques[0], h2[:N]


def kernel(x, edge_index, q_emb, t_W, t_b, q_W, q_b):
    return _run(x, edge_index, q_emb, t_W, t_b, q_W, q_b)

# --- scband reference (transcript-rebuilt; emitter-appended) ---
"""Pipeline reference for scband-appnpmodel-16776142258480 (READ-ONLY COPY).

The authoritative reference and input builder live on the scoring server;
editing this copy changes nothing except your own understanding.
"""

import jax, jax.numpy as jnp
import numpy as np

N = 10000
E = 320000
D_IN = 128
D_OUT = 128
K = 2
ALPHA = 0.1


def setup_inputs(seed: int = 0):
    key = jax.random.key(seed)
    ks = jax.random.split(key, 7)
    x = jax.random.normal(ks[0], (N, D_IN), dtype=jnp.float32)
    edge_index = jax.random.randint(ks[1], (2, E), 0, N, dtype=jnp.int32)
    q_emb = jax.random.normal(ks[2], (D_IN,), dtype=jnp.float32)
    t_W = jax.random.normal(ks[3], (D_OUT, D_IN), dtype=jnp.float32) * (1.0 / np.sqrt(D_IN))
    t_b = jnp.zeros((D_OUT,), dtype=jnp.float32)
    q_W = jax.random.normal(ks[4], (D_OUT, D_IN), dtype=jnp.float32) * (1.0 / np.sqrt(D_IN))
    q_b = jnp.zeros((D_OUT,), dtype=jnp.float32)
    return {"x": x, "edge_index": edge_index, "q_emb": q_emb, "t_W": t_W, "t_b": t_b, "q_W": q_W, "q_b": q_b}


def _appnp(h, row, col, n):
    # gcn_norm with self-loops: A_hat = D^{-1/2} (A + I) D^{-1/2}
    sl = jnp.arange(n, dtype=row.dtype)
    r = jnp.concatenate([row, sl])
    c = jnp.concatenate([col, sl])
    ones = jnp.ones(r.shape[0], dtype=jnp.float32)
    deg = jnp.zeros(n, dtype=jnp.float32).at[c].add(ones)
    dinv = jnp.where(deg > 0, 1.0 / jnp.sqrt(deg), 0.0)
    w = dinv[r] * dinv[c]
    x0 = h
    for _ in range(K):
        msg = h[r] * w[:, None]          # gather over edges
        agg = jnp.zeros_like(h).at[c].add(msg)  # scatter-add to dst nodes
        h = (1.0 - ALPHA) * agg + ALPHA * x0
    return h


def reference(x, edge_index, q_emb, t_W, t_b, q_W, q_b):
    # eval mode: all dropouts (tag_drop_rate, que_drop_rate, APPNP edge dropout=0.1) are identity
    h = x @ t_W.T + t_b                  # t_encoder
    h = _appnp(h, edge_index[0], edge_index[1], N)  # APPNP(K=2, alpha=0.1)
    ques = q_emb @ q_W.T + q_b           # q_encoder (Dropout is identity in eval)
    return (ques, h)

if __name__ == "__main__":
    import jax
    _d = setup_inputs()
    print(jax.jit(kernel)(*tuple(_d.values())))

</pallas_src>

<mosaic_0001>
#map = affine_map<(d0, d1) -> (0, 0)>
#map1 = affine_map<(d0, d1) -> (0, 0, 0)>
module attributes {stable_mosaic.version = 14 : i64} {
  func.func @_prop_body(%arg0: i32, %arg1: i32, %arg2: memref<10240x128xf32, #tpu.memory_space<hbm>>, %arg3: memref<32x79x128xi32, #tpu.memory_space<hbm>>, %arg4: memref<32x79x128xi32, #tpu.memory_space<hbm>>, %arg5: memref<2x10240x128xf32, #tpu.memory_space<hbm>>, %arg6: memref<10240x128xf32, #tpu.memory_space<vmem_shared>>, %arg7: memref<40x128xi32, #tpu.memory_space<vmem>>, %arg8: memref<40x128xi32, #tpu.memory_space<vmem>>, %arg9: memref<128x128xf32, #tpu.memory_space<vmem>>, %arg10: memref<128x128xf32, #tpu.memory_space<vmem>>, %arg11: memref<!tpu.dma_semaphore, #tpu.memory_space<semaphore_mem>>, %arg12: memref<!tpu.dma_semaphore, #tpu.memory_space<semaphore_mem>>) attributes {dimension_semantics = [#tpu.dimension_semantics<core_parallel>, #tpu.dimension_semantics<subcore_parallel>], iteration_bounds = array<i64: 2, 16>, scalar_prefetch = 0 : i64, scratch_operands = 7 : i64, tpu.core_type = #tpu.core_type<sc_vector_subcore>, window_params = [{transform_indices = #map}, {transform_indices = #map1}, {transform_indices = #map1}, {transform_indices = #map1}]} {
    %mul3A = arith.constant 2 : i32
    %mul3A_0 = arith.muli %arg1, %mul3A : i32
    %add3A = arith.addi %mul3A_0, %arg0 : i32
    %mul3A_1 = arith.constant 640 : i32
    %mul3A_2 = arith.muli %arg1, %mul3A_1 : i32
    %eq3A = arith.constant 0 : i32
    %eq3A_3 = arith.cmpi eq, %arg0, %eq3A : i32
    %convert_element_type3A = arith.extui %eq3A_3 : i1 to i32
    %cond3A = arith.constant 0 : i32
    %cond3A_4 = arith.cmpi ne, %convert_element_type3A, %cond3A : i32
    scf.if %cond3A_4 {
      "tpu.region"() ({
        %run_scoped3A_47 = tpu.sem_alloc : memref<!tpu.dma_semaphore, #tpu.memory_space<semaphore_mem>>
        %dma_start3A_48 = arith.constant 0 : i32
        %dma_start3A_49 = tpu.memref_slice %arg6[%mul3A_2, %dma_start3A_48] : memref<10240x128xf32, #tpu.memory_space<vmem_shared>> -> memref<640x128xf32, #tpu.memory_space<vmem_shared>>
        %dma_start3A_50 = arith.constant 0 : i32
        %dma_start3A_51 = tpu.memref_slice %arg2[%mul3A_2, %dma_start3A_50] : memref<10240x128xf32, #tpu.memory_space<hbm>> -> memref<640x128xf32, #tpu.memory_space<hbm>>
        tpu.enqueue_dma source(%dma_start3A_51 : memref<640x128xf32, #tpu.memory_space<hbm>>) target(%dma_start3A_49 : memref<640x128xf32, #tpu.memory_space<vmem_shared>>) target_semaphore(%run_scoped3A_47 : memref<!tpu.dma_semaphore, #tpu.memory_space<semaphore_mem>>)
        %dma_wait3A_52 = arith.constant 0 : i32
        %dma_wait3A_53 = tpu.memref_slice %arg6[%mul3A_2, %dma_wait3A_52] : memref<10240x128xf32, #tpu.memory_space<vmem_shared>> -> memref<640x128xf32, #tpu.memory_space<vmem_shared>>
        %dma_wait3A_54 = arith.constant 0 : i32
        %dma_wait3A_55 = tpu.memref_slice %arg2[%mul3A_2, %dma_wait3A_54] : memref<10240x128xf32, #tpu.memory_space<hbm>> -> memref<640x128xf32, #tpu.memory_space<hbm>>
        tpu.wait_dma2 semaphore(%run_scoped3A_47 : memref<!tpu.dma_semaphore, #tpu.memory_space<semaphore_mem>>) src(%dma_wait3A_55 : memref<640x128xf32, #tpu.memory_space<hbm>>) dst(%dma_wait3A_53 : memref<640x128xf32, #tpu.memory_space<vmem_shared>>)
        tpu.yield
      }) : () -> ()
    } else {
    }
    %ne3A = arith.constant 0 : i32
    %ne3A_5 = arith.cmpi ne, %arg0, %ne3A : i32
    %convert_element_type3A_6 = arith.extui %ne3A_5 : i1 to i32
    %cond3A_7 = arith.constant 0 : i32
    %cond3A_8 = arith.cmpi ne, %convert_element_type3A_6, %cond3A_7 : i32
    scf.if %cond3A_8 {
      %mul3A_47 = arith.constant 640 : i32
      %mul3A_48 = arith.muli %arg1, %mul3A_47 : i32
      %add3A_49 = arith.constant 0 : i32
      %add3A_50 = arith.addi %mul3A_48, %add3A_49 : i32
      "tpu.region"() ({
        %run_scoped3A_67 = tpu.sem_alloc : memref<!tpu.dma_semaphore, #tpu.memory_space<semaphore_mem>>
        %dma_start3A_68 = arith.constant 0 : i32
        %dma_start3A_69 = tpu.memref_slice %arg6[%add3A_50, %dma_start3A_68] : memref<10240x128xf32, #tpu.memory_space<vmem_shared>> -> memref<128x128xf32, #tpu.memory_space<vmem_shared>>
        %dma_start3A_70 = arith.constant 10112 : i32
        %dma_start3A_71 = arith.constant 0 : i32
        %dma_start3A_72 = tpu.memref_slice %arg2[%dma_start3A_70, %dma_start3A_71] : memref<10240x128xf32, #tpu.memory_space<hbm>> -> memref<128x128xf32, #tpu.memory_space<hbm>>
        tpu.enqueue_dma source(%dma_start3A_72 : memref<128x128xf32, #tpu.memory_space<hbm>>) target(%dma_start3A_69 : memref<128x128xf32, #tpu.memory_space<vmem_shared>>) target_semaphore(%run_scoped3A_67 : memref<!tpu.dma_semaphore, #tpu.memory_space<semaphore_mem>>)
        %dma_wait3A_73 = arith.constant 0 : i32
        %dma_wait3A_74 = tpu.memref_slice %arg6[%add3A_50, %dma_wait3A_73] : memref<10240x128xf32, #tpu.memory_space<vmem_shared>> -> memref<128x128xf32, #tpu.memory_space<vmem_shared>>
        %dma_wait3A_75 = arith.constant 10112 : i32
        %dma_wait3A_76 = arith.constant 0 : i32
        %dma_wait3A_77 = tpu.memref_slice %arg2[%dma_wait3A_75, %dma_wait3A_76] : memref<10240x128xf32, #tpu.memory_space<hbm>> -> memref<128x128xf32, #tpu.memory_space<hbm>>
        tpu.wait_dma2 semaphore(%run_scoped3A_67 : memref<!tpu.dma_semaphore, #tpu.memory_space<semaphore_mem>>) src(%dma_wait3A_77 : memref<128x128xf32, #tpu.memory_space<hbm>>) dst(%dma_wait3A_74 : memref<128x128xf32, #tpu.memory_space<vmem_shared>>)
        tpu.yield
      }) : () -> ()
      %mul3A_51 = arith.constant 640 : i32
      %mul3A_52 = arith.muli %arg1, %mul3A_51 : i32
      %add3A_53 = arith.constant 128 : i32
      %add3A_54 = arith.addi %mul3A_52, %add3A_53 : i32
      "tpu.region"() ({
        %run_scoped3A_67 = tpu.sem_alloc : memref<!tpu.dma_semaphore, #tpu.memory_space<semaphore_mem>>
        %dma_start3A_68 = arith.constant 0 : i32
        %dma_start3A_69 = tpu.memref_slice %arg6[%add3A_54, %dma_start3A_68] : memref<10240x128xf32, #tpu.memory_space<vmem_shared>> -> memref<128x128xf32, #tpu.memory_space<vmem_shared>>
        %dma_start3A_70 = arith.constant 10112 : i32
        %dma_start3A_71 = arith.constant 0 : i32
        %dma_start3A_72 = tpu.memref_slice %arg2[%dma_start3A_70, %dma_start3A_71] : memref<10240x128xf32, #tpu.memory_space<hbm>> -> memref<128x128xf32, #tpu.memory_space<hbm>>
        tpu.enqueue_dma source(%dma_start3A_72 : memref<128x128xf32, #tpu.memory_space<hbm>>) target(%dma_start3A_69 : memref<128x128xf32, #tpu.memory_space<vmem_shared>>) target_semaphore(%run_scoped3A_67 : memref<!tpu.dma_semaphore, #tpu.memory_space<semaphore_mem>>)
        %dma_wait3A_73 = arith.constant 0 : i32
        %dma_wait3A_74 = tpu.memref_slice %arg6[%add3A_54, %dma_wait3A_73] : memref<10240x128xf32, #tpu.memory_space<vmem_shared>> -> memref<128x128xf32, #tpu.memory_space<vmem_shared>>
        %dma_wait3A_75 = arith.constant 10112 : i32
        %dma_wait3A_76 = arith.constant 0 : i32
        %dma_wait3A_77 = tpu.memref_slice %arg2[%dma_wait3A_75, %dma_wait3A_76] : memref<10240x128xf32, #tpu.memory_space<hbm>> -> memref<128x128xf32, #tpu.memory_space<hbm>>
        tpu.wait_dma2 semaphore(%run_scoped3A_67 : memref<!tpu.dma_semaphore, #tpu.memory_space<semaphore_mem>>) src(%dma_wait3A_77 : memref<128x128xf32, #tpu.memory_space<hbm>>) dst(%dma_wait3A_74 : memref<128x128xf32, #tpu.memory_space<vmem_shared>>)
        tpu.yield
      }) : () -> ()
      %mul3A_55 = arith.constant 640 : i32
      %mul3A_56 = arith.muli %arg1, %mul3A_55 : i32
      %add3A_57 = arith.constant 256 : i32
      %add3A_58 = arith.addi %mul3A_56, %add3A_57 : i32
      "tpu.region"() ({
        %run_scoped3A_67 = tpu.sem_alloc : memref<!tpu.dma_semaphore, #tpu.memory_space<semaphore_mem>>
        %dma_start3A_68 = arith.constant 0 : i32
        %dma_start3A_69 = tpu.memref_slice %arg6[%add3A_58, %dma_start3A_68] : memref<10240x128xf32, #tpu.memory_space<vmem_shared>> -> memref<128x128xf32, #tpu.memory_space<vmem_shared>>
        %dma_start3A_70 = arith.constant 10112 : i32
        %dma_start3A_71 = arith.constant 0 : i32
        %dma_start3A_72 = tpu.memref_slice %arg2[%dma_start3A_70, %dma_start3A_71] : memref<10240x128xf32, #tpu.memory_space<hbm>> -> memref<128x128xf32, #tpu.memory_space<hbm>>
        tpu.enqueue_dma source(%dma_start3A_72 : memref<128x128xf32, #tpu.memory_space<hbm>>) target(%dma_start3A_69 : memref<128x128xf32, #tpu.memory_space<vmem_shared>>) target_semaphore(%run_scoped3A_67 : memref<!tpu.dma_semaphore, #tpu.memory_space<semaphore_mem>>)
        %dma_wait3A_73 = arith.constant 0 : i32
        %dma_wait3A_74 = tpu.memref_slice %arg6[%add3A_58, %dma_wait3A_73] : memref<10240x128xf32, #tpu.memory_space<vmem_shared>> -> memref<128x128xf32, #tpu.memory_space<vmem_shared>>
        %dma_wait3A_75 = arith.constant 10112 : i32
        %dma_wait3A_76 = arith.constant 0 : i32
        %dma_wait3A_77 = tpu.memref_slice %arg2[%dma_wait3A_75, %dma_wait3A_76] : memref<10240x128xf32, #tpu.memory_space<hbm>> -> memref<128x128xf32, #tpu.memory_space<hbm>>
        tpu.wait_dma2 semaphore(%run_scoped3A_67 : memref<!tpu.dma_semaphore, #tpu.memory_space<semaphore_mem>>) src(%dma_wait3A_77 : memref<128x128xf32, #tpu.memory_space<hbm>>) dst(%dma_wait3A_74 : memref<128x128xf32, #tpu.memory_space<vmem_shared>>)
        tpu.yield
      }) : () -> ()
      %mul3A_59 = arith.constant 640 : i32
      %mul3A_60 = arith.muli %arg1, %mul3A_59 : i32
      %add3A_61 = arith.constant 384 : i32
      %add3A_62 = arith.addi %mul3A_60, %add3A_61 : i32
      "tpu.region"() ({
        %run_scoped3A_67 = tpu.sem_alloc : memref<!tpu.dma_semaphore, #tpu.memory_space<semaphore_mem>>
        %dma_start3A_68 = arith.constant 0 : i32
        %dma_start3A_69 = tpu.memref_slice %arg6[%add3A_62, %dma_start3A_68] : memref<10240x128xf32, #tpu.memory_space<vmem_shared>> -> memref<128x128xf32, #tpu.memory_space<vmem_shared>>
        %dma_start3A_70 = arith.constant 10112 : i32
        %dma_start3A_71 = arith.constant 0 : i32
        %dma_start3A_72 = tpu.memref_slice %arg2[%dma_start3A_70, %dma_start3A_71] : memref<10240x128xf32, #tpu.memory_space<hbm>> -> memref<128x128xf32, #tpu.memory_space<hbm>>
        tpu.enqueue_dma source(%dma_start3A_72 : memref<128x128xf32, #tpu.memory_space<hbm>>) target(%dma_start3A_69 : memref<128x128xf32, #tpu.memory_space<vmem_shared>>) target_semaphore(%run_scoped3A_67 : memref<!tpu.dma_semaphore, #tpu.memory_space<semaphore_mem>>)
        %dma_wait3A_73 = arith.constant 0 : i32
        %dma_wait3A_74 = tpu.memref_slice %arg6[%add3A_62, %dma_wait3A_73] : memref<10240x128xf32, #tpu.memory_space<vmem_shared>> -> memref<128x128xf32, #tpu.memory_space<vmem_shared>>
        %dma_wait3A_75 = arith.constant 10112 : i32
        %dma_wait3A_76 = arith.constant 0 : i32
        %dma_wait3A_77 = tpu.memref_slice %arg2[%dma_wait3A_75, %dma_wait3A_76] : memref<10240x128xf32, #tpu.memory_space<hbm>> -> memref<128x128xf32, #tpu.memory_space<hbm>>
        tpu.wait_dma2 semaphore(%run_scoped3A_67 : memref<!tpu.dma_semaphore, #tpu.memory_space<semaphore_mem>>) src(%dma_wait3A_77 : memref<128x128xf32, #tpu.memory_space<hbm>>) dst(%dma_wait3A_74 : memref<128x128xf32, #tpu.memory_space<vmem_shared>>)
        tpu.yield
      }) : () -> ()
      %mul3A_63 = arith.constant 640 : i32
      %mul3A_64 = arith.muli %arg1, %mul3A_63 : i32
      %add3A_65 = arith.constant 512 : i32
      %add3A_66 = arith.addi %mul3A_64, %add3A_65 : i32
      "tpu.region"() ({
        %run_scoped3A_67 = tpu.sem_alloc : memref<!tpu.dma_semaphore, #tpu.memory_space<semaphore_mem>>
        %dma_start3A_68 = arith.constant 0 : i32
        %dma_start3A_69 = tpu.memref_slice %arg6[%add3A_66, %dma_start3A_68] : memref<10240x128xf32, #tpu.memory_space<vmem_shared>> -> memref<128x128xf32, #tpu.memory_space<vmem_shared>>
        %dma_start3A_70 = arith.constant 10112 : i32
        %dma_start3A_71 = arith.constant 0 : i32
        %dma_start3A_72 = tpu.memref_slice %arg2[%dma_start3A_70, %dma_start3A_71] : memref<10240x128xf32, #tpu.memory_space<hbm>> -> memref<128x128xf32, #tpu.memory_space<hbm>>
        tpu.enqueue_dma source(%dma_start3A_72 : memref<128x128xf32, #tpu.memory_space<hbm>>) target(%dma_start3A_69 : memref<128x128xf32, #tpu.memory_space<vmem_shared>>) target_semaphore(%run_scoped3A_67 : memref<!tpu.dma_semaphore, #tpu.memory_space<semaphore_mem>>)
        %dma_wait3A_73 = arith.constant 0 : i32
        %dma_wait3A_74 = tpu.memref_slice %arg6[%add3A_66, %dma_wait3A_73] : memref<10240x128xf32, #tpu.memory_space<vmem_shared>> -> memref<128x128xf32, #tpu.memory_space<vmem_shared>>
        %dma_wait3A_75 = arith.constant 10112 : i32
        %dma_wait3A_76 = arith.constant 0 : i32
        %dma_wait3A_77 = tpu.memref_slice %arg2[%dma_wait3A_75, %dma_wait3A_76] : memref<10240x128xf32, #tpu.memory_space<hbm>> -> memref<128x128xf32, #tpu.memory_space<hbm>>
        tpu.wait_dma2 semaphore(%run_scoped3A_67 : memref<!tpu.dma_semaphore, #tpu.memory_space<semaphore_mem>>) src(%dma_wait3A_77 : memref<128x128xf32, #tpu.memory_space<hbm>>) dst(%dma_wait3A_74 : memref<128x128xf32, #tpu.memory_space<vmem_shared>>)
        tpu.yield
      }) : () -> ()
    } else {
    }
    %barrier3A = arith.constant 0 : index
    tpu.barrier barrier_id(%barrier3A)
    "tpu.region"() ({
      %run_scoped3A_47 = tpu.sem_alloc : memref<!tpu.dma_semaphore, #tpu.memory_space<semaphore_mem>>
      %dma_start3A_48 = arith.constant 0 : i32
      %dma_start3A_49 = arith.constant 0 : i32
      %dma_start3A_50 = tpu.memref_slice %arg7[%dma_start3A_48, %dma_start3A_49] : memref<40x128xi32, #tpu.memory_space<vmem>> -> memref<40x128xi32, #tpu.memory_space<vmem>>
      %dma_start3A_51 = arith.constant 0 : i32
      %dma_start3A_52 = arith.constant 0 : i32
      %dma_start3A_53 = tpu.memref_slice %arg3[%add3A, %dma_start3A_51, %dma_start3A_52] : memref<32x79x128xi32, #tpu.memory_space<hbm>> -> memref<1x40x128xi32, #tpu.memory_space<hbm>>
      %dma_start3A_54 = tpu.memref_squeeze %dma_start3A_53 : memref<1x40x128xi32, #tpu.memory_space<hbm>> -> memref<40x128xi32, #tpu.memory_space<hbm>>
      %dma_start3A_55 = arith.constant 0 : i32
      %dma_start3A_56 = arith.constant 0 : i32
      %dma_start3A_57 = tpu.memref_slice %arg7[%dma_start3A_55, %dma_start3A_56] : memref<40x128xi32, #tpu.memory_space<vmem>> -> memref<40x128xi32, #tpu.memory_space<vmem>>
      %dma_start3A_58 = arith.constant 0 : i32
      %dma_start3A_59 = arith.constant 0 : i32
      %dma_start3A_60 = tpu.memref_slice %arg3[%add3A, %dma_start3A_58, %dma_start3A_59] : memref<32x79x128xi32, #tpu.memory_space<hbm>> -> memref<1x40x128xi32, #tpu.memory_space<hbm>>
      %dma_start3A_61 = tpu.memref_squeeze %dma_start3A_60 : memref<1x40x128xi32, #tpu.memory_space<hbm>> -> memref<40x128xi32, #tpu.memory_space<hbm>>
      tpu.enqueue_dma source(%dma_start3A_61 : memref<40x128xi32, #tpu.memory_space<hbm>>) target(%dma_start3A_57 : memref<40x128xi32, #tpu.memory_space<vmem>>) target_semaphore(%run_scoped3A_47 : memref<!tpu.dma_semaphore, #tpu.memory_space<semaphore_mem>>)
      %dma_wait3A_62 = arith.constant 0 : i32
      %dma_wait3A_63 = arith.constant 0 : i32
      %dma_wait3A_64 = tpu.memref_slice %arg7[%dma_wait3A_62, %dma_wait3A_63] : memref<40x128xi32, #tpu.memory_space<vmem>> -> memref<40x128xi32, #tpu.memory_space<vmem>>
      %dma_wait3A_65 = arith.constant 0 : i32
      %dma_wait3A_66 = arith.constant 0 : i32
      %dma_wait3A_67 = tpu.memref_slice %arg3[%add3A, %dma_wait3A_65, %dma_wait3A_66] : memref<32x79x128xi32, #tpu.memory_space<hbm>> -> memref<1x40x128xi32, #tpu.memory_space<hbm>>
      %dma_wait3A_68 = tpu.memref_squeeze %dma_wait3A_67 : memref<1x40x128xi32, #tpu.memory_space<hbm>> -> memref<40x128xi32, #tpu.memory_space<hbm>>
      %dma_wait3A_69 = arith.constant 0 : i32
      %dma_wait3A_70 = arith.constant 0 : i32
      %dma_wait3A_71 = tpu.memref_slice %arg7[%dma_wait3A_69, %dma_wait3A_70] : memref<40x128xi32, #tpu.memory_space<vmem>> -> memref<40x128xi32, #tpu.memory_space<vmem>>
      %dma_wait3A_72 = arith.constant 0 : i32
      %dma_wait3A_73 = arith.constant 0 : i32
      %dma_wait3A_74 = tpu.memref_slice %arg3[%add3A, %dma_wait3A_72, %dma_wait3A_73] : memref<32x79x128xi32, #tpu.memory_space<hbm>> -> memref<1x40x128xi32, #tpu.memory_space<hbm>>
      %dma_wait3A_75 = tpu.memref_squeeze %dma_wait3A_74 : memref<1x40x128xi32, #tpu.memory_space<hbm>> -> memref<40x128xi32, #tpu.memory_space<hbm>>
      tpu.wait_dma2 semaphore(%run_scoped3A_47 : memref<!tpu.dma_semaphore, #tpu.memory_space<semaphore_mem>>) src(%dma_wait3A_75 : memref<40x128xi32, #tpu.memory_space<hbm>>) dst(%dma_wait3A_71 : memref<40x128xi32, #tpu.memory_space<vmem>>)
      tpu.yield
    }) : () -> ()
    "tpu.region"() ({
      %run_scoped3A_47 = tpu.sem_alloc : memref<!tpu.dma_semaphore, #tpu.memory_space<semaphore_mem>>
      %dma_start3A_48 = arith.constant 0 : i32
      %dma_start3A_49 = arith.constant 0 : i32
      %dma_start3A_50 = tpu.memref_slice %arg8[%dma_start3A_48, %dma_start3A_49] : memref<40x128xi32, #tpu.memory_space<vmem>> -> memref<40x128xi32, #tpu.memory_space<vmem>>
      %dma_start3A_51 = arith.constant 0 : i32
      %dma_start3A_52 = arith.constant 0 : i32
      %dma_start3A_53 = tpu.memref_slice %arg4[%add3A, %dma_start3A_51, %dma_start3A_52] : memref<32x79x128xi32, #tpu.memory_space<hbm>> -> memref<1x40x128xi32, #tpu.memory_space<hbm>>
      %dma_start3A_54 = tpu.memref_squeeze %dma_start3A_53 : memref<1x40x128xi32, #tpu.memory_space<hbm>> -> memref<40x128xi32, #tpu.memory_space<hbm>>
      %dma_start3A_55 = arith.constant 0 : i32
      %dma_start3A_56 = arith.constant 0 : i32
      %dma_start3A_57 = tpu.memref_slice %arg8[%dma_start3A_55, %dma_start3A_56] : memref<40x128xi32, #tpu.memory_space<vmem>> -> memref<40x128xi32, #tpu.memory_space<vmem>>
      %dma_start3A_58 = arith.constant 0 : i32
      %dma_start3A_59 = arith.constant 0 : i32
      %dma_start3A_60 = tpu.memref_slice %arg4[%add3A, %dma_start3A_58, %dma_start3A_59] : memref<32x79x128xi32, #tpu.memory_space<hbm>> -> memref<1x40x128xi32, #tpu.memory_space<hbm>>
      %dma_start3A_61 = tpu.memref_squeeze %dma_start3A_60 : memref<1x40x128xi32, #tpu.memory_space<hbm>> -> memref<40x128xi32, #tpu.memory_space<hbm>>
      tpu.enqueue_dma source(%dma_start3A_61 : memref<40x128xi32, #tpu.memory_space<hbm>>) target(%dma_start3A_57 : memref<40x128xi32, #tpu.memory_space<vmem>>) target_semaphore(%run_scoped3A_47 : memref<!tpu.dma_semaphore, #tpu.memory_space<semaphore_mem>>)
      %dma_wait3A_62 = arith.constant 0 : i32
      %dma_wait3A_63 = arith.constant 0 : i32
      %dma_wait3A_64 = tpu.memref_slice %arg8[%dma_wait3A_62, %dma_wait3A_63] : memref<40x128xi32, #tpu.memory_space<vmem>> -> memref<40x128xi32, #tpu.memory_space<vmem>>
      %dma_wait3A_65 = arith.constant 0 : i32
      %dma_wait3A_66 = arith.constant 0 : i32
      %dma_wait3A_67 = tpu.memref_slice %arg4[%add3A, %dma_wait3A_65, %dma_wait3A_66] : memref<32x79x128xi32, #tpu.memory_space<hbm>> -> memref<1x40x128xi32, #tpu.memory_space<hbm>>
      %dma_wait3A_68 = tpu.memref_squeeze %dma_wait3A_67 : memref<1x40x128xi32, #tpu.memory_space<hbm>> -> memref<40x128xi32, #tpu.memory_space<hbm>>
      %dma_wait3A_69 = arith.constant 0 : i32
      %dma_wait3A_70 = arith.constant 0 : i32
      %dma_wait3A_71 = tpu.memref_slice %arg8[%dma_wait3A_69, %dma_wait3A_70] : memref<40x128xi32, #tpu.memory_space<vmem>> -> memref<40x128xi32, #tpu.memory_space<vmem>>
      %dma_wait3A_72 = arith.constant 0 : i32
      %dma_wait3A_73 = arith.constant 0 : i32
      %dma_wait3A_74 = tpu.memref_slice %arg4[%add3A, %dma_wait3A_72, %dma_wait3A_73] : memref<32x79x128xi32, #tpu.memory_space<hbm>> -> memref<1x40x128xi32, #tpu.memory_space<hbm>>
      %dma_wait3A_75 = tpu.memref_squeeze %dma_wait3A_74 : memref<1x40x128xi32, #tpu.memory_space<hbm>> -> memref<40x128xi32, #tpu.memory_space<hbm>>
      tpu.wait_dma2 semaphore(%run_scoped3A_47 : memref<!tpu.dma_semaphore, #tpu.memory_space<semaphore_mem>>) src(%dma_wait3A_75 : memref<40x128xi32, #tpu.memory_space<hbm>>) dst(%dma_wait3A_71 : memref<40x128xi32, #tpu.memory_space<vmem>>)
      tpu.yield
    }) : () -> ()
    %dma_start3A = arith.constant 0 : i32
    %dma_start3A_9 = arith.constant 0 : i32
    %dma_start3A_10 = tpu.memref_slice %arg7[%dma_start3A, %dma_start3A_9] : memref<40x128xi32, #tpu.memory_space<vmem>> -> memref<1x128xi32, #tpu.memory_space<vmem>>
    %dma_start3A_11 = tpu.memref_squeeze %dma_start3A_10 : memref<1x128xi32, #tpu.memory_space<vmem>> -> memref<128xi32, #tpu.memory_space<vmem>>
    %dma_start3A_12 = arith.constant 0 : i32
    %dma_start3A_13 = arith.constant 0 : i32
    %dma_start3A_14 = tpu.memref_slice %arg2[%dma_start3A_12, %dma_start3A_13] : memref<10240x128xf32, #tpu.memory_space<hbm>> -> memref<10240x128xf32, #tpu.memory_space<hbm>>
    tpu.enqueue_indirect_dma source(%dma_start3A_14 : memref<10240x128xf32, #tpu.memory_space<hbm>>) target(%arg9 : memref<128x128xf32, #tpu.memory_space<vmem>>) offsets(%dma_start3A_11 : memref<128xi32, #tpu.memory_space<vmem>>) semaphore(%arg11 : memref<!tpu.dma_semaphore, #tpu.memory_space<semaphore_mem>>)
    %scan3A = arith.constant 0 : i32
    %scan3A_15 = arith.constant 0 : i32
    %scan3A_16 = arith.constant 20 : i32
    %scan3A_17 = arith.addi %scan3A_15, %scan3A_16 : i32
    %scan3A_18 = arith.constant 1 : i32
    scf.for %scan3A_47 = %scan3A_15 to %scan3A_17 step %scan3A_18  : i32 {
      %mul3A_48 = arith.constant 2 : i32
      %mul3A_49 = arith.muli %mul3A_48, %scan3A_47 : i32
      %add3A_50 = arith.constant 1 : i32
      %add3A_51 = arith.addi %mul3A_49, %add3A_50 : i32
      %dma_start3A_52 = arith.constant 0 : i32
      %dma_start3A_53 = tpu.memref_slice %arg7[%add3A_51, %dma_start3A_52] : memref<40x128xi32, #tpu.memory_space<vmem>> -> memref<1x128xi32, #tpu.memory_space<vmem>>
      %dma_start3A_54 = tpu.memref_squeeze %dma_start3A_53 : memref<1x128xi32, #tpu.memory_space<vmem>> -> memref<128xi32, #tpu.memory_space<vmem>>
      %dma_start3A_55 = arith.constant 0 : i32
      %dma_start3A_56 = arith.constant 0 : i32
      %dma_start3A_57 = tpu.memref_slice %arg2[%dma_start3A_55, %dma_start3A_56] : memref<10240x128xf32, #tpu.memory_space<hbm>> -> memref<10240x128xf32, #tpu.memory_space<hbm>>
      tpu.enqueue_indirect_dma source(%dma_start3A_57 : memref<10240x128xf32, #tpu.memory_space<hbm>>) target(%arg10 : memref<128x128xf32, #tpu.memory_space<vmem>>) offsets(%dma_start3A_54 : memref<128xi32, #tpu.memory_space<vmem>>) semaphore(%arg12 : memref<!tpu.dma_semaphore, #tpu.memory_space<semaphore_mem>>)
      %dma_wait3A_58 = arith.constant 0 : i32
      %dma_wait3A_59 = arith.constant 0 : i32
      %dma_wait3A_60 = tpu.memref_slice %arg7[%dma_wait3A_58, %dma_wait3A_59] : memref<40x128xi32, #tpu.memory_space<vmem>> -> memref<1x128xi32, #tpu.memory_space<vmem>>
      %dma_wait3A_61 = tpu.memref_squeeze %dma_wait3A_60 : memref<1x128xi32, #tpu.memory_space<vmem>> -> memref<128xi32, #tpu.memory_space<vmem>>
      %dma_wait3A_62 = arith.constant 0 : i32
      %dma_wait3A_63 = arith.constant 0 : i32
      %dma_wait3A_64 = tpu.memref_slice %arg2[%dma_wait3A_62, %dma_wait3A_63] : memref<10240x128xf32, #tpu.memory_space<hbm>> -> memref<10240x128xf32, #tpu.memory_space<hbm>>
      tpu.wait_indirect_dma semaphore(%arg11 : memref<!tpu.dma_semaphore, #tpu.memory_space<semaphore_mem>>) src(%dma_wait3A_64 : memref<10240x128xf32, #tpu.memory_space<hbm>>) dst(%arg9 : memref<128x128xf32, #tpu.memory_space<vmem>>)
      "tpu.region"() ({
        %run_scoped3A_83 = tpu.sem_alloc : memref<!tpu.dma_semaphore, #tpu.memory_space<semaphore_mem>>
        %dma_start3A_84 = arith.constant 0 : i32
        %dma_start3A_85 = tpu.memref_slice %arg8[%mul3A_49, %dma_start3A_84] : memref<40x128xi32, #tpu.memory_space<vmem>> -> memref<1x128xi32, #tpu.memory_space<vmem>>
        %dma_start3A_86 = tpu.memref_squeeze %dma_start3A_85 : memref<1x128xi32, #tpu.memory_space<vmem>> -> memref<128xi32, #tpu.memory_space<vmem>>
        %dma_start3A_87 = arith.constant 0 : i32
        %dma_start3A_88 = arith.constant 0 : i32
        %dma_start3A_89 = tpu.memref_slice %arg6[%dma_start3A_87, %dma_start3A_88] : memref<10240x128xf32, #tpu.memory_space<vmem_shared>> -> memref<10240x128xf32, #tpu.memory_space<vmem_shared>>
        tpu.enqueue_indirect_dma source(%arg9 : memref<128x128xf32, #tpu.memory_space<vmem>>) target(%dma_start3A_89 : memref<10240x128xf32, #tpu.memory_space<vmem_shared>>) offsets(%dma_start3A_86 : memref<128xi32, #tpu.memory_space<vmem>>) semaphore(%run_scoped3A_83 : memref<!tpu.dma_semaphore, #tpu.memory_space<semaphore_mem>>) {add = true}
        %dma_wait3A_90 = arith.constant 0 : i32
        %dma_wait3A_91 = tpu.memref_slice %arg8[%mul3A_49, %dma_wait3A_90] : memref<40x128xi32, #tpu.memory_space<vmem>> -> memref<1x128xi32, #tpu.memory_space<vmem>>
        %dma_wait3A_92 = tpu.memref_squeeze %dma_wait3A_91 : memref<1x128xi32, #tpu.memory_space<vmem>> -> memref<128xi32, #tpu.memory_space<vmem>>
        %dma_wait3A_93 = arith.constant 0 : i32
        %dma_wait3A_94 = arith.constant 0 : i32
        %dma_wait3A_95 = tpu.memref_slice %arg6[%dma_wait3A_93, %dma_wait3A_94] : memref<10240x128xf32, #tpu.memory_space<vmem_shared>> -> memref<10240x128xf32, #tpu.memory_space<vmem_shared>>
        tpu.wait_indirect_dma semaphore(%run_scoped3A_83 : memref<!tpu.dma_semaphore, #tpu.memory_space<semaphore_mem>>) src(%arg9 : memref<128x128xf32, #tpu.memory_space<vmem>>) dst(%dma_wait3A_95 : memref<10240x128xf32, #tpu.memory_space<vmem_shared>>)
        tpu.yield
      }) : () -> ()
      %add3A_65 = arith.constant 2 : i32
      %add3A_66 = arith.addi %mul3A_49, %add3A_65 : i32
      %min3A = arith.constant 39 : i32
      %min3A_67 = arith.minsi %add3A_66, %min3A : i32
      %dma_start3A_68 = arith.constant 0 : i32
      %dma_start3A_69 = tpu.memref_slice %arg7[%min3A_67, %dma_start3A_68] : memref<40x128xi32, #tpu.memory_space<vmem>> -> memref<1x128xi32, #tpu.memory_space<vmem>>
      %dma_start3A_70 = tpu.memref_squeeze %dma_start3A_69 : memref<1x128xi32, #tpu.memory_space<vmem>> -> memref<128xi32, #tpu.memory_space<vmem>>
      %dma_start3A_71 = arith.constant 0 : i32
      %dma_start3A_72 = arith.constant 0 : i32
      %dma_start3A_73 = tpu.memref_slice %arg2[%dma_start3A_71, %dma_start3A_72] : memref<10240x128xf32, #tpu.memory_space<hbm>> -> memref<10240x128xf32, #tpu.memory_space<hbm>>
      tpu.enqueue_indirect_dma source(%dma_start3A_73 : memref<10240x128xf32, #tpu.memory_space<hbm>>) target(%arg9 : memref<128x128xf32, #tpu.memory_space<vmem>>) offsets(%dma_start3A_70 : memref<128xi32, #tpu.memory_space<vmem>>) semaphore(%arg11 : memref<!tpu.dma_semaphore, #tpu.memory_space<semaphore_mem>>)
      %dma_wait3A_74 = arith.constant 0 : i32
      %dma_wait3A_75 = arith.constant 0 : i32
      %dma_wait3A_76 = tpu.memref_slice %arg7[%dma_wait3A_74, %dma_wait3A_75] : memref<40x128xi32, #tpu.memory_space<vmem>> -> memref<1x128xi32, #tpu.memory_space<vmem>>
      %dma_wait3A_77 = tpu.memref_squeeze %dma_wait3A_76 : memref<1x128xi32, #tpu.memory_space<vmem>> -> memref<128xi32, #tpu.memory_space<vmem>>
      %dma_wait3A_78 = arith.constant 0 : i32
      %dma_wait3A_79 = arith.constant 0 : i32
      %dma_wait3A_80 = tpu.memref_slice %arg2[%dma_wait3A_78, %dma_wait3A_79] : memref<10240x128xf32, #tpu.memory_space<hbm>> -> memref<10240x128xf32, #tpu.memory_space<hbm>>
      tpu.wait_indirect_dma semaphore(%arg12 : memref<!tpu.dma_semaphore, #tpu.memory_space<semaphore_mem>>) src(%dma_wait3A_80 : memref<10240x128xf32, #tpu.memory_space<hbm>>) dst(%arg10 : memref<128x128xf32, #tpu.memory_space<vmem>>)
      %add3A_81 = arith.constant 1 : i32
      %add3A_82 = arith.addi %mul3A_49, %add3A_81 : i32
      "tpu.region"() ({
        %run_scoped3A_83 = tpu.sem_alloc : memref<!tpu.dma_semaphore, #tpu.memory_space<semaphore_mem>>
        %dma_start3A_84 = arith.constant 0 : i32
        %dma_start3A_85 = tpu.memref_slice %arg8[%add3A_82, %dma_start3A_84] : memref<40x128xi32, #tpu.memory_space<vmem>> -> memref<1x128xi32, #tpu.memory_space<vmem>>
        %dma_start3A_86 = tpu.memref_squeeze %dma_start3A_85 : memref<1x128xi32, #tpu.memory_space<vmem>> -> memref<128xi32, #tpu.memory_space<vmem>>
        %dma_start3A_87 = arith.constant 0 : i32
        %dma_start3A_88 = arith.constant 0 : i32
        %dma_start3A_89 = tpu.memref_slice %arg6[%dma_start3A_87, %dma_start3A_88] : memref<10240x128xf32, #tpu.memory_space<vmem_shared>> -> memref<10240x128xf32, #tpu.memory_space<vmem_shared>>
        tpu.enqueue_indirect_dma source(%arg10 : memref<128x128xf32, #tpu.memory_space<vmem>>) target(%dma_start3A_89 : memref<10240x128xf32, #tpu.memory_space<vmem_shared>>) offsets(%dma_start3A_86 : memref<128xi32, #tpu.memory_space<vmem>>) semaphore(%run_scoped3A_83 : memref<!tpu.dma_semaphore, #tpu.memory_space<semaphore_mem>>) {add = true}
        %dma_wait3A_90 = arith.constant 0 : i32
        %dma_wait3A_91 = tpu.memref_slice %arg8[%add3A_82, %dma_wait3A_90] : memref<40x128xi32, #tpu.memory_space<vmem>> -> memref<1x128xi32, #tpu.memory_space<vmem>>
        %dma_wait3A_92 = tpu.memref_squeeze %dma_wait3A_91 : memref<1x128xi32, #tpu.memory_space<vmem>> -> memref<128xi32, #tpu.memory_space<vmem>>
        %dma_wait3A_93 = arith.constant 0 : i32
        %dma_wait3A_94 = arith.constant 0 : i32
        %dma_wait3A_95 = tpu.memref_slice %arg6[%dma_wait3A_93, %dma_wait3A_94] : memref<10240x128xf32, #tpu.memory_space<vmem_shared>> -> memref<10240x128xf32, #tpu.memory_space<vmem_shared>>
        tpu.wait_indirect_dma semaphore(%run_scoped3A_83 : memref<!tpu.dma_semaphore, #tpu.memory_space<semaphore_mem>>) src(%arg10 : memref<128x128xf32, #tpu.memory_space<vmem>>) dst(%dma_wait3A_95 : memref<10240x128xf32, #tpu.memory_space<vmem_shared>>)
        tpu.yield
      }) : () -> ()
    }
    %scan3A_19 = arith.constant 20 : i32
    %dma_wait3A = arith.constant 0 : i32
    %dma_wait3A_20 = arith.constant 0 : i32
    %dma_wait3A_21 = tpu.memref_slice %arg7[%dma_wait3A, %dma_wait3A_20] : memref<40x128xi32, #tpu.memory_space<vmem>> -> memref<1x128xi32, #tpu.memory_space<vmem>>
    %dma_wait3A_22 = tpu.memref_squeeze %dma_wait3A_21 : memref<1x128xi32, #tpu.memory_space<vmem>> -> memref<128xi32, #tpu.memory_space<vmem>>
    %dma_wait3A_23 = arith.constant 0 : i32
    %dma_wait3A_24 = arith.constant 0 : i32
    %dma_wait3A_25 = tpu.memref_slice %arg2[%dma_wait3A_23, %dma_wait3A_24] : memref<10240x128xf32, #tpu.memory_space<hbm>> -> memref<10240x128xf32, #tpu.memory_space<hbm>>
    tpu.wait_indirect_dma semaphore(%arg11 : memref<!tpu.dma_semaphore, #tpu.memory_space<semaphore_mem>>) src(%dma_wait3A_25 : memref<10240x128xf32, #tpu.memory_space<hbm>>) dst(%arg9 : memref<128x128xf32, #tpu.memory_space<vmem>>)
    "tpu.region"() ({
      %run_scoped3A_47 = tpu.sem_alloc : memref<!tpu.dma_semaphore, #tpu.memory_space<semaphore_mem>>
      %dma_start3A_48 = arith.constant 0 : i32
      %dma_start3A_49 = arith.constant 0 : i32
      %dma_start3A_50 = tpu.memref_slice %arg7[%dma_start3A_48, %dma_start3A_49] : memref<40x128xi32, #tpu.memory_space<vmem>> -> memref<39x128xi32, #tpu.memory_space<vmem>>
      %dma_start3A_51 = arith.constant 40 : i32
      %dma_start3A_52 = arith.constant 0 : i32
      %dma_start3A_53 = tpu.memref_slice %arg3[%add3A, %dma_start3A_51, %dma_start3A_52] : memref<32x79x128xi32, #tpu.memory_space<hbm>> -> memref<1x39x128xi32, #tpu.memory_space<hbm>>
      %dma_start3A_54 = tpu.memref_squeeze %dma_start3A_53 : memref<1x39x128xi32, #tpu.memory_space<hbm>> -> memref<39x128xi32, #tpu.memory_space<hbm>>
      %dma_start3A_55 = arith.constant 0 : i32
      %dma_start3A_56 = arith.constant 0 : i32
      %dma_start3A_57 = tpu.memref_slice %arg7[%dma_start3A_55, %dma_start3A_56] : memref<40x128xi32, #tpu.memory_space<vmem>> -> memref<39x128xi32, #tpu.memory_space<vmem>>
      %dma_start3A_58 = arith.constant 40 : i32
      %dma_start3A_59 = arith.constant 0 : i32
      %dma_start3A_60 = tpu.memref_slice %arg3[%add3A, %dma_start3A_58, %dma_start3A_59] : memref<32x79x128xi32, #tpu.memory_space<hbm>> -> memref<1x39x128xi32, #tpu.memory_space<hbm>>
      %dma_start3A_61 = tpu.memref_squeeze %dma_start3A_60 : memref<1x39x128xi32, #tpu.memory_space<hbm>> -> memref<39x128xi32, #tpu.memory_space<hbm>>
      tpu.enqueue_dma source(%dma_start3A_61 : memref<39x128xi32, #tpu.memory_space<hbm>>) target(%dma_start3A_57 : memref<39x128xi32, #tpu.memory_space<vmem>>) target_semaphore(%run_scoped3A_47 : memref<!tpu.dma_semaphore, #tpu.memory_space<semaphore_mem>>)
      %dma_wait3A_62 = arith.constant 0 : i32
      %dma_wait3A_63 = arith.constant 0 : i32
      %dma_wait3A_64 = tpu.memref_slice %arg7[%dma_wait3A_62, %dma_wait3A_63] : memref<40x128xi32, #tpu.memory_space<vmem>> -> memref<39x128xi32, #tpu.memory_space<vmem>>
      %dma_wait3A_65 = arith.constant 40 : i32
      %dma_wait3A_66 = arith.constant 0 : i32
      %dma_wait3A_67 = tpu.memref_slice %arg3[%add3A, %dma_wait3A_65, %dma_wait3A_66] : memref<32x79x128xi32, #tpu.memory_space<hbm>> -> memref<1x39x128xi32, #tpu.memory_space<hbm>>
      %dma_wait3A_68 = tpu.memref_squeeze %dma_wait3A_67 : memref<1x39x128xi32, #tpu.memory_space<hbm>> -> memref<39x128xi32, #tpu.memory_space<hbm>>
      %dma_wait3A_69 = arith.constant 0 : i32
      %dma_wait3A_70 = arith.constant 0 : i32
      %dma_wait3A_71 = tpu.memref_slice %arg7[%dma_wait3A_69, %dma_wait3A_70] : memref<40x128xi32, #tpu.memory_space<vmem>> -> memref<39x128xi32, #tpu.memory_space<vmem>>
      %dma_wait3A_72 = arith.constant 40 : i32
      %dma_wait3A_73 = arith.constant 0 : i32
      %dma_wait3A_74 = tpu.memref_slice %arg3[%add3A, %dma_wait3A_72, %dma_wait3A_73] : memref<32x79x128xi32, #tpu.memory_space<hbm>> -> memref<1x39x128xi32, #tpu.memory_space<hbm>>
      %dma_wait3A_75 = tpu.memref_squeeze %dma_wait3A_74 : memref<1x39x128xi32, #tpu.memory_space<hbm>> -> memref<39x128xi32, #tpu.memory_space<hbm>>
      tpu.wait_dma2 semaphore(%run_scoped3A_47 : memref<!tpu.dma_semaphore, #tpu.memory_space<semaphore_mem>>) src(%dma_wait3A_75 : memref<39x128xi32, #tpu.memory_space<hbm>>) dst(%dma_wait3A_71 : memref<39x128xi32, #tpu.memory_space<vmem>>)
      tpu.yield
    }) : () -> ()
    "tpu.region"() ({
      %run_scoped3A_47 = tpu.sem_alloc : memref<!tpu.dma_semaphore, #tpu.memory_space<semaphore_mem>>
      %dma_start3A_48 = arith.constant 0 : i32
      %dma_start3A_49 = arith.constant 0 : i32
      %dma_start3A_50 = tpu.memref_slice %arg8[%dma_start3A_48, %dma_start3A_49] : memref<40x128xi32, #tpu.memory_space<vmem>> -> memref<39x128xi32, #tpu.memory_space<vmem>>
      %dma_start3A_51 = arith.constant 40 : i32
      %dma_start3A_52 = arith.constant 0 : i32
      %dma_start3A_53 = tpu.memref_slice %arg4[%add3A, %dma_start3A_51, %dma_start3A_52] : memref<32x79x128xi32, #tpu.memory_space<hbm>> -> memref<1x39x128xi32, #tpu.memory_space<hbm>>
      %dma_start3A_54 = tpu.memref_squeeze %dma_start3A_53 : memref<1x39x128xi32, #tpu.memory_space<hbm>> -> memref<39x128xi32, #tpu.memory_space<hbm>>
      %dma_start3A_55 = arith.constant 0 : i32
      %dma_start3A_56 = arith.constant 0 : i32
      %dma_start3A_57 = tpu.memref_slice %arg8[%dma_start3A_55, %dma_start3A_56] : memref<40x128xi32, #tpu.memory_space<vmem>> -> memref<39x128xi32, #tpu.memory_space<vmem>>
      %dma_start3A_58 = arith.constant 40 : i32
      %dma_start3A_59 = arith.constant 0 : i32
      %dma_start3A_60 = tpu.memref_slice %arg4[%add3A, %dma_start3A_58, %dma_start3A_59] : memref<32x79x128xi32, #tpu.memory_space<hbm>> -> memref<1x39x128xi32, #tpu.memory_space<hbm>>
      %dma_start3A_61 = tpu.memref_squeeze %dma_start3A_60 : memref<1x39x128xi32, #tpu.memory_space<hbm>> -> memref<39x128xi32, #tpu.memory_space<hbm>>
      tpu.enqueue_dma source(%dma_start3A_61 : memref<39x128xi32, #tpu.memory_space<hbm>>) target(%dma_start3A_57 : memref<39x128xi32, #tpu.memory_space<vmem>>) target_semaphore(%run_scoped3A_47 : memref<!tpu.dma_semaphore, #tpu.memory_space<semaphore_mem>>)
      %dma_wait3A_62 = arith.constant 0 : i32
      %dma_wait3A_63 = arith.constant 0 : i32
      %dma_wait3A_64 = tpu.memref_slice %arg8[%dma_wait3A_62, %dma_wait3A_63] : memref<40x128xi32, #tpu.memory_space<vmem>> -> memref<39x128xi32, #tpu.memory_space<vmem>>
      %dma_wait3A_65 = arith.constant 40 : i32
      %dma_wait3A_66 = arith.constant 0 : i32
      %dma_wait3A_67 = tpu.memref_slice %arg4[%add3A, %dma_wait3A_65, %dma_wait3A_66] : memref<32x79x128xi32, #tpu.memory_space<hbm>> -> memref<1x39x128xi32, #tpu.memory_space<hbm>>
      %dma_wait3A_68 = tpu.memref_squeeze %dma_wait3A_67 : memref<1x39x128xi32, #tpu.memory_space<hbm>> -> memref<39x128xi32, #tpu.memory_space<hbm>>
      %dma_wait3A_69 = arith.constant 0 : i32
      %dma_wait3A_70 = arith.constant 0 : i32
      %dma_wait3A_71 = tpu.memref_slice %arg8[%dma_wait3A_69, %dma_wait3A_70] : memref<40x128xi32, #tpu.memory_space<vmem>> -> memref<39x128xi32, #tpu.memory_space<vmem>>
      %dma_wait3A_72 = arith.constant 40 : i32
      %dma_wait3A_73 = arith.constant 0 : i32
      %dma_wait3A_74 = tpu.memref_slice %arg4[%add3A, %dma_wait3A_72, %dma_wait3A_73] : memref<32x79x128xi32, #tpu.memory_space<hbm>> -> memref<1x39x128xi32, #tpu.memory_space<hbm>>
      %dma_wait3A_75 = tpu.memref_squeeze %dma_wait3A_74 : memref<1x39x128xi32, #tpu.memory_space<hbm>> -> memref<39x128xi32, #tpu.memory_space<hbm>>
      tpu.wait_dma2 semaphore(%run_scoped3A_47 : memref<!tpu.dma_semaphore, #tpu.memory_space<semaphore_mem>>) src(%dma_wait3A_75 : memref<39x128xi32, #tpu.memory_space<hbm>>) dst(%dma_wait3A_71 : memref<39x128xi32, #tpu.memory_space<vmem>>)
      tpu.yield
    }) : () -> ()
    %dma_start3A_26 = arith.constant 0 : i32
    %dma_start3A_27 = arith.constant 0 : i32
    %dma_start3A_28 = tpu.memref_slice %arg7[%dma_start3A_26, %dma_start3A_27] : memref<40x128xi32, #tpu.memory_space<vmem>> -> memref<1x128xi32, #tpu.memory_space<vmem>>
    %dma_start3A_29 = tpu.memref_squeeze %dma_start3A_28 : memref<1x128xi32, #tpu.memory_space<vmem>> -> memref<128xi32, #tpu.memory_space<vmem>>
    %dma_start3A_30 = arith.constant 0 : i32
    %dma_start3A_31 = arith.constant 0 : i32
    %dma_start3A_32 = tpu.memref_slice %arg2[%dma_start3A_30, %dma_start3A_31] : memref<10240x128xf32, #tpu.memory_space<hbm>> -> memref<10240x128xf32, #tpu.memory_space<hbm>>
    tpu.enqueue_indirect_dma source(%dma_start3A_32 : memref<10240x128xf32, #tpu.memory_space<hbm>>) target(%arg9 : memref<128x128xf32, #tpu.memory_space<vmem>>) offsets(%dma_start3A_29 : memref<128xi32, #tpu.memory_space<vmem>>) semaphore(%arg11 : memref<!tpu.dma_semaphore, #tpu.memory_space<semaphore_mem>>)
    %scan3A_33 = arith.constant 0 : i32
    %scan3A_34 = arith.constant 0 : i32
    %scan3A_35 = arith.constant 19 : i32
    %scan3A_36 = arith.addi %scan3A_34, %scan3A_35 : i32
    %scan3A_37 = arith.constant 1 : i32
    scf.for %scan3A_47 = %scan3A_34 to %scan3A_36 step %scan3A_37  : i32 {
      %mul3A_48 = arith.constant 2 : i32
      %mul3A_49 = arith.muli %mul3A_48, %scan3A_47 : i32
      %add3A_50 = arith.constant 1 : i32
      %add3A_51 = arith.addi %mul3A_49, %add3A_50 : i32
      %dma_start3A_52 = arith.constant 0 : i32
      %dma_start3A_53 = tpu.memref_slice %arg7[%add3A_51, %dma_start3A_52] : memref<40x128xi32, #tpu.memory_space<vmem>> -> memref<1x128xi32, #tpu.memory_space<vmem>>
      %dma_start3A_54 = tpu.memref_squeeze %dma_start3A_53 : memref<1x128xi32, #tpu.memory_space<vmem>> -> memref<128xi32, #tpu.memory_space<vmem>>
      %dma_start3A_55 = arith.constant 0 : i32
      %dma_start3A_56 = arith.constant 0 : i32
      %dma_start3A_57 = tpu.memref_slice %arg2[%dma_start3A_55, %dma_start3A_56] : memref<10240x128xf32, #tpu.memory_space<hbm>> -> memref<10240x128xf32, #tpu.memory_space<hbm>>
      tpu.enqueue_indirect_dma source(%dma_start3A_57 : memref<10240x128xf32, #tpu.memory_space<hbm>>) target(%arg10 : memref<128x128xf32, #tpu.memory_space<vmem>>) offsets(%dma_start3A_54 : memref<128xi32, #tpu.memory_space<vmem>>) semaphore(%arg12 : memref<!tpu.dma_semaphore, #tpu.memory_space<semaphore_mem>>)
      %dma_wait3A_58 = arith.constant 0 : i32
      %dma_wait3A_59 = arith.constant 0 : i32
      %dma_wait3A_60 = tpu.memref_slice %arg7[%dma_wait3A_58, %dma_wait3A_59] : memref<40x128xi32, #tpu.memory_space<vmem>> -> memref<1x128xi32, #tpu.memory_space<vmem>>
      %dma_wait3A_61 = tpu.memref_squeeze %dma_wait3A_60 : memref<1x128xi32, #tpu.memory_space<vmem>> -> memref<128xi32, #tpu.memory_space<vmem>>
      %dma_wait3A_62 = arith.constant 0 : i32
      %dma_wait3A_63 = arith.constant 0 : i32
      %dma_wait3A_64 = tpu.memref_slice %arg2[%dma_wait3A_62, %dma_wait3A_63] : memref<10240x128xf32, #tpu.memory_space<hbm>> -> memref<10240x128xf32, #tpu.memory_space<hbm>>
      tpu.wait_indirect_dma semaphore(%arg11 : memref<!tpu.dma_semaphore, #tpu.memory_space<semaphore_mem>>) src(%dma_wait3A_64 : memref<10240x128xf32, #tpu.memory_space<hbm>>) dst(%arg9 : memref<128x128xf32, #tpu.memory_space<vmem>>)
      "tpu.region"() ({
        %run_scoped3A_83 = tpu.sem_alloc : memref<!tpu.dma_semaphore, #tpu.memory_space<semaphore_mem>>
        %dma_start3A_84 = arith.constant 0 : i32
        %dma_start3A_85 = tpu.memref_slice %arg8[%mul3A_49, %dma_start3A_84] : memref<40x128xi32, #tpu.memory_space<vmem>> -> memref<1x128xi32, #tpu.memory_space<vmem>>
        %dma_start3A_86 = tpu.memref_squeeze %dma_start3A_85 : memref<1x128xi32, #tpu.memory_space<vmem>> -> memref<128xi32, #tpu.memory_space<vmem>>
        %dma_start3A_87 = arith.constant 0 : i32
        %dma_start3A_88 = arith.constant 0 : i32
        %dma_start3A_89 = tpu.memref_slice %arg6[%dma_start3A_87, %dma_start3A_88] : memref<10240x128xf32, #tpu.memory_space<vmem_shared>> -> memref<10240x128xf32, #tpu.memory_space<vmem_shared>>
        tpu.enqueue_indirect_dma source(%arg9 : memref<128x128xf32, #tpu.memory_space<vmem>>) target(%dma_start3A_89 : memref<10240x128xf32, #tpu.memory_space<vmem_shared>>) offsets(%dma_start3A_86 : memref<128xi32, #tpu.memory_space<vmem>>) semaphore(%run_scoped3A_83 : memref<!tpu.dma_semaphore, #tpu.memory_space<semaphore_mem>>) {add = true}
        %dma_wait3A_90 = arith.constant 0 : i32
        %dma_wait3A_91 = tpu.memref_slice %arg8[%mul3A_49, %dma_wait3A_90] : memref<40x128xi32, #tpu.memory_space<vmem>> -> memref<1x128xi32, #tpu.memory_space<vmem>>
        %dma_wait3A_92 = tpu.memref_squeeze %dma_wait3A_91 : memref<1x128xi32, #tpu.memory_space<vmem>> -> memref<128xi32, #tpu.memory_space<vmem>>
        %dma_wait3A_93 = arith.constant 0 : i32
        %dma_wait3A_94 = arith.constant 0 : i32
        %dma_wait3A_95 = tpu.memref_slice %arg6[%dma_wait3A_93, %dma_wait3A_94] : memref<10240x128xf32, #tpu.memory_space<vmem_shared>> -> memref<10240x128xf32, #tpu.memory_space<vmem_shared>>
        tpu.wait_indirect_dma semaphore(%run_scoped3A_83 : memref<!tpu.dma_semaphore, #tpu.memory_space<semaphore_mem>>) src(%arg9 : memref<128x128xf32, #tpu.memory_space<vmem>>) dst(%dma_wait3A_95 : memref<10240x128xf32, #tpu.memory_space<vmem_shared>>)
        tpu.yield
      }) : () -> ()
      %add3A_65 = arith.constant 2 : i32
      %add3A_66 = arith.addi %mul3A_49, %add3A_65 : i32
      %min3A = arith.constant 38 : i32
      %min3A_67 = arith.minsi %add3A_66, %min3A : i32
      %dma_start3A_68 = arith.constant 0 : i32
      %dma_start3A_69 = tpu.memref_slice %arg7[%min3A_67, %dma_start3A_68] : memref<40x128xi32, #tpu.memory_space<vmem>> -> memref<1x128xi32, #tpu.memory_space<vmem>>
      %dma_start3A_70 = tpu.memref_squeeze %dma_start3A_69 : memref<1x128xi32, #tpu.memory_space<vmem>> -> memref<128xi32, #tpu.memory_space<vmem>>
      %dma_start3A_71 = arith.constant 0 : i32
      %dma_start3A_72 = arith.constant 0 : i32
      %dma_start3A_73 = tpu.memref_slice %arg2[%dma_start3A_71, %dma_start3A_72] : memref<10240x128xf32, #tpu.memory_space<hbm>> -> memref<10240x128xf32, #tpu.memory_space<hbm>>
      tpu.enqueue_indirect_dma source(%dma_start3A_73 : memref<10240x128xf32, #tpu.memory_space<hbm>>) target(%arg9 : memref<128x128xf32, #tpu.memory_space<vmem>>) offsets(%dma_start3A_70 : memref<128xi32, #tpu.memory_space<vmem>>) semaphore(%arg11 : memref<!tpu.dma_semaphore, #tpu.memory_space<semaphore_mem>>)
      %dma_wait3A_74 = arith.constant 0 : i32
      %dma_wait3A_75 = arith.constant 0 : i32
      %dma_wait3A_76 = tpu.memref_slice %arg7[%dma_wait3A_74, %dma_wait3A_75] : memref<40x128xi32, #tpu.memory_space<vmem>> -> memref<1x128xi32, #tpu.memory_space<vmem>>
      %dma_wait3A_77 = tpu.memref_squeeze %dma_wait3A_76 : memref<1x128xi32, #tpu.memory_space<vmem>> -> memref<128xi32, #tpu.memory_space<vmem>>
      %dma_wait3A_78 = arith.constant 0 : i32
      %dma_wait3A_79 = arith.constant 0 : i32
      %dma_wait3A_80 = tpu.memref_slice %arg2[%dma_wait3A_78, %dma_wait3A_79] : memref<10240x128xf32, #tpu.memory_space<hbm>> -> memref<10240x128xf32, #tpu.memory_space<hbm>>
      tpu.wait_indirect_dma semaphore(%arg12 : memref<!tpu.dma_semaphore, #tpu.memory_space<semaphore_mem>>) src(%dma_wait3A_80 : memref<10240x128xf32, #tpu.memory_space<hbm>>) dst(%arg10 : memref<128x128xf32, #tpu.memory_space<vmem>>)
      %add3A_81 = arith.constant 1 : i32
      %add3A_82 = arith.addi %mul3A_49, %add3A_81 : i32
      "tpu.region"() ({
        %run_scoped3A_83 = tpu.sem_alloc : memref<!tpu.dma_semaphore, #tpu.memory_space<semaphore_mem>>
        %dma_start3A_84 = arith.constant 0 : i32
        %dma_start3A_85 = tpu.memref_slice %arg8[%add3A_82, %dma_start3A_84] : memref<40x128xi32, #tpu.memory_space<vmem>> -> memref<1x128xi32, #tpu.memory_space<vmem>>
        %dma_start3A_86 = tpu.memref_squeeze %dma_start3A_85 : memref<1x128xi32, #tpu.memory_space<vmem>> -> memref<128xi32, #tpu.memory_space<vmem>>
        %dma_start3A_87 = arith.constant 0 : i32
        %dma_start3A_88 = arith.constant 0 : i32
        %dma_start3A_89 = tpu.memref_slice %arg6[%dma_start3A_87, %dma_start3A_88] : memref<10240x128xf32, #tpu.memory_space<vmem_shared>> -> memref<10240x128xf32, #tpu.memory_space<vmem_shared>>
        tpu.enqueue_indirect_dma source(%arg10 : memref<128x128xf32, #tpu.memory_space<vmem>>) target(%dma_start3A_89 : memref<10240x128xf32, #tpu.memory_space<vmem_shared>>) offsets(%dma_start3A_86 : memref<128xi32, #tpu.memory_space<vmem>>) semaphore(%run_scoped3A_83 : memref<!tpu.dma_semaphore, #tpu.memory_space<semaphore_mem>>) {add = true}
        %dma_wait3A_90 = arith.constant 0 : i32
        %dma_wait3A_91 = tpu.memref_slice %arg8[%add3A_82, %dma_wait3A_90] : memref<40x128xi32, #tpu.memory_space<vmem>> -> memref<1x128xi32, #tpu.memory_space<vmem>>
        %dma_wait3A_92 = tpu.memref_squeeze %dma_wait3A_91 : memref<1x128xi32, #tpu.memory_space<vmem>> -> memref<128xi32, #tpu.memory_space<vmem>>
        %dma_wait3A_93 = arith.constant 0 : i32
        %dma_wait3A_94 = arith.constant 0 : i32
        %dma_wait3A_95 = tpu.memref_slice %arg6[%dma_wait3A_93, %dma_wait3A_94] : memref<10240x128xf32, #tpu.memory_space<vmem_shared>> -> memref<10240x128xf32, #tpu.memory_space<vmem_shared>>
        tpu.wait_indirect_dma semaphore(%run_scoped3A_83 : memref<!tpu.dma_semaphore, #tpu.memory_space<semaphore_mem>>) src(%arg10 : memref<128x128xf32, #tpu.memory_space<vmem>>) dst(%dma_wait3A_95 : memref<10240x128xf32, #tpu.memory_space<vmem_shared>>)
        tpu.yield
      }) : () -> ()
    }
    %scan3A_38 = arith.constant 19 : i32
    %dma_wait3A_39 = arith.constant 0 : i32
    %dma_wait3A_40 = arith.constant 0 : i32
    %dma_wait3A_41 = tpu.memref_slice %arg7[%dma_wait3A_39, %dma_wait3A_40] : memref<40x128xi32, #tpu.memory_space<vmem>> -> memref<1x128xi32, #tpu.memory_space<vmem>>
    %dma_wait3A_42 = tpu.memref_squeeze %dma_wait3A_41 : memref<1x128xi32, #tpu.memory_space<vmem>> -> memref<128xi32, #tpu.memory_space<vmem>>
    %dma_wait3A_43 = arith.constant 0 : i32
    %dma_wait3A_44 = arith.constant 0 : i32
    %dma_wait3A_45 = tpu.memref_slice %arg2[%dma_wait3A_43, %dma_wait3A_44] : memref<10240x128xf32, #tpu.memory_space<hbm>> -> memref<10240x128xf32, #tpu.memory_space<hbm>>
    tpu.wait_indirect_dma semaphore(%arg11 : memref<!tpu.dma_semaphore, #tpu.memory_space<semaphore_mem>>) src(%dma_wait3A_45 : memref<10240x128xf32, #tpu.memory_space<hbm>>) dst(%arg9 : memref<128x128xf32, #tpu.memory_space<vmem>>)
    %run_scoped3A = arith.constant 38 : i32
    "tpu.region"() ({
      %run_scoped3A_47 = tpu.sem_alloc : memref<!tpu.dma_semaphore, #tpu.memory_space<semaphore_mem>>
      %dma_start3A_48 = arith.constant 0 : i32
      %dma_start3A_49 = tpu.memref_slice %arg8[%run_scoped3A, %dma_start3A_48] : memref<40x128xi32, #tpu.memory_space<vmem>> -> memref<1x128xi32, #tpu.memory_space<vmem>>
      %dma_start3A_50 = tpu.memref_squeeze %dma_start3A_49 : memref<1x128xi32, #tpu.memory_space<vmem>> -> memref<128xi32, #tpu.memory_space<vmem>>
      %dma_start3A_51 = arith.constant 0 : i32
      %dma_start3A_52 = arith.constant 0 : i32
      %dma_start3A_53 = tpu.memref_slice %arg6[%dma_start3A_51, %dma_start3A_52] : memref<10240x128xf32, #tpu.memory_space<vmem_shared>> -> memref<10240x128xf32, #tpu.memory_space<vmem_shared>>
      tpu.enqueue_indirect_dma source(%arg9 : memref<128x128xf32, #tpu.memory_space<vmem>>) target(%dma_start3A_53 : memref<10240x128xf32, #tpu.memory_space<vmem_shared>>) offsets(%dma_start3A_50 : memref<128xi32, #tpu.memory_space<vmem>>) semaphore(%run_scoped3A_47 : memref<!tpu.dma_semaphore, #tpu.memory_space<semaphore_mem>>) {add = true}
      %dma_wait3A_54 = arith.constant 0 : i32
      %dma_wait3A_55 = tpu.memref_slice %arg8[%run_scoped3A, %dma_wait3A_54] : memref<40x128xi32, #tpu.memory_space<vmem>> -> memref<1x128xi32, #tpu.memory_space<vmem>>
      %dma_wait3A_56 = tpu.memref_squeeze %dma_wait3A_55 : memref<1x128xi32, #tpu.memory_space<vmem>> -> memref<128xi32, #tpu.memory_space<vmem>>
      %dma_wait3A_57 = arith.constant 0 : i32
      %dma_wait3A_58 = arith.constant 0 : i32
      %dma_wait3A_59 = tpu.memref_slice %arg6[%dma_wait3A_57, %dma_wait3A_58] : memref<10240x128xf32, #tpu.memory_space<vmem_shared>> -> memref<10240x128xf32, #tpu.memory_space<vmem_shared>>
      tpu.wait_indirect_dma semaphore(%run_scoped3A_47 : memref<!tpu.dma_semaphore, #tpu.memory_space<semaphore_mem>>) src(%arg9 : memref<128x128xf32, #tpu.memory_space<vmem>>) dst(%dma_wait3A_59 : memref<10240x128xf32, #tpu.memory_space<vmem_shared>>)
      tpu.yield
    }) : () -> ()
    %barrier3A_46 = arith.constant 0 : index
    tpu.barrier barrier_id(%barrier3A_46)
    "tpu.region"() ({
      %run_scoped3A_47 = tpu.sem_alloc : memref<!tpu.dma_semaphore, #tpu.memory_space<semaphore_mem>>
      %dma_start3A_48 = arith.constant 0 : i32
      %dma_start3A_49 = tpu.memref_slice %arg5[%arg0, %mul3A_2, %dma_start3A_48] : memref<2x10240x128xf32, #tpu.memory_space<hbm>> -> memref<1x640x128xf32, #tpu.memory_space<hbm>>
      %dma_start3A_50 = tpu.memref_squeeze %dma_start3A_49 : memref<1x640x128xf32, #tpu.memory_space<hbm>> -> memref<640x128xf32, #tpu.memory_space<hbm>>
      %dma_start3A_51 = arith.constant 0 : i32
      %dma_start3A_52 = tpu.memref_slice %arg6[%mul3A_2, %dma_start3A_51] : memref<10240x128xf32, #tpu.memory_space<vmem_shared>> -> memref<640x128xf32, #tpu.memory_space<vmem_shared>>
      tpu.enqueue_dma source(%dma_start3A_52 : memref<640x128xf32, #tpu.memory_space<vmem_shared>>) target(%dma_start3A_50 : memref<640x128xf32, #tpu.memory_space<hbm>>) target_semaphore(%run_scoped3A_47 : memref<!tpu.dma_semaphore, #tpu.memory_space<semaphore_mem>>)
      %dma_wait3A_53 = arith.constant 0 : i32
      %dma_wait3A_54 = tpu.memref_slice %arg5[%arg0, %mul3A_2, %dma_wait3A_53] : memref<2x10240x128xf32, #tpu.memory_space<hbm>> -> memref<1x640x128xf32, #tpu.memory_space<hbm>>
      %dma_wait3A_55 = tpu.memref_squeeze %dma_wait3A_54 : memref<1x640x128xf32, #tpu.memory_space<hbm>> -> memref<640x128xf32, #tpu.memory_space<hbm>>
      %dma_wait3A_56 = arith.constant 0 : i32
      %dma_wait3A_57 = tpu.memref_slice %arg6[%mul3A_2, %dma_wait3A_56] : memref<10240x128xf32, #tpu.memory_space<vmem_shared>> -> memref<640x128xf32, #tpu.memory_space<vmem_shared>>
      tpu.wait_dma2 semaphore(%run_scoped3A_47 : memref<!tpu.dma_semaphore, #tpu.memory_space<semaphore_mem>>) src(%dma_wait3A_57 : memref<640x128xf32, #tpu.memory_space<vmem_shared>>) dst(%dma_wait3A_55 : memref<640x128xf32, #tpu.memory_space<hbm>>)
      tpu.yield
    }) : () -> ()
    return
  }
}

#map = affine_map<(d0, d1) -> (0, 0, 0)>
#map1 = affine_map<(d0, d1) -> (0, 0)>
module attributes {stable_mosaic.version = 14 : i64} {
  func.func @_deg_body(%arg0: i32, %arg1: i32, %arg2: memref<32x79x128xi32, #tpu.memory_space<hbm>>, %arg3: memref<2x10240xf32, #tpu.memory_space<hbm>>, %arg4: memref<10240xf32, #tpu.memory_space<vmem_shared>>, %arg5: memref<79x128xi32, #tpu.memory_space<vmem>>, %arg6: memref<128xf32, #tpu.memory_space<vmem>>, %arg7: memref<640xf32, #tpu.memory_space<vmem>>) attributes {dimension_semantics = [#tpu.dimension_semantics<core_parallel>, #tpu.dimension_semantics<subcore_parallel>], iteration_bounds = array<i64: 2, 16>, scalar_prefetch = 0 : i64, scratch_operands = 4 : i64, tpu.core_type = #tpu.core_type<sc_vector_subcore>, window_params = [{transform_indices = #map}, {transform_indices = #map1}]} {
    %mul3A = arith.constant 2 : i32
    %mul3A_0 = arith.muli %arg1, %mul3A : i32
    %add3A = arith.addi %mul3A_0, %arg0 : i32
    %broadcast_in_dim3A = arith.constant 1.000000e+00 : f32
    %broadcast_in_dim3A_1 = vector.broadcast %broadcast_in_dim3A : f32 to vector<16xf32>
    %swap3A = arith.constant 0 : index
    %swap3A_2 = tpu.vector_load %arg6[%swap3A] {strides = array<i32>} : memref<128xf32, #tpu.memory_space<vmem>>, vector<16xf32>,
    %swap3A_3 = vector.shape_cast %swap3A_2 : vector<16xf32> to vector<16xf32>
    %swap3A_4 = vector.shape_cast %broadcast_in_dim3A_1 : vector<16xf32> to vector<16xf32>
    tpu.vector_store %arg6[%swap3A], %swap3A_4 {strides = array<i32>} : memref<128xf32, #tpu.memory_space<vmem>>, vector<16xf32>,
    %broadcast_in_dim3A_5 = arith.constant 1.000000e+00 : f32
    %broadcast_in_dim3A_6 = vector.broadcast %broadcast_in_dim3A_5 : f32 to vector<16xf32>
    %swap3A_7 = arith.constant 16 : index
    %swap3A_8 = tpu.vector_load %arg6[%swap3A_7] {strides = array<i32>} : memref<128xf32, #tpu.memory_space<vmem>>, vector<16xf32>,
    %swap3A_9 = vector.shape_cast %swap3A_8 : vector<16xf32> to vector<16xf32>
    %swap3A_10 = vector.shape_cast %broadcast_in_dim3A_6 : vector<16xf32> to vector<16xf32>
    tpu.vector_store %arg6[%swap3A_7], %swap3A_10 {strides = array<i32>} : memref<128xf32, #tpu.memory_space<vmem>>, vector<16xf32>,
    %broadcast_in_dim3A_11 = arith.constant 1.000000e+00 : f32
    %broadcast_in_dim3A_12 = vector.broadcast %broadcast_in_dim3A_11 : f32 to vector<16xf32>
    %swap3A_13 = arith.constant 32 : index
    %swap3A_14 = tpu.vector_load %arg6[%swap3A_13] {strides = array<i32>} : memref<128xf32, #tpu.memory_space<vmem>>, vector<16xf32>,
    %swap3A_15 = vector.shape_cast %swap3A_14 : vector<16xf32> to vector<16xf32>
    %swap3A_16 = vector.shape_cast %broadcast_in_dim3A_12 : vector<16xf32> to vector<16xf32>
    tpu.vector_store %arg6[%swap3A_13], %swap3A_16 {strides = array<i32>} : memref<128xf32, #tpu.memory_space<vmem>>, vector<16xf32>,
    %broadcast_in_dim3A_17 = arith.constant 1.000000e+00 : f32
    %broadcast_in_dim3A_18 = vector.broadcast %broadcast_in_dim3A_17 : f32 to vector<16xf32>
    %swap3A_19 = arith.constant 48 : index
    %swap3A_20 = tpu.vector_load %arg6[%swap3A_19] {strides = array<i32>} : memref<128xf32, #tpu.memory_space<vmem>>, vector<16xf32>,
    %swap3A_21 = vector.shape_cast %swap3A_20 : vector<16xf32> to vector<16xf32>
    %swap3A_22 = vector.shape_cast %broadcast_in_dim3A_18 : vector<16xf32> to vector<16xf32>
    tpu.vector_store %arg6[%swap3A_19], %swap3A_22 {strides = array<i32>} : memref<128xf32, #tpu.memory_space<vmem>>, vector<16xf32>,
    %broadcast_in_dim3A_23 = arith.constant 1.000000e+00 : f32
    %broadcast_in_dim3A_24 = vector.broadcast %broadcast_in_dim3A_23 : f32 to vector<16xf32>
    %swap3A_25 = arith.constant 64 : index
    %swap3A_26 = tpu.vector_load %arg6[%swap3A_25] {strides = array<i32>} : memref<128xf32, #tpu.memory_space<vmem>>, vector<16xf32>,
    %swap3A_27 = vector.shape_cast %swap3A_26 : vector<16xf32> to vector<16xf32>
    %swap3A_28 = vector.shape_cast %broadcast_in_dim3A_24 : vector<16xf32> to vector<16xf32>
    tpu.vector_store %arg6[%swap3A_25], %swap3A_28 {strides = array<i32>} : memref<128xf32, #tpu.memory_space<vmem>>, vector<16xf32>,
    %broadcast_in_dim3A_29 = arith.constant 1.000000e+00 : f32
    %broadcast_in_dim3A_30 = vector.broadcast %broadcast_in_dim3A_29 : f32 to vector<16xf32>
    %swap3A_31 = arith.constant 80 : index
    %swap3A_32 = tpu.vector_load %arg6[%swap3A_31] {strides = array<i32>} : memref<128xf32, #tpu.memory_space<vmem>>, vector<16xf32>,
    %swap3A_33 = vector.shape_cast %swap3A_32 : vector<16xf32> to vector<16xf32>
    %swap3A_34 = vector.shape_cast %broadcast_in_dim3A_30 : vector<16xf32> to vector<16xf32>
    tpu.vector_store %arg6[%swap3A_31], %swap3A_34 {strides = array<i32>} : memref<128xf32, #tpu.memory_space<vmem>>, vector<16xf32>,
    %broadcast_in_dim3A_35 = arith.constant 1.000000e+00 : f32
    %broadcast_in_dim3A_36 = vector.broadcast %broadcast_in_dim3A_35 : f32 to vector<16xf32>
    %swap3A_37 = arith.constant 96 : index
    %swap3A_38 = tpu.vector_load %arg6[%swap3A_37] {strides = array<i32>} : memref<128xf32, #tpu.memory_space<vmem>>, vector<16xf32>,
    %swap3A_39 = vector.shape_cast %swap3A_38 : vector<16xf32> to vector<16xf32>
    %swap3A_40 = vector.shape_cast %broadcast_in_dim3A_36 : vector<16xf32> to vector<16xf32>
    tpu.vector_store %arg6[%swap3A_37], %swap3A_40 {strides = array<i32>} : memref<128xf32, #tpu.memory_space<vmem>>, vector<16xf32>,
    %broadcast_in_dim3A_41 = arith.constant 1.000000e+00 : f32
    %broadcast_in_dim3A_42 = vector.broadcast %broadcast_in_dim3A_41 : f32 to vector<16xf32>
    %swap3A_43 = arith.constant 112 : index
    %swap3A_44 = tpu.vector_load %arg6[%swap3A_43] {strides = array<i32>} : memref<128xf32, #tpu.memory_space<vmem>>, vector<16xf32>,
    %swap3A_45 = vector.shape_cast %swap3A_44 : vector<16xf32> to vector<16xf32>
    %swap3A_46 = vector.shape_cast %broadcast_in_dim3A_42 : vector<16xf32> to vector<16xf32>
    tpu.vector_store %arg6[%swap3A_43], %swap3A_46 {strides = array<i32>} : memref<128xf32, #tpu.memory_space<vmem>>, vector<16xf32>,
    %broadcast_in_dim3A_47 = arith.constant 0.000000e+00 : f32
    %broadcast_in_dim3A_48 = vector.broadcast %broadcast_in_dim3A_47 : f32 to vector<16xf32>
    %swap3A_49 = arith.constant 0 : index
    %swap3A_50 = tpu.vector_load %arg7[%swap3A_49] {strides = array<i32>} : memref<640xf32, #tpu.memory_space<vmem>>, vector<16xf32>,
    %swap3A_51 = vector.shape_cast %swap3A_50 : vector<16xf32> to vector<16xf32>
    %swap3A_52 = vector.shape_cast %broadcast_in_dim3A_48 : vector<16xf32> to vector<16xf32>
    tpu.vector_store %arg7[%swap3A_49], %swap3A_52 {strides = array<i32>} : memref<640xf32, #tpu.memory_space<vmem>>, vector<16xf32>,
    %broadcast_in_dim3A_53 = arith.constant 0.000000e+00 : f32
    %broadcast_in_dim3A_54 = vector.broadcast %broadcast_in_dim3A_53 : f32 to vector<16xf32>
    %swap3A_55 = arith.constant 16 : index
    %swap3A_56 = tpu.vector_load %arg7[%swap3A_55] {strides = array<i32>} : memref<640xf32, #tpu.memory_space<vmem>>, vector<16xf32>,
    %swap3A_57 = vector.shape_cast %swap3A_56 : vector<16xf32> to vector<16xf32>
    %swap3A_58 = vector.shape_cast %broadcast_in_dim3A_54 : vector<16xf32> to vector<16xf32>
    tpu.vector_store %arg7[%swap3A_55], %swap3A_58 {strides = array<i32>} : memref<640xf32, #tpu.memory_space<vmem>>, vector<16xf32>,
    %broadcast_in_dim3A_59 = arith.constant 0.000000e+00 : f32
    %broadcast_in_dim3A_60 = vector.broadcast %broadcast_in_dim3A_59 : f32 to vector<16xf32>
    %swap3A_61 = arith.constant 32 : index
    %swap3A_62 = tpu.vector_load %arg7[%swap3A_61] {strides = array<i32>} : memref<640xf32, #tpu.memory_space<vmem>>, vector<16xf32>,
    %swap3A_63 = vector.shape_cast %swap3A_62 : vector<16xf32> to vector<16xf32>
    %swap3A_64 = vector.shape_cast %broadcast_in_dim3A_60 : vector<16xf32> to vector<16xf32>
    tpu.vector_store %arg7[%swap3A_61], %swap3A_64 {strides = array<i32>} : memref<640xf32, #tpu.memory_space<vmem>>, vector<16xf32>,
    %broadcast_in_dim3A_65 = arith.constant 0.000000e+00 : f32
    %broadcast_in_dim3A_66 = vector.broadcast %broadcast_in_dim3A_65 : f32 to vector<16xf32>
    %swap3A_67 = arith.constant 48 : index
    %swap3A_68 = tpu.vector_load %arg7[%swap3A_67] {strides = array<i32>} : memref<640xf32, #tpu.memory_space<vmem>>, vector<16xf32>,
    %swap3A_69 = vector.shape_cast %swap3A_68 : vector<16xf32> to vector<16xf32>
    %swap3A_70 = vector.shape_cast %broadcast_in_dim3A_66 : vector<16xf32> to vector<16xf32>
    tpu.vector_store %arg7[%swap3A_67], %swap3A_70 {strides = array<i32>} : memref<640xf32, #tpu.memory_space<vmem>>, vector<16xf32>,
    %broadcast_in_dim3A_71 = arith.constant 0.000000e+00 : f32
    %broadcast_in_dim3A_72 = vector.broadcast %broadcast_in_dim3A_71 : f32 to vector<16xf32>
    %swap3A_73 = arith.constant 64 : index
    %swap3A_74 = tpu.vector_load %arg7[%swap3A_73] {strides = array<i32>} : memref<640xf32, #tpu.memory_space<vmem>>, vector<16xf32>,
    %swap3A_75 = vector.shape_cast %swap3A_74 : vector<16xf32> to vector<16xf32>
    %swap3A_76 = vector.shape_cast %broadcast_in_dim3A_72 : vector<16xf32> to vector<16xf32>
    tpu.vector_store %arg7[%swap3A_73], %swap3A_76 {strides = array<i32>} : memref<640xf32, #tpu.memory_space<vmem>>, vector<16xf32>,
    %broadcast_in_dim3A_77 = arith.constant 0.000000e+00 : f32
    %broadcast_in_dim3A_78 = vector.broadcast %broadcast_in_dim3A_77 : f32 to vector<16xf32>
    %swap3A_79 = arith.constant 80 : index
    %swap3A_80 = tpu.vector_load %arg7[%swap3A_79] {strides = array<i32>} : memref<640xf32, #tpu.memory_space<vmem>>, vector<16xf32>,
    %swap3A_81 = vector.shape_cast %swap3A_80 : vector<16xf32> to vector<16xf32>
    %swap3A_82 = vector.shape_cast %broadcast_in_dim3A_78 : vector<16xf32> to vector<16xf32>
    tpu.vector_store %arg7[%swap3A_79], %swap3A_82 {strides = array<i32>} : memref<640xf32, #tpu.memory_space<vmem>>, vector<16xf32>,
    %broadcast_in_dim3A_83 = arith.constant 0.000000e+00 : f32
    %broadcast_in_dim3A_84 = vector.broadcast %broadcast_in_dim3A_83 : f32 to vector<16xf32>
    %swap3A_85 = arith.constant 96 : index
    %swap3A_86 = tpu.vector_load %arg7[%swap3A_85] {strides = array<i32>} : memref<640xf32, #tpu.memory_space<vmem>>, vector<16xf32>,
    %swap3A_87 = vector.shape_cast %swap3A_86 : vector<16xf32> to vector<16xf32>
    %swap3A_88 = vector.shape_cast %broadcast_in_dim3A_84 : vector<16xf32> to vector<16xf32>
    tpu.vector_store %arg7[%swap3A_85], %swap3A_88 {strides = array<i32>} : memref<640xf32, #tpu.memory_space<vmem>>, vector<16xf32>,
    %broadcast_in_dim3A_89 = arith.constant 0.000000e+00 : f32
    %broadcast_in_dim3A_90 = vector.broadcast %broadcast_in_dim3A_89 : f32 to vector<16xf32>
    %swap3A_91 = arith.constant 112 : index
    %swap3A_92 = tpu.vector_load %arg7[%swap3A_91] {strides = array<i32>} : memref<640xf32, #tpu.memory_space<vmem>>, vector<16xf32>,
    %swap3A_93 = vector.shape_cast %swap3A_92 : vector<16xf32> to vector<16xf32>
    %swap3A_94 = vector.shape_cast %broadcast_in_dim3A_90 : vector<16xf32> to vector<16xf32>
    tpu.vector_store %arg7[%swap3A_91], %swap3A_94 {strides = array<i32>} : memref<640xf32, #tpu.memory_space<vmem>>, vector<16xf32>,
    %broadcast_in_dim3A_95 = arith.constant 0.000000e+00 : f32
    %broadcast_in_dim3A_96 = vector.broadcast %broadcast_in_dim3A_95 : f32 to vector<16xf32>
    %swap3A_97 = arith.constant 128 : index
    %swap3A_98 = tpu.vector_load %arg7[%swap3A_97] {strides = array<i32>} : memref<640xf32, #tpu.memory_space<vmem>>, vector<16xf32>,
    %swap3A_99 = vector.shape_cast %swap3A_98 : vector<16xf32> to vector<16xf32>
    %swap3A_100 = vector.shape_cast %broadcast_in_dim3A_96 : vector<16xf32> to vector<16xf32>
    tpu.vector_store %arg7[%swap3A_97], %swap3A_100 {strides = array<i32>} : memref<640xf32, #tpu.memory_space<vmem>>, vector<16xf32>,
    %broadcast_in_dim3A_101 = arith.constant 0.000000e+00 : f32
    %broadcast_in_dim3A_102 = vector.broadcast %broadcast_in_dim3A_101 : f32 to vector<16xf32>
    %swap3A_103 = arith.constant 144 : index
    %swap3A_104 = tpu.vector_load %arg7[%swap3A_103] {strides = array<i32>} : memref<640xf32, #tpu.memory_space<vmem>>, vector<16xf32>,
    %swap3A_105 = vector.shape_cast %swap3A_104 : vector<16xf32> to vector<16xf32>
    %swap3A_106 = vector.shape_cast %broadcast_in_dim3A_102 : vector<16xf32> to vector<16xf32>
    tpu.vector_store %arg7[%swap3A_103], %swap3A_106 {strides = array<i32>} : memref<640xf32, #tpu.memory_space<vmem>>, vector<16xf32>,
    %broadcast_in_dim3A_107 = arith.constant 0.000000e+00 : f32
    %broadcast_in_dim3A_108 = vector.broadcast %broadcast_in_dim3A_107 : f32 to vector<16xf32>
    %swap3A_109 = arith.constant 160 : index
    %swap3A_110 = tpu.vector_load %arg7[%swap3A_109] {strides = array<i32>} : memref<640xf32, #tpu.memory_space<vmem>>, vector<16xf32>,
    %swap3A_111 = vector.shape_cast %swap3A_110 : vector<16xf32> to vector<16xf32>
    %swap3A_112 = vector.shape_cast %broadcast_in_dim3A_108 : vector<16xf32> to vector<16xf32>
    tpu.vector_store %arg7[%swap3A_109], %swap3A_112 {strides = array<i32>} : memref<640xf32, #tpu.memory_space<vmem>>, vector<16xf32>,
    %broadcast_in_dim3A_113 = arith.constant 0.000000e+00 : f32
    %broadcast_in_dim3A_114 = vector.broadcast %broadcast_in_dim3A_113 : f32 to vector<16xf32>
    %swap3A_115 = arith.constant 176 : index
    %swap3A_116 = tpu.vector_load %arg7[%swap3A_115] {strides = array<i32>} : memref<640xf32, #tpu.memory_space<vmem>>, vector<16xf32>,
    %swap3A_117 = vector.shape_cast %swap3A_116 : vector<16xf32> to vector<16xf32>
    %swap3A_118 = vector.shape_cast %broadcast_in_dim3A_114 : vector<16xf32> to vector<16xf32>
    tpu.vector_store %arg7[%swap3A_115], %swap3A_118 {strides = array<i32>} : memref<640xf32, #tpu.memory_space<vmem>>, vector<16xf32>,
    %broadcast_in_dim3A_119 = arith.constant 0.000000e+00 : f32
    %broadcast_in_dim3A_120 = vector.broadcast %broadcast_in_dim3A_119 : f32 to vector<16xf32>
    %swap3A_121 = arith.constant 192 : index
    %swap3A_122 = tpu.vector_load %arg7[%swap3A_121] {strides = array<i32>} : memref<640xf32, #tpu.memory_space<vmem>>, vector<16xf32>,
    %swap3A_123 = vector.shape_cast %swap3A_122 : vector<16xf32> to vector<16xf32>
    %swap3A_124 = vector.shape_cast %broadcast_in_dim3A_120 : vector<16xf32> to vector<16xf32>
    tpu.vector_store %arg7[%swap3A_121], %swap3A_124 {strides = array<i32>} : memref<640xf32, #tpu.memory_space<vmem>>, vector<16xf32>,
    %broadcast_in_dim3A_125 = arith.constant 0.000000e+00 : f32
    %broadcast_in_dim3A_126 = vector.broadcast %broadcast_in_dim3A_125 : f32 to vector<16xf32>
    %swap3A_127 = arith.constant 208 : index
    %swap3A_128 = tpu.vector_load %arg7[%swap3A_127] {strides = array<i32>} : memref<640xf32, #tpu.memory_space<vmem>>, vector<16xf32>,
    %swap3A_129 = vector.shape_cast %swap3A_128 : vector<16xf32> to vector<16xf32>
    %swap3A_130 = vector.shape_cast %broadcast_in_dim3A_126 : vector<16xf32> to vector<16xf32>
    tpu.vector_store %arg7[%swap3A_127], %swap3A_130 {strides = array<i32>} : memref<640xf32, #tpu.memory_space<vmem>>, vector<16xf32>,
    %broadcast_in_dim3A_131 = arith.constant 0.000000e+00 : f32
    %broadcast_in_dim3A_132 = vector.broadcast %broadcast_in_dim3A_131 : f32 to vector<16xf32>
    %swap3A_133 = arith.constant 224 : index
    %swap3A_134 = tpu.vector_load %arg7[%swap3A_133] {strides = array<i32>} : memref<640xf32, #tpu.memory_space<vmem>>, vector<16xf32>,
    %swap3A_135 = vector.shape_cast %swap3A_134 : vector<16xf32> to vector<16xf32>
    %swap3A_136 = vector.shape_cast %broadcast_in_dim3A_132 : vector<16xf32> to vector<16xf32>
    tpu.vector_store %arg7[%swap3A_133], %swap3A_136 {strides = array<i32>} : memref<640xf32, #tpu.memory_space<vmem>>, vector<16xf32>,
    %broadcast_in_dim3A_137 = arith.constant 0.000000e+00 : f32
    %broadcast_in_dim3A_138 = vector.broadcast %broadcast_in_dim3A_137 : f32 to vector<16xf32>
    %swap3A_139 = arith.constant 240 : index
    %swap3A_140 = tpu.vector_load %arg7[%swap3A_139] {strides = array<i32>} : memref<640xf32, #tpu.memory_space<vmem>>, vector<16xf32>,
    %swap3A_141 = vector.shape_cast %swap3A_140 : vector<16xf32> to vector<16xf32>
    %swap3A_142 = vector.shape_cast %broadcast_in_dim3A_138 : vector<16xf32> to vector<16xf32>
    tpu.vector_store %arg7[%swap3A_139], %swap3A_142 {strides = array<i32>} : memref<640xf32, #tpu.memory_space<vmem>>, vector<16xf32>,
    %broadcast_in_dim3A_143 = arith.constant 0.000000e+00 : f32
    %broadcast_in_dim3A_144 = vector.broadcast %broadcast_in_dim3A_143 : f32 to vector<16xf32>
    %swap3A_145 = arith.constant 256 : index
    %swap3A_146 = tpu.vector_load %arg7[%swap3A_145] {strides = array<i32>} : memref<640xf32, #tpu.memory_space<vmem>>, vector<16xf32>,
    %swap3A_147 = vector.shape_cast %swap3A_146 : vector<16xf32> to vector<16xf32>
    %swap3A_148 = vector.shape_cast %broadcast_in_dim3A_144 : vector<16xf32> to vector<16xf32>
    tpu.vector_store %arg7[%swap3A_145], %swap3A_148 {strides = array<i32>} : memref<640xf32, #tpu.memory_space<vmem>>, vector<16xf32>,
    %broadcast_in_dim3A_149 = arith.constant 0.000000e+00 : f32
    %broadcast_in_dim3A_150 = vector.broadcast %broadcast_in_dim3A_149 : f32 to vector<16xf32>
    %swap3A_151 = arith.constant 272 : index
    %swap3A_152 = tpu.vector_load %arg7[%swap3A_151] {strides = array<i32>} : memref<640xf32, #tpu.memory_space<vmem>>, vector<16xf32>,
    %swap3A_153 = vector.shape_cast %swap3A_152 : vector<16xf32> to vector<16xf32>
    %swap3A_154 = vector.shape_cast %broadcast_in_dim3A_150 : vector<16xf32> to vector<16xf32>
    tpu.vector_store %arg7[%swap3A_151], %swap3A_154 {strides = array<i32>} : memref<640xf32, #tpu.memory_space<vmem>>, vector<16xf32>,
    %broadcast_in_dim3A_155 = arith.constant 0.000000e+00 : f32
    %broadcast_in_dim3A_156 = vector.broadcast %broadcast_in_dim3A_155 : f32 to vector<16xf32>
    %swap3A_157 = arith.constant 288 : index
    %swap3A_158 = tpu.vector_load %arg7[%swap3A_157] {strides = array<i32>} : memref<640xf32, #tpu.memory_space<vmem>>, vector<16xf32>,
    %swap3A_159 = vector.shape_cast %swap3A_158 : vector<16xf32> to vector<16xf32>
    %swap3A_160 = vector.shape_cast %broadcast_in_dim3A_156 : vector<16xf32> to vector<16xf32>
    tpu.vector_store %arg7[%swap3A_157], %swap3A_160 {strides = array<i32>} : memref<640xf32, #tpu.memory_space<vmem>>, vector<16xf32>,
    %broadcast_in_dim3A_161 = arith.constant 0.000000e+00 : f32
    %broadcast_in_dim3A_162 = vector.broadcast %broadcast_in_dim3A_161 : f32 to vector<16xf32>
    %swap3A_163 = arith.constant 304 : index
    %swap3A_164 = tpu.vector_load %arg7[%swap3A_163] {strides = array<i32>} : memref<640xf32, #tpu.memory_space<vmem>>, vector<16xf32>,
    %swap3A_165 = vector.shape_cast %swap3A_164 : vector<16xf32> to vector<16xf32>
    %swap3A_166 = vector.shape_cast %broadcast_in_dim3A_162 : vector<16xf32> to vector<16xf32>
    tpu.vector_store %arg7[%swap3A_163], %swap3A_166 {strides = array<i32>} : memref<640xf32, #tpu.memory_space<vmem>>, vector<16xf32>,
    %broadcast_in_dim3A_167 = arith.constant 0.000000e+00 : f32
    %broadcast_in_dim3A_168 = vector.broadcast %broadcast_in_dim3A_167 : f32 to vector<16xf32>
    %swap3A_169 = arith.constant 320 : index
    %swap3A_170 = tpu.vector_load %arg7[%swap3A_169] {strides = array<i32>} : memref<640xf32, #tpu.memory_space<vmem>>, vector<16xf32>,
    %swap3A_171 = vector.shape_cast %swap3A_170 : vector<16xf32> to vector<16xf32>
    %swap3A_172 = vector.shape_cast %broadcast_in_dim3A_168 : vector<16xf32> to vector<16xf32>
    tpu.vector_store %arg7[%swap3A_169], %swap3A_172 {strides = array<i32>} : memref<640xf32, #tpu.memory_space<vmem>>, vector<16xf32>,
    %broadcast_in_dim3A_173 = arith.constant 0.000000e+00 : f32
    %broadcast_in_dim3A_174 = vector.broadcast %broadcast_in_dim3A_173 : f32 to vector<16xf32>
    %swap3A_175 = arith.constant 336 : index
    %swap3A_176 = tpu.vector_load %arg7[%swap3A_175] {strides = array<i32>} : memref<640xf32, #tpu.memory_space<vmem>>, vector<16xf32>,
    %swap3A_177 = vector.shape_cast %swap3A_176 : vector<16xf32> to vector<16xf32>
    %swap3A_178 = vector.shape_cast %broadcast_in_dim3A_174 : vector<16xf32> to vector<16xf32>
    tpu.vector_store %arg7[%swap3A_175], %swap3A_178 {strides = array<i32>} : memref<640xf32, #tpu.memory_space<vmem>>, vector<16xf32>,
    %broadcast_in_dim3A_179 = arith.constant 0.000000e+00 : f32
    %broadcast_in_dim3A_180 = vector.broadcast %broadcast_in_dim3A_179 : f32 to vector<16xf32>
    %swap3A_181 = arith.constant 352 : index
    %swap3A_182 = tpu.vector_load %arg7[%swap3A_181] {strides = array<i32>} : memref<640xf32, #tpu.memory_space<vmem>>, vector<16xf32>,
    %swap3A_183 = vector.shape_cast %swap3A_182 : vector<16xf32> to vector<16xf32>
    %swap3A_184 = vector.shape_cast %broadcast_in_dim3A_180 : vector<16xf32> to vector<16xf32>
    tpu.vector_store %arg7[%swap3A_181], %swap3A_184 {strides = array<i32>} : memref<640xf32, #tpu.memory_space<vmem>>, vector<16xf32>,
    %broadcast_in_dim3A_185 = arith.constant 0.000000e+00 : f32
    %broadcast_in_dim3A_186 = vector.broadcast %broadcast_in_dim3A_185 : f32 to vector<16xf32>
    %swap3A_187 = arith.constant 368 : index
    %swap3A_188 = tpu.vector_load %arg7[%swap3A_187] {strides = array<i32>} : memref<640xf32, #tpu.memory_space<vmem>>, vector<16xf32>,
    %swap3A_189 = vector.shape_cast %swap3A_188 : vector<16xf32> to vector<16xf32>
    %swap3A_190 = vector.shape_cast %broadcast_in_dim3A_186 : vector<16xf32> to vector<16xf32>
    tpu.vector_store %arg7[%swap3A_187], %swap3A_190 {strides = array<i32>} : memref<640xf32, #tpu.memory_space<vmem>>, vector<16xf32>,
    %broadcast_in_dim3A_191 = arith.constant 0.000000e+00 : f32
    %broadcast_in_dim3A_192 = vector.broadcast %broadcast_in_dim3A_191 : f32 to vector<16xf32>
    %swap3A_193 = arith.constant 384 : index
    %swap3A_194 = tpu.vector_load %arg7[%swap3A_193] {strides = array<i32>} : memref<640xf32, #tpu.memory_space<vmem>>, vector<16xf32>,
    %swap3A_195 = vector.shape_cast %swap3A_194 : vector<16xf32> to vector<16xf32>
    %swap3A_196 = vector.shape_cast %broadcast_in_dim3A_192 : vector<16xf32> to vector<16xf32>
    tpu.vector_store %arg7[%swap3A_193], %swap3A_196 {strides = array<i32>} : memref<640xf32, #tpu.memory_space<vmem>>, vector<16xf32>,
    %broadcast_in_dim3A_197 = arith.constant 0.000000e+00 : f32
    %broadcast_in_dim3A_198 = vector.broadcast %broadcast_in_dim3A_197 : f32 to vector<16xf32>
    %swap3A_199 = arith.constant 400 : index
    %swap3A_200 = tpu.vector_load %arg7[%swap3A_199] {strides = array<i32>} : memref<640xf32, #tpu.memory_space<vmem>>, vector<16xf32>,
    %swap3A_201 = vector.shape_cast %swap3A_200 : vector<16xf32> to vector<16xf32>
    %swap3A_202 = vector.shape_cast %broadcast_in_dim3A_198 : vector<16xf32> to vector<16xf32>
    tpu.vector_store %arg7[%swap3A_199], %swap3A_202 {strides = array<i32>} : memref<640xf32, #tpu.memory_space<vmem>>, vector<16xf32>,
    %broadcast_in_dim3A_203 = arith.constant 0.000000e+00 : f32
    %broadcast_in_dim3A_204 = vector.broadcast %broadcast_in_dim3A_203 : f32 to vector<16xf32>
    %swap3A_205 = arith.constant 416 : index
    %swap3A_206 = tpu.vector_load %arg7[%swap3A_205] {strides = array<i32>} : memref<640xf32, #tpu.memory_space<vmem>>, vector<16xf32>,
    %swap3A_207 = vector.shape_cast %swap3A_206 : vector<16xf32> to vector<16xf32>
    %swap3A_208 = vector.shape_cast %broadcast_in_dim3A_204 : vector<16xf32> to vector<16xf32>
    tpu.vector_store %arg7[%swap3A_205], %swap3A_208 {strides = array<i32>} : memref<640xf32, #tpu.memory_space<vmem>>, vector<16xf32>,
    %broadcast_in_dim3A_209 = arith.constant 0.000000e+00 : f32
    %broadcast_in_dim3A_210 = vector.broadcast %broadcast_in_dim3A_209 : f32 to vector<16xf32>
    %swap3A_211 = arith.constant 432 : index
    %swap3A_212 = tpu.vector_load %arg7[%swap3A_211] {strides = array<i32>} : memref<640xf32, #tpu.memory_space<vmem>>, vector<16xf32>,
    %swap3A_213 = vector.shape_cast %swap3A_212 : vector<16xf32> to vector<16xf32>
    %swap3A_214 = vector.shape_cast %broadcast_in_dim3A_210 : vector<16xf32> to vector<16xf32>
    tpu.vector_store %arg7[%swap3A_211], %swap3A_214 {strides = array<i32>} : memref<640xf32, #tpu.memory_space<vmem>>, vector<16xf32>,
    %broadcast_in_dim3A_215 = arith.constant 0.000000e+00 : f32
    %broadcast_in_dim3A_216 = vector.broadcast %broadcast_in_dim3A_215 : f32 to vector<16xf32>
    %swap3A_217 = arith.constant 448 : index
    %swap3A_218 = tpu.vector_load %arg7[%swap3A_217] {strides = array<i32>} : memref<640xf32, #tpu.memory_space<vmem>>, vector<16xf32>,
    %swap3A_219 = vector.shape_cast %swap3A_218 : vector<16xf32> to vector<16xf32>
    %swap3A_220 = vector.shape_cast %broadcast_in_dim3A_216 : vector<16xf32> to vector<16xf32>
    tpu.vector_store %arg7[%swap3A_217], %swap3A_220 {strides = array<i32>} : memref<640xf32, #tpu.memory_space<vmem>>, vector<16xf32>,
    %broadcast_in_dim3A_221 = arith.constant 0.000000e+00 : f32
    %broadcast_in_dim3A_222 = vector.broadcast %broadcast_in_dim3A_221 : f32 to vector<16xf32>
    %swap3A_223 = arith.constant 464 : index
    %swap3A_224 = tpu.vector_load %arg7[%swap3A_223] {strides = array<i32>} : memref<640xf32, #tpu.memory_space<vmem>>, vector<16xf32>,
    %swap3A_225 = vector.shape_cast %swap3A_224 : vector<16xf32> to vector<16xf32>
    %swap3A_226 = vector.shape_cast %broadcast_in_dim3A_222 : vector<16xf32> to vector<16xf32>
    tpu.vector_store %arg7[%swap3A_223], %swap3A_226 {strides = array<i32>} : memref<640xf32, #tpu.memory_space<vmem>>, vector<16xf32>,
    %broadcast_in_dim3A_227 = arith.constant 0.000000e+00 : f32
    %broadcast_in_dim3A_228 = vector.broadcast %broadcast_in_dim3A_227 : f32 to vector<16xf32>
    %swap3A_229 = arith.constant 480 : index
    %swap3A_230 = tpu.vector_load %arg7[%swap3A_229] {strides = array<i32>} : memref<640xf32, #tpu.memory_space<vmem>>, vector<16xf32>,
    %swap3A_231 = vector.shape_cast %swap3A_230 : vector<16xf32> to vector<16xf32>
    %swap3A_232 = vector.shape_cast %broadcast_in_dim3A_228 : vector<16xf32> to vector<16xf32>
    tpu.vector_store %arg7[%swap3A_229], %swap3A_232 {strides = array<i32>} : memref<640xf32, #tpu.memory_space<vmem>>, vector<16xf32>,
    %broadcast_in_dim3A_233 = arith.constant 0.000000e+00 : f32
    %broadcast_in_dim3A_234 = vector.broadcast %broadcast_in_dim3A_233 : f32 to vector<16xf32>
    %swap3A_235 = arith.constant 496 : index
    %swap3A_236 = tpu.vector_load %arg7[%swap3A_235] {strides = array<i32>} : memref<640xf32, #tpu.memory_space<vmem>>, vector<16xf32>,
    %swap3A_237 = vector.shape_cast %swap3A_236 : vector<16xf32> to vector<16xf32>
    %swap3A_238 = vector.shape_cast %broadcast_in_dim3A_234 : vector<16xf32> to vector<16xf32>
    tpu.vector_store %arg7[%swap3A_235], %swap3A_238 {strides = array<i32>} : memref<640xf32, #tpu.memory_space<vmem>>, vector<16xf32>,
    %broadcast_in_dim3A_239 = arith.constant 0.000000e+00 : f32
    %broadcast_in_dim3A_240 = vector.broadcast %broadcast_in_dim3A_239 : f32 to vector<16xf32>
    %swap3A_241 = arith.constant 512 : index
    %swap3A_242 = tpu.vector_load %arg7[%swap3A_241] {strides = array<i32>} : memref<640xf32, #tpu.memory_space<vmem>>, vector<16xf32>,
    %swap3A_243 = vector.shape_cast %swap3A_242 : vector<16xf32> to vector<16xf32>
    %swap3A_244 = vector.shape_cast %broadcast_in_dim3A_240 : vector<16xf32> to vector<16xf32>
    tpu.vector_store %arg7[%swap3A_241], %swap3A_244 {strides = array<i32>} : memref<640xf32, #tpu.memory_space<vmem>>, vector<16xf32>,
    %broadcast_in_dim3A_245 = arith.constant 0.000000e+00 : f32
    %broadcast_in_dim3A_246 = vector.broadcast %broadcast_in_dim3A_245 : f32 to vector<16xf32>
    %swap3A_247 = arith.constant 528 : index
    %swap3A_248 = tpu.vector_load %arg7[%swap3A_247] {strides = array<i32>} : memref<640xf32, #tpu.memory_space<vmem>>, vector<16xf32>,
    %swap3A_249 = vector.shape_cast %swap3A_248 : vector<16xf32> to vector<16xf32>
    %swap3A_250 = vector.shape_cast %broadcast_in_dim3A_246 : vector<16xf32> to vector<16xf32>
    tpu.vector_store %arg7[%swap3A_247], %swap3A_250 {strides = array<i32>} : memref<640xf32, #tpu.memory_space<vmem>>, vector<16xf32>,
    %broadcast_in_dim3A_251 = arith.constant 0.000000e+00 : f32
    %broadcast_in_dim3A_252 = vector.broadcast %broadcast_in_dim3A_251 : f32 to vector<16xf32>
    %swap3A_253 = arith.constant 544 : index
    %swap3A_254 = tpu.vector_load %arg7[%swap3A_253] {strides = array<i32>} : memref<640xf32, #tpu.memory_space<vmem>>, vector<16xf32>,
    %swap3A_255 = vector.shape_cast %swap3A_254 : vector<16xf32> to vector<16xf32>
    %swap3A_256 = vector.shape_cast %broadcast_in_dim3A_252 : vector<16xf32> to vector<16xf32>
    tpu.vector_store %arg7[%swap3A_253], %swap3A_256 {strides = array<i32>} : memref<640xf32, #tpu.memory_space<vmem>>, vector<16xf32>,
    %broadcast_in_dim3A_257 = arith.constant 0.000000e+00 : f32
    %broadcast_in_dim3A_258 = vector.broadcast %broadcast_in_dim3A_257 : f32 to vector<16xf32>
    %swap3A_259 = arith.constant 560 : index
    %swap3A_260 = tpu.vector_load %arg7[%swap3A_259] {strides = array<i32>} : memref<640xf32, #tpu.memory_space<vmem>>, vector<16xf32>,
    %swap3A_261 = vector.shape_cast %swap3A_260 : vector<16xf32> to vector<16xf32>
    %swap3A_262 = vector.shape_cast %broadcast_in_dim3A_258 : vector<16xf32> to vector<16xf32>
    tpu.vector_store %arg7[%swap3A_259], %swap3A_262 {strides = array<i32>} : memref<640xf32, #tpu.memory_space<vmem>>, vector<16xf32>,
    %broadcast_in_dim3A_263 = arith.constant 0.000000e+00 : f32
    %broadcast_in_dim3A_264 = vector.broadcast %broadcast_in_dim3A_263 : f32 to vector<16xf32>
    %swap3A_265 = arith.constant 576 : index
    %swap3A_266 = tpu.vector_load %arg7[%swap3A_265] {strides = array<i32>} : memref<640xf32, #tpu.memory_space<vmem>>, vector<16xf32>,
    %swap3A_267 = vector.shape_cast %swap3A_266 : vector<16xf32> to vector<16xf32>
    %swap3A_268 = vector.shape_cast %broadcast_in_dim3A_264 : vector<16xf32> to vector<16xf32>
    tpu.vector_store %arg7[%swap3A_265], %swap3A_268 {strides = array<i32>} : memref<640xf32, #tpu.memory_space<vmem>>, vector<16xf32>,
    %broadcast_in_dim3A_269 = arith.constant 0.000000e+00 : f32
    %broadcast_in_dim3A_270 = vector.broadcast %broadcast_in_dim3A_269 : f32 to vector<16xf32>
    %swap3A_271 = arith.constant 592 : index
    %swap3A_272 = tpu.vector_load %arg7[%swap3A_271] {strides = array<i32>} : memref<640xf32, #tpu.memory_space<vmem>>, vector<16xf32>,
    %swap3A_273 = vector.shape_cast %swap3A_272 : vector<16xf32> to vector<16xf32>
    %swap3A_274 = vector.shape_cast %broadcast_in_dim3A_270 : vector<16xf32> to vector<16xf32>
    tpu.vector_store %arg7[%swap3A_271], %swap3A_274 {strides = array<i32>} : memref<640xf32, #tpu.memory_space<vmem>>, vector<16xf32>,
    %broadcast_in_dim3A_275 = arith.constant 0.000000e+00 : f32
    %broadcast_in_dim3A_276 = vector.broadcast %broadcast_in_dim3A_275 : f32 to vector<16xf32>
    %swap3A_277 = arith.constant 608 : index
    %swap3A_278 = tpu.vector_load %arg7[%swap3A_277] {strides = array<i32>} : memref<640xf32, #tpu.memory_space<vmem>>, vector<16xf32>,
    %swap3A_279 = vector.shape_cast %swap3A_278 : vector<16xf32> to vector<16xf32>
    %swap3A_280 = vector.shape_cast %broadcast_in_dim3A_276 : vector<16xf32> to vector<16xf32>
    tpu.vector_store %arg7[%swap3A_277], %swap3A_280 {strides = array<i32>} : memref<640xf32, #tpu.memory_space<vmem>>, vector<16xf32>,
    %broadcast_in_dim3A_281 = arith.constant 0.000000e+00 : f32
    %broadcast_in_dim3A_282 = vector.broadcast %broadcast_in_dim3A_281 : f32 to vector<16xf32>
    %swap3A_283 = arith.constant 624 : index
    %swap3A_284 = tpu.vector_load %arg7[%swap3A_283] {strides = array<i32>} : memref<640xf32, #tpu.memory_space<vmem>>, vector<16xf32>,
    %swap3A_285 = vector.shape_cast %swap3A_284 : vector<16xf32> to vector<16xf32>
    %swap3A_286 = vector.shape_cast %broadcast_in_dim3A_282 : vector<16xf32> to vector<16xf32>
    tpu.vector_store %arg7[%swap3A_283], %swap3A_286 {strides = array<i32>} : memref<640xf32, #tpu.memory_space<vmem>>, vector<16xf32>,
    %mul3A_287 = arith.constant 640 : i32
    %mul3A_288 = arith.muli %arg1, %mul3A_287 : i32
    "tpu.region"() ({
      %run_scoped3A = tpu.sem_alloc : memref<!tpu.dma_semaphore, #tpu.memory_space<semaphore_mem>>
      %dma_start3A = tpu.memref_slice %arg4[%mul3A_288] : memref<10240xf32, #tpu.memory_space<vmem_shared>> -> memref<640xf32, #tpu.memory_space<vmem_shared>>
      %dma_start3A_295 = tpu.memref_slice %arg4[%mul3A_288] : memref<10240xf32, #tpu.memory_space<vmem_shared>> -> memref<640xf32, #tpu.memory_space<vmem_shared>>
      tpu.enqueue_dma source(%arg7 : memref<640xf32, #tpu.memory_space<vmem>>) target(%dma_start3A_295 : memref<640xf32, #tpu.memory_space<vmem_shared>>) target_semaphore(%run_scoped3A : memref<!tpu.dma_semaphore, #tpu.memory_space<semaphore_mem>>)
      %dma_wait3A = tpu.memref_slice %arg4[%mul3A_288] : memref<10240xf32, #tpu.memory_space<vmem_shared>> -> memref<640xf32, #tpu.memory_space<vmem_shared>>
      %dma_wait3A_296 = tpu.memref_slice %arg4[%mul3A_288] : memref<10240xf32, #tpu.memory_space<vmem_shared>> -> memref<640xf32, #tpu.memory_space<vmem_shared>>
      tpu.wait_dma2 semaphore(%run_scoped3A : memref<!tpu.dma_semaphore, #tpu.memory_space<semaphore_mem>>) src(%arg7 : memref<640xf32, #tpu.memory_space<vmem>>) dst(%dma_wait3A_296 : memref<640xf32, #tpu.memory_space<vmem_shared>>)
      tpu.yield
    }) : () -> ()
    %barrier3A = arith.constant 0 : index
    tpu.barrier barrier_id(%barrier3A)
    "tpu.region"() ({
      %run_scoped3A = tpu.sem_alloc : memref<!tpu.dma_semaphore, #tpu.memory_space<semaphore_mem>>
      %dma_start3A = arith.constant 0 : i32
      %dma_start3A_295 = arith.constant 0 : i32
      %dma_start3A_296 = tpu.memref_slice %arg2[%add3A, %dma_start3A, %dma_start3A_295] : memref<32x79x128xi32, #tpu.memory_space<hbm>> -> memref<1x79x128xi32, #tpu.memory_space<hbm>>
      %dma_start3A_297 = tpu.memref_squeeze %dma_start3A_296 : memref<1x79x128xi32, #tpu.memory_space<hbm>> -> memref<79x128xi32, #tpu.memory_space<hbm>>
      %dma_start3A_298 = arith.constant 0 : i32
      %dma_start3A_299 = arith.constant 0 : i32
      %dma_start3A_300 = tpu.memref_slice %arg2[%add3A, %dma_start3A_298, %dma_start3A_299] : memref<32x79x128xi32, #tpu.memory_space<hbm>> -> memref<1x79x128xi32, #tpu.memory_space<hbm>>
      %dma_start3A_301 = tpu.memref_squeeze %dma_start3A_300 : memref<1x79x128xi32, #tpu.memory_space<hbm>> -> memref<79x128xi32, #tpu.memory_space<hbm>>
      tpu.enqueue_dma source(%dma_start3A_301 : memref<79x128xi32, #tpu.memory_space<hbm>>) target(%arg5 : memref<79x128xi32, #tpu.memory_space<vmem>>) target_semaphore(%run_scoped3A : memref<!tpu.dma_semaphore, #tpu.memory_space<semaphore_mem>>)
      %dma_wait3A = arith.constant 0 : i32
      %dma_wait3A_302 = arith.constant 0 : i32
      %dma_wait3A_303 = tpu.memref_slice %arg2[%add3A, %dma_wait3A, %dma_wait3A_302] : memref<32x79x128xi32, #tpu.memory_space<hbm>> -> memref<1x79x128xi32, #tpu.memory_space<hbm>>
      %dma_wait3A_304 = tpu.memref_squeeze %dma_wait3A_303 : memref<1x79x128xi32, #tpu.memory_space<hbm>> -> memref<79x128xi32, #tpu.memory_space<hbm>>
      %dma_wait3A_305 = arith.constant 0 : i32
      %dma_wait3A_306 = arith.constant 0 : i32
      %dma_wait3A_307 = tpu.memref_slice %arg2[%add3A, %dma_wait3A_305, %dma_wait3A_306] : memref<32x79x128xi32, #tpu.memory_space<hbm>> -> memref<1x79x128xi32, #tpu.memory_space<hbm>>
      %dma_wait3A_308 = tpu.memref_squeeze %dma_wait3A_307 : memref<1x79x128xi32, #tpu.memory_space<hbm>> -> memref<79x128xi32, #tpu.memory_space<hbm>>
      tpu.wait_dma2 semaphore(%run_scoped3A : memref<!tpu.dma_semaphore, #tpu.memory_space<semaphore_mem>>) src(%dma_wait3A_308 : memref<79x128xi32, #tpu.memory_space<hbm>>) dst(%arg5 : memref<79x128xi32, #tpu.memory_space<vmem>>)
      tpu.yield
    }) : () -> ()
    %scan3A = arith.constant 0 : i32
    %scan3A_289 = arith.constant 0 : i32
    %scan3A_290 = arith.constant 79 : i32
    %scan3A_291 = arith.addi %scan3A_289, %scan3A_290 : i32
    %scan3A_292 = arith.constant 1 : i32
    scf.for %scan3A_295 = %scan3A_289 to %scan3A_291 step %scan3A_292  : i32 {
      "tpu.region"() ({
        %run_scoped3A = tpu.sem_alloc : memref<!tpu.dma_semaphore, #tpu.memory_space<semaphore_mem>>
        %dma_start3A = arith.constant 0 : i32
        %dma_start3A_296 = tpu.memref_slice %arg5[%scan3A_295, %dma_start3A] : memref<79x128xi32, #tpu.memory_space<vmem>> -> memref<1x128xi32, #tpu.memory_space<vmem>>
        %dma_start3A_297 = tpu.memref_squeeze %dma_start3A_296 : memref<1x128xi32, #tpu.memory_space<vmem>> -> memref<128xi32, #tpu.memory_space<vmem>>
        %dma_start3A_298 = arith.constant 0 : i32
        %dma_start3A_299 = tpu.memref_slice %arg4[%dma_start3A_298] : memref<10240xf32, #tpu.memory_space<vmem_shared>> -> memref<10240xf32, #tpu.memory_space<vmem_shared>>
        tpu.enqueue_indirect_dma source(%arg6 : memref<128xf32, #tpu.memory_space<vmem>>) target(%dma_start3A_299 : memref<10240xf32, #tpu.memory_space<vmem_shared>>) offsets(%dma_start3A_297 : memref<128xi32, #tpu.memory_space<vmem>>) semaphore(%run_scoped3A : memref<!tpu.dma_semaphore, #tpu.memory_space<semaphore_mem>>) {add = true}
        %dma_wait3A = arith.constant 0 : i32
        %dma_wait3A_300 = tpu.memref_slice %arg5[%scan3A_295, %dma_wait3A] : memref<79x128xi32, #tpu.memory_space<vmem>> -> memref<1x128xi32, #tpu.memory_space<vmem>>
        %dma_wait3A_301 = tpu.memref_squeeze %dma_wait3A_300 : memref<1x128xi32, #tpu.memory_space<vmem>> -> memref<128xi32, #tpu.memory_space<vmem>>
        %dma_wait3A_302 = arith.constant 0 : i32
        %dma_wait3A_303 = tpu.memref_slice %arg4[%dma_wait3A_302] : memref<10240xf32, #tpu.memory_space<vmem_shared>> -> memref<10240xf32, #tpu.memory_space<vmem_shared>>
        tpu.wait_indirect_dma semaphore(%run_scoped3A : memref<!tpu.dma_semaphore, #tpu.memory_space<semaphore_mem>>) src(%arg6 : memref<128xf32, #tpu.memory_space<vmem>>) dst(%dma_wait3A_303 : memref<10240xf32, #tpu.memory_space<vmem_shared>>)
        tpu.yield
      }) : () -> ()
    }
    %scan3A_293 = arith.constant 79 : i32
    %barrier3A_294 = arith.constant 0 : index
    tpu.barrier barrier_id(%barrier3A_294)
    "tpu.region"() ({
      %run_scoped3A = tpu.sem_alloc : memref<!tpu.dma_semaphore, #tpu.memory_space<semaphore_mem>>
      %dma_start3A = tpu.memref_slice %arg3[%arg0, %mul3A_288] : memref<2x10240xf32, #tpu.memory_space<hbm>> -> memref<1x640xf32, #tpu.memory_space<hbm>>
      %dma_start3A_295 = tpu.memref_squeeze %dma_start3A : memref<1x640xf32, #tpu.memory_space<hbm>> -> memref<640xf32, #tpu.memory_space<hbm>>
      %dma_start3A_296 = tpu.memref_slice %arg4[%mul3A_288] : memref<10240xf32, #tpu.memory_space<vmem_shared>> -> memref<640xf32, #tpu.memory_space<vmem_shared>>
      tpu.enqueue_dma source(%dma_start3A_296 : memref<640xf32, #tpu.memory_space<vmem_shared>>) target(%dma_start3A_295 : memref<640xf32, #tpu.memory_space<hbm>>) target_semaphore(%run_scoped3A : memref<!tpu.dma_semaphore, #tpu.memory_space<semaphore_mem>>)
      %dma_wait3A = tpu.memref_slice %arg3[%arg0, %mul3A_288] : memref<2x10240xf32, #tpu.memory_space<hbm>> -> memref<1x640xf32, #tpu.memory_space<hbm>>
      %dma_wait3A_297 = tpu.memref_squeeze %dma_wait3A : memref<1x640xf32, #tpu.memory_space<hbm>> -> memref<640xf32, #tpu.memory_space<hbm>>
      %dma_wait3A_298 = tpu.memref_slice %arg4[%mul3A_288] : memref<10240xf32, #tpu.memory_space<vmem_shared>> -> memref<640xf32, #tpu.memory_space<vmem_shared>>
      tpu.wait_dma2 semaphore(%run_scoped3A : memref<!tpu.dma_semaphore, #tpu.memory_space<semaphore_mem>>) src(%dma_wait3A_298 : memref<640xf32, #tpu.memory_space<vmem_shared>>) dst(%dma_wait3A_297 : memref<640xf32, #tpu.memory_space<hbm>>)
      tpu.yield
    }) : () -> ()
    return
  }
}

#map = affine_map<(d0, d1) -> (0, 0)>
#map1 = affine_map<(d0, d1) -> (0, 0, 0)>
module attributes {stable_mosaic.version = 14 : i64} {
  func.func @_prop_body(%arg0: i32, %arg1: i32, %arg2: memref<10240x128xf32, #tpu.memory_space<hbm>>, %arg3: memref<32x79x128xi32, #tpu.memory_space<hbm>>, %arg4: memref<32x79x128xi32, #tpu.memory_space<hbm>>, %arg5: memref<2x10240x128xf32, #tpu.memory_space<hbm>>, %arg6: memref<10240x128xf32, #tpu.memory_space<vmem_shared>>, %arg7: memref<40x128xi32, #tpu.memory_space<vmem>>, %arg8: memref<40x128xi32, #tpu.memory_space<vmem>>, %arg9: memref<128x128xf32, #tpu.memory_space<vmem>>, %arg10: memref<128x128xf32, #tpu.memory_space<vmem>>, %arg11: memref<!tpu.dma_semaphore, #tpu.memory_space<semaphore_mem>>, %arg12: memref<!tpu.dma_semaphore, #tpu.memory_space<semaphore_mem>>) attributes {dimension_semantics = [#tpu.dimension_semantics<core_parallel>, #tpu.dimension_semantics<subcore_parallel>], iteration_bounds = array<i64: 2, 16>, scalar_prefetch = 0 : i64, scratch_operands = 7 : i64, tpu.core_type = #tpu.core_type<sc_vector_subcore>, window_params = [{transform_indices = #map}, {transform_indices = #map1}, {transform_indices = #map1}, {transform_indices = #map1}]} {
    %mul3A = arith.constant 2 : i32
    %mul3A_0 = arith.muli %arg1, %mul3A : i32
    %add3A = arith.addi %mul3A_0, %arg0 : i32
    %mul3A_1 = arith.constant 640 : i32
    %mul3A_2 = arith.muli %arg1, %mul3A_1 : i32
    %eq3A = arith.constant 0 : i32
    %eq3A_3 = arith.cmpi eq, %arg0, %eq3A : i32
    %convert_element_type3A = arith.extui %eq3A_3 : i1 to i32
    %cond3A = arith.constant 0 : i32
    %cond3A_4 = arith.cmpi ne, %convert_element_type3A, %cond3A : i32
    scf.if %cond3A_4 {
      "tpu.region"() ({
        %run_scoped3A_47 = tpu.sem_alloc : memref<!tpu.dma_semaphore, #tpu.memory_space<semaphore_mem>>
        %dma_start3A_48 = arith.constant 0 : i32
        %dma_start3A_49 = tpu.memref_slice %arg6[%mul3A_2, %dma_start3A_48] : memref<10240x128xf32, #tpu.memory_space<vmem_shared>> -> memref<640x128xf32, #tpu.memory_space<vmem_shared>>
        %dma_start3A_50 = arith.constant 0 : i32
        %dma_start3A_51 = tpu.memref_slice %arg2[%mul3A_2, %dma_start3A_50] : memref<10240x128xf32, #tpu.memory_space<hbm>> -> memref<640x128xf32, #tpu.memory_space<hbm>>
        tpu.enqueue_dma source(%dma_start3A_51 : memref<640x128xf32, #tpu.memory_space<hbm>>) target(%dma_start3A_49 : memref<640x128xf32, #tpu.memory_space<vmem_shared>>) target_semaphore(%run_scoped3A_47 : memref<!tpu.dma_semaphore, #tpu.memory_space<semaphore_mem>>)
        %dma_wait3A_52 = arith.constant 0 : i32
        %dma_wait3A_53 = tpu.memref_slice %arg6[%mul3A_2, %dma_wait3A_52] : memref<10240x128xf32, #tpu.memory_space<vmem_shared>> -> memref<640x128xf32, #tpu.memory_space<vmem_shared>>
        %dma_wait3A_54 = arith.constant 0 : i32
        %dma_wait3A_55 = tpu.memref_slice %arg2[%mul3A_2, %dma_wait3A_54] : memref<10240x128xf32, #tpu.memory_space<hbm>> -> memref<640x128xf32, #tpu.memory_space<hbm>>
        tpu.wait_dma2 semaphore(%run_scoped3A_47 : memref<!tpu.dma_semaphore, #tpu.memory_space<semaphore_mem>>) src(%dma_wait3A_55 : memref<640x128xf32, #tpu.memory_space<hbm>>) dst(%dma_wait3A_53 : memref<640x128xf32, #tpu.memory_space<vmem_shared>>)
        tpu.yield
      }) : () -> ()
    } else {
    }
    %ne3A = arith.constant 0 : i32
    %ne3A_5 = arith.cmpi ne, %arg0, %ne3A : i32
    %convert_element_type3A_6 = arith.extui %ne3A_5 : i1 to i32
    %cond3A_7 = arith.constant 0 : i32
    %cond3A_8 = arith.cmpi ne, %convert_element_type3A_6, %cond3A_7 : i32
    scf.if %cond3A_8 {
      %mul3A_47 = arith.constant 640 : i32
      %mul3A_48 = arith.muli %arg1, %mul3A_47 : i32
      %add3A_49 = arith.constant 0 : i32
      %add3A_50 = arith.addi %mul3A_48, %add3A_49 : i32
      "tpu.region"() ({
        %run_scoped3A_67 = tpu.sem_alloc : memref<!tpu.dma_semaphore, #tpu.memory_space<semaphore_mem>>
        %dma_start3A_68 = arith.constant 0 : i32
        %dma_start3A_69 = tpu.memref_slice %arg6[%add3A_50, %dma_start3A_68] : memref<10240x128xf32, #tpu.memory_space<vmem_shared>> -> memref<128x128xf32, #tpu.memory_space<vmem_shared>>
        %dma_start3A_70 = arith.constant 10112 : i32
        %dma_start3A_71 = arith.constant 0 : i32
        %dma_start3A_72 = tpu.memref_slice %arg2[%dma_start3A_70, %dma_start3A_71] : memref<10240x128xf32, #tpu.memory_space<hbm>> -> memref<128x128xf32, #tpu.memory_space<hbm>>
        tpu.enqueue_dma source(%dma_start3A_72 : memref<128x128xf32, #tpu.memory_space<hbm>>) target(%dma_start3A_69 : memref<128x128xf32, #tpu.memory_space<vmem_shared>>) target_semaphore(%run_scoped3A_67 : memref<!tpu.dma_semaphore, #tpu.memory_space<semaphore_mem>>)
        %dma_wait3A_73 = arith.constant 0 : i32
        %dma_wait3A_74 = tpu.memref_slice %arg6[%add3A_50, %dma_wait3A_73] : memref<10240x128xf32, #tpu.memory_space<vmem_shared>> -> memref<128x128xf32, #tpu.memory_space<vmem_shared>>
        %dma_wait3A_75 = arith.constant 10112 : i32
        %dma_wait3A_76 = arith.constant 0 : i32
        %dma_wait3A_77 = tpu.memref_slice %arg2[%dma_wait3A_75, %dma_wait3A_76] : memref<10240x128xf32, #tpu.memory_space<hbm>> -> memref<128x128xf32, #tpu.memory_space<hbm>>
        tpu.wait_dma2 semaphore(%run_scoped3A_67 : memref<!tpu.dma_semaphore, #tpu.memory_space<semaphore_mem>>) src(%dma_wait3A_77 : memref<128x128xf32, #tpu.memory_space<hbm>>) dst(%dma_wait3A_74 : memref<128x128xf32, #tpu.memory_space<vmem_shared>>)
        tpu.yield
      }) : () -> ()
      %mul3A_51 = arith.constant 640 : i32
      %mul3A_52 = arith.muli %arg1, %mul3A_51 : i32
      %add3A_53 = arith.constant 128 : i32
      %add3A_54 = arith.addi %mul3A_52, %add3A_53 : i32
      "tpu.region"() ({
        %run_scoped3A_67 = tpu.sem_alloc : memref<!tpu.dma_semaphore, #tpu.memory_space<semaphore_mem>>
        %dma_start3A_68 = arith.constant 0 : i32
        %dma_start3A_69 = tpu.memref_slice %arg6[%add3A_54, %dma_start3A_68] : memref<10240x128xf32, #tpu.memory_space<vmem_shared>> -> memref<128x128xf32, #tpu.memory_space<vmem_shared>>
        %dma_start3A_70 = arith.constant 10112 : i32
        %dma_start3A_71 = arith.constant 0 : i32
        %dma_start3A_72 = tpu.memref_slice %arg2[%dma_start3A_70, %dma_start3A_71] : memref<10240x128xf32, #tpu.memory_space<hbm>> -> memref<128x128xf32, #tpu.memory_space<hbm>>
        tpu.enqueue_dma source(%dma_start3A_72 : memref<128x128xf32, #tpu.memory_space<hbm>>) target(%dma_start3A_69 : memref<128x128xf32, #tpu.memory_space<vmem_shared>>) target_semaphore(%run_scoped3A_67 : memref<!tpu.dma_semaphore, #tpu.memory_space<semaphore_mem>>)
        %dma_wait3A_73 = arith.constant 0 : i32
        %dma_wait3A_74 = tpu.memref_slice %arg6[%add3A_54, %dma_wait3A_73] : memref<10240x128xf32, #tpu.memory_space<vmem_shared>> -> memref<128x128xf32, #tpu.memory_space<vmem_shared>>
        %dma_wait3A_75 = arith.constant 10112 : i32
        %dma_wait3A_76 = arith.constant 0 : i32
        %dma_wait3A_77 = tpu.memref_slice %arg2[%dma_wait3A_75, %dma_wait3A_76] : memref<10240x128xf32, #tpu.memory_space<hbm>> -> memref<128x128xf32, #tpu.memory_space<hbm>>
        tpu.wait_dma2 semaphore(%run_scoped3A_67 : memref<!tpu.dma_semaphore, #tpu.memory_space<semaphore_mem>>) src(%dma_wait3A_77 : memref<128x128xf32, #tpu.memory_space<hbm>>) dst(%dma_wait3A_74 : memref<128x128xf32, #tpu.memory_space<vmem_shared>>)
        tpu.yield
      }) : () -> ()
      %mul3A_55 = arith.constant 640 : i32
      %mul3A_56 = arith.muli %arg1, %mul3A_55 : i32
      %add3A_57 = arith.constant 256 : i32
      %add3A_58 = arith.addi %mul3A_56, %add3A_57 : i32
      "tpu.region"() ({
        %run_scoped3A_67 = tpu.sem_alloc : memref<!tpu.dma_semaphore, #tpu.memory_space<semaphore_mem>>
        %dma_start3A_68 = arith.constant 0 : i32
        %dma_start3A_69 = tpu.memref_slice %arg6[%add3A_58, %dma_start3A_68] : memref<10240x128xf32, #tpu.memory_space<vmem_shared>> -> memref<128x128xf32, #tpu.memory_space<vmem_shared>>
        %dma_start3A_70 = arith.constant 10112 : i32
        %dma_start3A_71 = arith.constant 0 : i32
        %dma_start3A_72 = tpu.memref_slice %arg2[%dma_start3A_70, %dma_start3A_71] : memref<10240x128xf32, #tpu.memory_space<hbm>> -> memref<128x128xf32, #tpu.memory_space<hbm>>
        tpu.enqueue_dma source(%dma_start3A_72 : memref<128x128xf32, #tpu.memory_space<hbm>>) target(%dma_start3A_69 : memref<128x128xf32, #tpu.memory_space<vmem_shared>>) target_semaphore(%run_scoped3A_67 : memref<!tpu.dma_semaphore, #tpu.memory_space<semaphore_mem>>)
        %dma_wait3A_73 = arith.constant 0 : i32
        %dma_wait3A_74 = tpu.memref_slice %arg6[%add3A_58, %dma_wait3A_73] : memref<10240x128xf32, #tpu.memory_space<vmem_shared>> -> memref<128x128xf32, #tpu.memory_space<vmem_shared>>
        %dma_wait3A_75 = arith.constant 10112 : i32
        %dma_wait3A_76 = arith.constant 0 : i32
        %dma_wait3A_77 = tpu.memref_slice %arg2[%dma_wait3A_75, %dma_wait3A_76] : memref<10240x128xf32, #tpu.memory_space<hbm>> -> memref<128x128xf32, #tpu.memory_space<hbm>>
        tpu.wait_dma2 semaphore(%run_scoped3A_67 : memref<!tpu.dma_semaphore, #tpu.memory_space<semaphore_mem>>) src(%dma_wait3A_77 : memref<128x128xf32, #tpu.memory_space<hbm>>) dst(%dma_wait3A_74 : memref<128x128xf32, #tpu.memory_space<vmem_shared>>)
        tpu.yield
      }) : () -> ()
      %mul3A_59 = arith.constant 640 : i32
      %mul3A_60 = arith.muli %arg1, %mul3A_59 : i32
      %add3A_61 = arith.constant 384 : i32
      %add3A_62 = arith.addi %mul3A_60, %add3A_61 : i32
      "tpu.region"() ({
        %run_scoped3A_67 = tpu.sem_alloc : memref<!tpu.dma_semaphore, #tpu.memory_space<semaphore_mem>>
        %dma_start3A_68 = arith.constant 0 : i32
        %dma_start3A_69 = tpu.memref_slice %arg6[%add3A_62, %dma_start3A_68] : memref<10240x128xf32, #tpu.memory_space<vmem_shared>> -> memref<128x128xf32, #tpu.memory_space<vmem_shared>>
        %dma_start3A_70 = arith.constant 10112 : i32
        %dma_start3A_71 = arith.constant 0 : i32
        %dma_start3A_72 = tpu.memref_slice %arg2[%dma_start3A_70, %dma_start3A_71] : memref<10240x128xf32, #tpu.memory_space<hbm>> -> memref<128x128xf32, #tpu.memory_space<hbm>>
        tpu.enqueue_dma source(%dma_start3A_72 : memref<128x128xf32, #tpu.memory_space<hbm>>) target(%dma_start3A_69 : memref<128x128xf32, #tpu.memory_space<vmem_shared>>) target_semaphore(%run_scoped3A_67 : memref<!tpu.dma_semaphore, #tpu.memory_space<semaphore_mem>>)
        %dma_wait3A_73 = arith.constant 0 : i32
        %dma_wait3A_74 = tpu.memref_slice %arg6[%add3A_62, %dma_wait3A_73] : memref<10240x128xf32, #tpu.memory_space<vmem_shared>> -> memref<128x128xf32, #tpu.memory_space<vmem_shared>>
        %dma_wait3A_75 = arith.constant 10112 : i32
        %dma_wait3A_76 = arith.constant 0 : i32
        %dma_wait3A_77 = tpu.memref_slice %arg2[%dma_wait3A_75, %dma_wait3A_76] : memref<10240x128xf32, #tpu.memory_space<hbm>> -> memref<128x128xf32, #tpu.memory_space<hbm>>
        tpu.wait_dma2 semaphore(%run_scoped3A_67 : memref<!tpu.dma_semaphore, #tpu.memory_space<semaphore_mem>>) src(%dma_wait3A_77 : memref<128x128xf32, #tpu.memory_space<hbm>>) dst(%dma_wait3A_74 : memref<128x128xf32, #tpu.memory_space<vmem_shared>>)
        tpu.yield
      }) : () -> ()
      %mul3A_63 = arith.constant 640 : i32
      %mul3A_64 = arith.muli %arg1, %mul3A_63 : i32
      %add3A_65 = arith.constant 512 : i32
      %add3A_66 = arith.addi %mul3A_64, %add3A_65 : i32
      "tpu.region"() ({
        %run_scoped3A_67 = tpu.sem_alloc : memref<!tpu.dma_semaphore, #tpu.memory_space<semaphore_mem>>
        %dma_start3A_68 = arith.constant 0 : i32
        %dma_start3A_69 = tpu.memref_slice %arg6[%add3A_66, %dma_start3A_68] : memref<10240x128xf32, #tpu.memory_space<vmem_shared>> -> memref<128x128xf32, #tpu.memory_space<vmem_shared>>
        %dma_start3A_70 = arith.constant 10112 : i32
        %dma_start3A_71 = arith.constant 0 : i32
        %dma_start3A_72 = tpu.memref_slice %arg2[%dma_start3A_70, %dma_start3A_71] : memref<10240x128xf32, #tpu.memory_space<hbm>> -> memref<128x128xf32, #tpu.memory_space<hbm>>
        tpu.enqueue_dma source(%dma_start3A_72 : memref<128x128xf32, #tpu.memory_space<hbm>>) target(%dma_start3A_69 : memref<128x128xf32, #tpu.memory_space<vmem_shared>>) target_semaphore(%run_scoped3A_67 : memref<!tpu.dma_semaphore, #tpu.memory_space<semaphore_mem>>)
        %dma_wait3A_73 = arith.constant 0 : i32
        %dma_wait3A_74 = tpu.memref_slice %arg6[%add3A_66, %dma_wait3A_73] : memref<10240x128xf32, #tpu.memory_space<vmem_shared>> -> memref<128x128xf32, #tpu.memory_space<vmem_shared>>
        %dma_wait3A_75 = arith.constant 10112 : i32
        %dma_wait3A_76 = arith.constant 0 : i32
        %dma_wait3A_77 = tpu.memref_slice %arg2[%dma_wait3A_75, %dma_wait3A_76] : memref<10240x128xf32, #tpu.memory_space<hbm>> -> memref<128x128xf32, #tpu.memory_space<hbm>>
        tpu.wait_dma2 semaphore(%run_scoped3A_67 : memref<!tpu.dma_semaphore, #tpu.memory_space<semaphore_mem>>) src(%dma_wait3A_77 : memref<128x128xf32, #tpu.memory_space<hbm>>) dst(%dma_wait3A_74 : memref<128x128xf32, #tpu.memory_space<vmem_shared>>)
        tpu.yield
      }) : () -> ()
    } else {
    }
    %barrier3A = arith.constant 0 : index
    tpu.barrier barrier_id(%barrier3A)
    "tpu.region"() ({
      %run_scoped3A_47 = tpu.sem_alloc : memref<!tpu.dma_semaphore, #tpu.memory_space<semaphore_mem>>
      %dma_start3A_48 = arith.constant 0 : i32
      %dma_start3A_49 = arith.constant 0 : i32
      %dma_start3A_50 = tpu.memref_slice %arg7[%dma_start3A_48, %dma_start3A_49] : memref<40x128xi32, #tpu.memory_space<vmem>> -> memref<40x128xi32, #tpu.memory_space<vmem>>
      %dma_start3A_51 = arith.constant 0 : i32
      %dma_start3A_52 = arith.constant 0 : i32
      %dma_start3A_53 = tpu.memref_slice %arg3[%add3A, %dma_start3A_51, %dma_start3A_52] : memref<32x79x128xi32, #tpu.memory_space<hbm>> -> memref<1x40x128xi32, #tpu.memory_space<hbm>>
      %dma_start3A_54 = tpu.memref_squeeze %dma_start3A_53 : memref<1x40x128xi32, #tpu.memory_space<hbm>> -> memref<40x128xi32, #tpu.memory_space<hbm>>
      %dma_start3A_55 = arith.constant 0 : i32
      %dma_start3A_56 = arith.constant 0 : i32
      %dma_start3A_57 = tpu.memref_slice %arg7[%dma_start3A_55, %dma_start3A_56] : memref<40x128xi32, #tpu.memory_space<vmem>> -> memref<40x128xi32, #tpu.memory_space<vmem>>
      %dma_start3A_58 = arith.constant 0 : i32
      %dma_start3A_59 = arith.constant 0 : i32
      %dma_start3A_60 = tpu.memref_slice %arg3[%add3A, %dma_start3A_58, %dma_start3A_59] : memref<32x79x128xi32, #tpu.memory_space<hbm>> -> memref<1x40x128xi32, #tpu.memory_space<hbm>>
      %dma_start3A_61 = tpu.memref_squeeze %dma_start3A_60 : memref<1x40x128xi32, #tpu.memory_space<hbm>> -> memref<40x128xi32, #tpu.memory_space<hbm>>
      tpu.enqueue_dma source(%dma_start3A_61 : memref<40x128xi32, #tpu.memory_space<hbm>>) target(%dma_start3A_57 : memref<40x128xi32, #tpu.memory_space<vmem>>) target_semaphore(%run_scoped3A_47 : memref<!tpu.dma_semaphore, #tpu.memory_space<semaphore_mem>>)
      %dma_wait3A_62 = arith.constant 0 : i32
      %dma_wait3A_63 = arith.constant 0 : i32
      %dma_wait3A_64 = tpu.memref_slice %arg7[%dma_wait3A_62, %dma_wait3A_63] : memref<40x128xi32, #tpu.memory_space<vmem>> -> memref<40x128xi32, #tpu.memory_space<vmem>>
      %dma_wait3A_65 = arith.constant 0 : i32
      %dma_wait3A_66 = arith.constant 0 : i32
      %dma_wait3A_67 = tpu.memref_slice %arg3[%add3A, %dma_wait3A_65, %dma_wait3A_66] : memref<32x79x128xi32, #tpu.memory_space<hbm>> -> memref<1x40x128xi32, #tpu.memory_space<hbm>>
      %dma_wait3A_68 = tpu.memref_squeeze %dma_wait3A_67 : memref<1x40x128xi32, #tpu.memory_space<hbm>> -> memref<40x128xi32, #tpu.memory_space<hbm>>
      %dma_wait3A_69 = arith.constant 0 : i32
      %dma_wait3A_70 = arith.constant 0 : i32
      %dma_wait3A_71 = tpu.memref_slice %arg7[%dma_wait3A_69, %dma_wait3A_70] : memref<40x128xi32, #tpu.memory_space<vmem>> -> memref<40x128xi32, #tpu.memory_space<vmem>>
      %dma_wait3A_72 = arith.constant 0 : i32
      %dma_wait3A_73 = arith.constant 0 : i32
      %dma_wait3A_74 = tpu.memref_slice %arg3[%add3A, %dma_wait3A_72, %dma_wait3A_73] : memref<32x79x128xi32, #tpu.memory_space<hbm>> -> memref<1x40x128xi32, #tpu.memory_space<hbm>>
      %dma_wait3A_75 = tpu.memref_squeeze %dma_wait3A_74 : memref<1x40x128xi32, #tpu.memory_space<hbm>> -> memref<40x128xi32, #tpu.memory_space<hbm>>
      tpu.wait_dma2 semaphore(%run_scoped3A_47 : memref<!tpu.dma_semaphore, #tpu.memory_space<semaphore_mem>>) src(%dma_wait3A_75 : memref<40x128xi32, #tpu.memory_space<hbm>>) dst(%dma_wait3A_71 : memref<40x128xi32, #tpu.memory_space<vmem>>)
      tpu.yield
    }) : () -> ()
    "tpu.region"() ({
      %run_scoped3A_47 = tpu.sem_alloc : memref<!tpu.dma_semaphore, #tpu.memory_space<semaphore_mem>>
      %dma_start3A_48 = arith.constant 0 : i32
      %dma_start3A_49 = arith.constant 0 : i32
      %dma_start3A_50 = tpu.memref_slice %arg8[%dma_start3A_48, %dma_start3A_49] : memref<40x128xi32, #tpu.memory_space<vmem>> -> memref<40x128xi32, #tpu.memory_space<vmem>>
      %dma_start3A_51 = arith.constant 0 : i32
      %dma_start3A_52 = arith.constant 0 : i32
      %dma_start3A_53 = tpu.memref_slice %arg4[%add3A, %dma_start3A_51, %dma_start3A_52] : memref<32x79x128xi32, #tpu.memory_space<hbm>> -> memref<1x40x128xi32, #tpu.memory_space<hbm>>
      %dma_start3A_54 = tpu.memref_squeeze %dma_start3A_53 : memref<1x40x128xi32, #tpu.memory_space<hbm>> -> memref<40x128xi32, #tpu.memory_space<hbm>>
      %dma_start3A_55 = arith.constant 0 : i32
      %dma_start3A_56 = arith.constant 0 : i32
      %dma_start3A_57 = tpu.memref_slice %arg8[%dma_start3A_55, %dma_start3A_56] : memref<40x128xi32, #tpu.memory_space<vmem>> -> memref<40x128xi32, #tpu.memory_space<vmem>>
      %dma_start3A_58 = arith.constant 0 : i32
      %dma_start3A_59 = arith.constant 0 : i32
      %dma_start3A_60 = tpu.memref_slice %arg4[%add3A, %dma_start3A_58, %dma_start3A_59] : memref<32x79x128xi32, #tpu.memory_space<hbm>> -> memref<1x40x128xi32, #tpu.memory_space<hbm>>
      %dma_start3A_61 = tpu.memref_squeeze %dma_start3A_60 : memref<1x40x128xi32, #tpu.memory_space<hbm>> -> memref<40x128xi32, #tpu.memory_space<hbm>>
      tpu.enqueue_dma source(%dma_start3A_61 : memref<40x128xi32, #tpu.memory_space<hbm>>) target(%dma_start3A_57 : memref<40x128xi32, #tpu.memory_space<vmem>>) target_semaphore(%run_scoped3A_47 : memref<!tpu.dma_semaphore, #tpu.memory_space<semaphore_mem>>)
      %dma_wait3A_62 = arith.constant 0 : i32
      %dma_wait3A_63 = arith.constant 0 : i32
      %dma_wait3A_64 = tpu.memref_slice %arg8[%dma_wait3A_62, %dma_wait3A_63] : memref<40x128xi32, #tpu.memory_space<vmem>> -> memref<40x128xi32, #tpu.memory_space<vmem>>
      %dma_wait3A_65 = arith.constant 0 : i32
      %dma_wait3A_66 = arith.constant 0 : i32
      %dma_wait3A_67 = tpu.memref_slice %arg4[%add3A, %dma_wait3A_65, %dma_wait3A_66] : memref<32x79x128xi32, #tpu.memory_space<hbm>> -> memref<1x40x128xi32, #tpu.memory_space<hbm>>
      %dma_wait3A_68 = tpu.memref_squeeze %dma_wait3A_67 : memref<1x40x128xi32, #tpu.memory_space<hbm>> -> memref<40x128xi32, #tpu.memory_space<hbm>>
      %dma_wait3A_69 = arith.constant 0 : i32
      %dma_wait3A_70 = arith.constant 0 : i32
      %dma_wait3A_71 = tpu.memref_slice %arg8[%dma_wait3A_69, %dma_wait3A_70] : memref<40x128xi32, #tpu.memory_space<vmem>> -> memref<40x128xi32, #tpu.memory_space<vmem>>
      %dma_wait3A_72 = arith.constant 0 : i32
      %dma_wait3A_73 = arith.constant 0 : i32
      %dma_wait3A_74 = tpu.memref_slice %arg4[%add3A, %dma_wait3A_72, %dma_wait3A_73] : memref<32x79x128xi32, #tpu.memory_space<hbm>> -> memref<1x40x128xi32, #tpu.memory_space<hbm>>
      %dma_wait3A_75 = tpu.memref_squeeze %dma_wait3A_74 : memref<1x40x128xi32, #tpu.memory_space<hbm>> -> memref<40x128xi32, #tpu.memory_space<hbm>>
      tpu.wait_dma2 semaphore(%run_scoped3A_47 : memref<!tpu.dma_semaphore, #tpu.memory_space<semaphore_mem>>) src(%dma_wait3A_75 : memref<40x128xi32, #tpu.memory_space<hbm>>) dst(%dma_wait3A_71 : memref<40x128xi32, #tpu.memory_space<vmem>>)
      tpu.yield
    }) : () -> ()
    %dma_start3A = arith.constant 0 : i32
    %dma_start3A_9 = arith.constant 0 : i32
    %dma_start3A_10 = tpu.memref_slice %arg7[%dma_start3A, %dma_start3A_9] : memref<40x128xi32, #tpu.memory_space<vmem>> -> memref<1x128xi32, #tpu.memory_space<vmem>>
    %dma_start3A_11 = tpu.memref_squeeze %dma_start3A_10 : memref<1x128xi32, #tpu.memory_space<vmem>> -> memref<128xi32, #tpu.memory_space<vmem>>
    %dma_start3A_12 = arith.constant 0 : i32
    %dma_start3A_13 = arith.constant 0 : i32
    %dma_start3A_14 = tpu.memref_slice %arg2[%dma_start3A_12, %dma_start3A_13] : memref<10240x128xf32, #tpu.memory_space<hbm>> -> memref<10240x128xf32, #tpu.memory_space<hbm>>
    tpu.enqueue_indirect_dma source(%dma_start3A_14 : memref<10240x128xf32, #tpu.memory_space<hbm>>) target(%arg9 : memref<128x128xf32, #tpu.memory_space<vmem>>) offsets(%dma_start3A_11 : memref<128xi32, #tpu.memory_space<vmem>>) semaphore(%arg11 : memref<!tpu.dma_semaphore, #tpu.memory_space<semaphore_mem>>)
    %scan3A = arith.constant 0 : i32
    %scan3A_15 = arith.constant 0 : i32
    %scan3A_16 = arith.constant 20 : i32
    %scan3A_17 = arith.addi %scan3A_15, %scan3A_16 : i32
    %scan3A_18 = arith.constant 1 : i32
    scf.for %scan3A_47 = %scan3A_15 to %scan3A_17 step %scan3A_18  : i32 {
      %mul3A_48 = arith.constant 2 : i32
      %mul3A_49 = arith.muli %mul3A_48, %scan3A_47 : i32
      %add3A_50 = arith.constant 1 : i32
      %add3A_51 = arith.addi %mul3A_49, %add3A_50 : i32
      %dma_start3A_52 = arith.constant 0 : i32
      %dma_start3A_53 = tpu.memref_slice %arg7[%add3A_51, %dma_start3A_52] : memref<40x128xi32, #tpu.memory_space<vmem>> -> memref<1x128xi32, #tpu.memory_space<vmem>>
      %dma_start3A_54 = tpu.memref_squeeze %dma_start3A_53 : memref<1x128xi32, #tpu.memory_space<vmem>> -> memref<128xi32, #tpu.memory_space<vmem>>
      %dma_start3A_55 = arith.constant 0 : i32
      %dma_start3A_56 = arith.constant 0 : i32
      %dma_start3A_57 = tpu.memref_slice %arg2[%dma_start3A_55, %dma_start3A_56] : memref<10240x128xf32, #tpu.memory_space<hbm>> -> memref<10240x128xf32, #tpu.memory_space<hbm>>
      tpu.enqueue_indirect_dma source(%dma_start3A_57 : memref<10240x128xf32, #tpu.memory_space<hbm>>) target(%arg10 : memref<128x128xf32, #tpu.memory_space<vmem>>) offsets(%dma_start3A_54 : memref<128xi32, #tpu.memory_space<vmem>>) semaphore(%arg12 : memref<!tpu.dma_semaphore, #tpu.memory_space<semaphore_mem>>)
      %dma_wait3A_58 = arith.constant 0 : i32
      %dma_wait3A_59 = arith.constant 0 : i32
      %dma_wait3A_60 = tpu.memref_slice %arg7[%dma_wait3A_58, %dma_wait3A_59] : memref<40x128xi32, #tpu.memory_space<vmem>> -> memref<1x128xi32, #tpu.memory_space<vmem>>
      %dma_wait3A_61 = tpu.memref_squeeze %dma_wait3A_60 : memref<1x128xi32, #tpu.memory_space<vmem>> -> memref<128xi32, #tpu.memory_space<vmem>>
      %dma_wait3A_62 = arith.constant 0 : i32
      %dma_wait3A_63 = arith.constant 0 : i32
      %dma_wait3A_64 = tpu.memref_slice %arg2[%dma_wait3A_62, %dma_wait3A_63] : memref<10240x128xf32, #tpu.memory_space<hbm>> -> memref<10240x128xf32, #tpu.memory_space<hbm>>
      tpu.wait_indirect_dma semaphore(%arg11 : memref<!tpu.dma_semaphore, #tpu.memory_space<semaphore_mem>>) src(%dma_wait3A_64 : memref<10240x128xf32, #tpu.memory_space<hbm>>) dst(%arg9 : memref<128x128xf32, #tpu.memory_space<vmem>>)
      "tpu.region"() ({
        %run_scoped3A_83 = tpu.sem_alloc : memref<!tpu.dma_semaphore, #tpu.memory_space<semaphore_mem>>
        %dma_start3A_84 = arith.constant 0 : i32
        %dma_start3A_85 = tpu.memref_slice %arg8[%mul3A_49, %dma_start3A_84] : memref<40x128xi32, #tpu.memory_space<vmem>> -> memref<1x128xi32, #tpu.memory_space<vmem>>
        %dma_start3A_86 = tpu.memref_squeeze %dma_start3A_85 : memref<1x128xi32, #tpu.memory_space<vmem>> -> memref<128xi32, #tpu.memory_space<vmem>>
        %dma_start3A_87 = arith.constant 0 : i32
        %dma_start3A_88 = arith.constant 0 : i32
        %dma_start3A_89 = tpu.memref_slice %arg6[%dma_start3A_87, %dma_start3A_88] : memref<10240x128xf32, #tpu.memory_space<vmem_shared>> -> memref<10240x128xf32, #tpu.memory_space<vmem_shared>>
        tpu.enqueue_indirect_dma source(%arg9 : memref<128x128xf32, #tpu.memory_space<vmem>>) target(%dma_start3A_89 : memref<10240x128xf32, #tpu.memory_space<vmem_shared>>) offsets(%dma_start3A_86 : memref<128xi32, #tpu.memory_space<vmem>>) semaphore(%run_scoped3A_83 : memref<!tpu.dma_semaphore, #tpu.memory_space<semaphore_mem>>) {add = true}
        %dma_wait3A_90 = arith.constant 0 : i32
        %dma_wait3A_91 = tpu.memref_slice %arg8[%mul3A_49, %dma_wait3A_90] : memref<40x128xi32, #tpu.memory_space<vmem>> -> memref<1x128xi32, #tpu.memory_space<vmem>>
        %dma_wait3A_92 = tpu.memref_squeeze %dma_wait3A_91 : memref<1x128xi32, #tpu.memory_space<vmem>> -> memref<128xi32, #tpu.memory_space<vmem>>
        %dma_wait3A_93 = arith.constant 0 : i32
        %dma_wait3A_94 = arith.constant 0 : i32
        %dma_wait3A_95 = tpu.memref_slice %arg6[%dma_wait3A_93, %dma_wait3A_94] : memref<10240x128xf32, #tpu.memory_space<vmem_shared>> -> memref<10240x128xf32, #tpu.memory_space<vmem_shared>>
        tpu.wait_indirect_dma semaphore(%run_scoped3A_83 : memref<!tpu.dma_semaphore, #tpu.memory_space<semaphore_mem>>) src(%arg9 : memref<128x128xf32, #tpu.memory_space<vmem>>) dst(%dma_wait3A_95 : memref<10240x128xf32, #tpu.memory_space<vmem_shared>>)
        tpu.yield
      }) : () -> ()
      %add3A_65 = arith.constant 2 : i32
      %add3A_66 = arith.addi %mul3A_49, %add3A_65 : i32
      %min3A = arith.constant 39 : i32
      %min3A_67 = arith.minsi %add3A_66, %min3A : i32
      %dma_start3A_68 = arith.constant 0 : i32
      %dma_start3A_69 = tpu.memref_slice %arg7[%min3A_67, %dma_start3A_68] : memref<40x128xi32, #tpu.memory_space<vmem>> -> memref<1x128xi32, #tpu.memory_space<vmem>>
      %dma_start3A_70 = tpu.memref_squeeze %dma_start3A_69 : memref<1x128xi32, #tpu.memory_space<vmem>> -> memref<128xi32, #tpu.memory_space<vmem>>
      %dma_start3A_71 = arith.constant 0 : i32
      %dma_start3A_72 = arith.constant 0 : i32
      %dma_start3A_73 = tpu.memref_slice %arg2[%dma_start3A_71, %dma_start3A_72] : memref<10240x128xf32, #tpu.memory_space<hbm>> -> memref<10240x128xf32, #tpu.memory_space<hbm>>
      tpu.enqueue_indirect_dma source(%dma_start3A_73 : memref<10240x128xf32, #tpu.memory_space<hbm>>) target(%arg9 : memref<128x128xf32, #tpu.memory_space<vmem>>) offsets(%dma_start3A_70 : memref<128xi32, #tpu.memory_space<vmem>>) semaphore(%arg11 : memref<!tpu.dma_semaphore, #tpu.memory_space<semaphore_mem>>)
      %dma_wait3A_74 = arith.constant 0 : i32
      %dma_wait3A_75 = arith.constant 0 : i32
      %dma_wait3A_76 = tpu.memref_slice %arg7[%dma_wait3A_74, %dma_wait3A_75] : memref<40x128xi32, #tpu.memory_space<vmem>> -> memref<1x128xi32, #tpu.memory_space<vmem>>
      %dma_wait3A_77 = tpu.memref_squeeze %dma_wait3A_76 : memref<1x128xi32, #tpu.memory_space<vmem>> -> memref<128xi32, #tpu.memory_space<vmem>>
      %dma_wait3A_78 = arith.constant 0 : i32
      %dma_wait3A_79 = arith.constant 0 : i32
      %dma_wait3A_80 = tpu.memref_slice %arg2[%dma_wait3A_78, %dma_wait3A_79] : memref<10240x128xf32, #tpu.memory_space<hbm>> -> memref<10240x128xf32, #tpu.memory_space<hbm>>
      tpu.wait_indirect_dma semaphore(%arg12 : memref<!tpu.dma_semaphore, #tpu.memory_space<semaphore_mem>>) src(%dma_wait3A_80 : memref<10240x128xf32, #tpu.memory_space<hbm>>) dst(%arg10 : memref<128x128xf32, #tpu.memory_space<vmem>>)
      %add3A_81 = arith.constant 1 : i32
      %add3A_82 = arith.addi %mul3A_49, %add3A_81 : i32
      "tpu.region"() ({
        %run_scoped3A_83 = tpu.sem_alloc : memref<!tpu.dma_semaphore, #tpu.memory_space<semaphore_mem>>
        %dma_start3A_84 = arith.constant 0 : i32
        %dma_start3A_85 = tpu.memref_slice %arg8[%add3A_82, %dma_start3A_84] : memref<40x128xi32, #tpu.memory_space<vmem>> -> memref<1x128xi32, #tpu.memory_space<vmem>>
        %dma_start3A_86 = tpu.memref_squeeze %dma_start3A_85 : memref<1x128xi32, #tpu.memory_space<vmem>> -> memref<128xi32, #tpu.memory_space<vmem>>
        %dma_start3A_87 = arith.constant 0 : i32
        %dma_start3A_88 = arith.constant 0 : i32
        %dma_start3A_89 = tpu.memref_slice %arg6[%dma_start3A_87, %dma_start3A_88] : memref<10240x128xf32, #tpu.memory_space<vmem_shared>> -> memref<10240x128xf32, #tpu.memory_space<vmem_shared>>
        tpu.enqueue_indirect_dma source(%arg10 : memref<128x128xf32, #tpu.memory_space<vmem>>) target(%dma_start3A_89 : memref<10240x128xf32, #tpu.memory_space<vmem_shared>>) offsets(%dma_start3A_86 : memref<128xi32, #tpu.memory_space<vmem>>) semaphore(%run_scoped3A_83 : memref<!tpu.dma_semaphore, #tpu.memory_space<semaphore_mem>>) {add = true}
        %dma_wait3A_90 = arith.constant 0 : i32
        %dma_wait3A_91 = tpu.memref_slice %arg8[%add3A_82, %dma_wait3A_90] : memref<40x128xi32, #tpu.memory_space<vmem>> -> memref<1x128xi32, #tpu.memory_space<vmem>>
        %dma_wait3A_92 = tpu.memref_squeeze %dma_wait3A_91 : memref<1x128xi32, #tpu.memory_space<vmem>> -> memref<128xi32, #tpu.memory_space<vmem>>
        %dma_wait3A_93 = arith.constant 0 : i32
        %dma_wait3A_94 = arith.constant 0 : i32
        %dma_wait3A_95 = tpu.memref_slice %arg6[%dma_wait3A_93, %dma_wait3A_94] : memref<10240x128xf32, #tpu.memory_space<vmem_shared>> -> memref<10240x128xf32, #tpu.memory_space<vmem_shared>>
        tpu.wait_indirect_dma semaphore(%run_scoped3A_83 : memref<!tpu.dma_semaphore, #tpu.memory_space<semaphore_mem>>) src(%arg10 : memref<128x128xf32, #tpu.memory_space<vmem>>) dst(%dma_wait3A_95 : memref<10240x128xf32, #tpu.memory_space<vmem_shared>>)
        tpu.yield
      }) : () -> ()
    }
    %scan3A_19 = arith.constant 20 : i32
    %dma_wait3A = arith.constant 0 : i32
    %dma_wait3A_20 = arith.constant 0 : i32
    %dma_wait3A_21 = tpu.memref_slice %arg7[%dma_wait3A, %dma_wait3A_20] : memref<40x128xi32, #tpu.memory_space<vmem>> -> memref<1x128xi32, #tpu.memory_space<vmem>>
    %dma_wait3A_22 = tpu.memref_squeeze %dma_wait3A_21 : memref<1x128xi32, #tpu.memory_space<vmem>> -> memref<128xi32, #tpu.memory_space<vmem>>
    %dma_wait3A_23 = arith.constant 0 : i32
    %dma_wait3A_24 = arith.constant 0 : i32
    %dma_wait3A_25 = tpu.memref_slice %arg2[%dma_wait3A_23, %dma_wait3A_24] : memref<10240x128xf32, #tpu.memory_space<hbm>> -> memref<10240x128xf32, #tpu.memory_space<hbm>>
    tpu.wait_indirect_dma semaphore(%arg11 : memref<!tpu.dma_semaphore, #tpu.memory_space<semaphore_mem>>) src(%dma_wait3A_25 : memref<10240x128xf32, #tpu.memory_space<hbm>>) dst(%arg9 : memref<128x128xf32, #tpu.memory_space<vmem>>)
    "tpu.region"() ({
      %run_scoped3A_47 = tpu.sem_alloc : memref<!tpu.dma_semaphore, #tpu.memory_space<semaphore_mem>>
      %dma_start3A_48 = arith.constant 0 : i32
      %dma_start3A_49 = arith.constant 0 : i32
      %dma_start3A_50 = tpu.memref_slice %arg7[%dma_start3A_48, %dma_start3A_49] : memref<40x128xi32, #tpu.memory_space<vmem>> -> memref<39x128xi32, #tpu.memory_space<vmem>>
      %dma_start3A_51 = arith.constant 40 : i32
      %dma_start3A_52 = arith.constant 0 : i32
      %dma_start3A_53 = tpu.memref_slice %arg3[%add3A, %dma_start3A_51, %dma_start3A_52] : memref<32x79x128xi32, #tpu.memory_space<hbm>> -> memref<1x39x128xi32, #tpu.memory_space<hbm>>
      %dma_start3A_54 = tpu.memref_squeeze %dma_start3A_53 : memref<1x39x128xi32, #tpu.memory_space<hbm>> -> memref<39x128xi32, #tpu.memory_space<hbm>>
      %dma_start3A_55 = arith.constant 0 : i32
      %dma_start3A_56 = arith.constant 0 : i32
      %dma_start3A_57 = tpu.memref_slice %arg7[%dma_start3A_55, %dma_start3A_56] : memref<40x128xi32, #tpu.memory_space<vmem>> -> memref<39x128xi32, #tpu.memory_space<vmem>>
      %dma_start3A_58 = arith.constant 40 : i32
      %dma_start3A_59 = arith.constant 0 : i32
      %dma_start3A_60 = tpu.memref_slice %arg3[%add3A, %dma_start3A_58, %dma_start3A_59] : memref<32x79x128xi32, #tpu.memory_space<hbm>> -> memref<1x39x128xi32, #tpu.memory_space<hbm>>
      %dma_start3A_61 = tpu.memref_squeeze %dma_start3A_60 : memref<1x39x128xi32, #tpu.memory_space<hbm>> -> memref<39x128xi32, #tpu.memory_space<hbm>>
      tpu.enqueue_dma source(%dma_start3A_61 : memref<39x128xi32, #tpu.memory_space<hbm>>) target(%dma_start3A_57 : memref<39x128xi32, #tpu.memory_space<vmem>>) target_semaphore(%run_scoped3A_47 : memref<!tpu.dma_semaphore, #tpu.memory_space<semaphore_mem>>)
      %dma_wait3A_62 = arith.constant 0 : i32
      %dma_wait3A_63 = arith.constant 0 : i32
      %dma_wait3A_64 = tpu.memref_slice %arg7[%dma_wait3A_62, %dma_wait3A_63] : memref<40x128xi32, #tpu.memory_space<vmem>> -> memref<39x128xi32, #tpu.memory_space<vmem>>
      %dma_wait3A_65 = arith.constant 40 : i32
      %dma_wait3A_66 = arith.constant 0 : i32
      %dma_wait3A_67 = tpu.memref_slice %arg3[%add3A, %dma_wait3A_65, %dma_wait3A_66] : memref<32x79x128xi32, #tpu.memory_space<hbm>> -> memref<1x39x128xi32, #tpu.memory_space<hbm>>
      %dma_wait3A_68 = tpu.memref_squeeze %dma_wait3A_67 : memref<1x39x128xi32, #tpu.memory_space<hbm>> -> memref<39x128xi32, #tpu.memory_space<hbm>>
      %dma_wait3A_69 = arith.constant 0 : i32
      %dma_wait3A_70 = arith.constant 0 : i32
      %dma_wait3A_71 = tpu.memref_slice %arg7[%dma_wait3A_69, %dma_wait3A_70] : memref<40x128xi32, #tpu.memory_space<vmem>> -> memref<39x128xi32, #tpu.memory_space<vmem>>
      %dma_wait3A_72 = arith.constant 40 : i32
      %dma_wait3A_73 = arith.constant 0 : i32
      %dma_wait3A_74 = tpu.memref_slice %arg3[%add3A, %dma_wait3A_72, %dma_wait3A_73] : memref<32x79x128xi32, #tpu.memory_space<hbm>> -> memref<1x39x128xi32, #tpu.memory_space<hbm>>
      %dma_wait3A_75 = tpu.memref_squeeze %dma_wait3A_74 : memref<1x39x128xi32, #tpu.memory_space<hbm>> -> memref<39x128xi32, #tpu.memory_space<hbm>>
      tpu.wait_dma2 semaphore(%run_scoped3A_47 : memref<!tpu.dma_semaphore, #tpu.memory_space<semaphore_mem>>) src(%dma_wait3A_75 : memref<39x128xi32, #tpu.memory_space<hbm>>) dst(%dma_wait3A_71 : memref<39x128xi32, #tpu.memory_space<vmem>>)
      tpu.yield
    }) : () -> ()
    "tpu.region"() ({
      %run_scoped3A_47 = tpu.sem_alloc : memref<!tpu.dma_semaphore, #tpu.memory_space<semaphore_mem>>
      %dma_start3A_48 = arith.constant 0 : i32
      %dma_start3A_49 = arith.constant 0 : i32
      %dma_start3A_50 = tpu.memref_slice %arg8[%dma_start3A_48, %dma_start3A_49] : memref<40x128xi32, #tpu.memory_space<vmem>> -> memref<39x128xi32, #tpu.memory_space<vmem>>
      %dma_start3A_51 = arith.constant 40 : i32
      %dma_start3A_52 = arith.constant 0 : i32
      %dma_start3A_53 = tpu.memref_slice %arg4[%add3A, %dma_start3A_51, %dma_start3A_52] : memref<32x79x128xi32, #tpu.memory_space<hbm>> -> memref<1x39x128xi32, #tpu.memory_space<hbm>>
      %dma_start3A_54 = tpu.memref_squeeze %dma_start3A_53 : memref<1x39x128xi32, #tpu.memory_space<hbm>> -> memref<39x128xi32, #tpu.memory_space<hbm>>
      %dma_start3A_55 = arith.constant 0 : i32
      %dma_start3A_56 = arith.constant 0 : i32
      %dma_start3A_57 = tpu.memref_slice %arg8[%dma_start3A_55, %dma_start3A_56] : memref<40x128xi32, #tpu.memory_space<vmem>> -> memref<39x128xi32, #tpu.memory_space<vmem>>
      %dma_start3A_58 = arith.constant 40 : i32
      %dma_start3A_59 = arith.constant 0 : i32
      %dma_start3A_60 = tpu.memref_slice %arg4[%add3A, %dma_start3A_58, %dma_start3A_59] : memref<32x79x128xi32, #tpu.memory_space<hbm>> -> memref<1x39x128xi32, #tpu.memory_space<hbm>>
      %dma_start3A_61 = tpu.memref_squeeze %dma_start3A_60 : memref<1x39x128xi32, #tpu.memory_space<hbm>> -> memref<39x128xi32, #tpu.memory_space<hbm>>
      tpu.enqueue_dma source(%dma_start3A_61 : memref<39x128xi32, #tpu.memory_space<hbm>>) target(%dma_start3A_57 : memref<39x128xi32, #tpu.memory_space<vmem>>) target_semaphore(%run_scoped3A_47 : memref<!tpu.dma_semaphore, #tpu.memory_space<semaphore_mem>>)
      %dma_wait3A_62 = arith.constant 0 : i32
      %dma_wait3A_63 = arith.constant 0 : i32
      %dma_wait3A_64 = tpu.memref_slice %arg8[%dma_wait3A_62, %dma_wait3A_63] : memref<40x128xi32, #tpu.memory_space<vmem>> -> memref<39x128xi32, #tpu.memory_space<vmem>>
      %dma_wait3A_65 = arith.constant 40 : i32
      %dma_wait3A_66 = arith.constant 0 : i32
      %dma_wait3A_67 = tpu.memref_slice %arg4[%add3A, %dma_wait3A_65, %dma_wait3A_66] : memref<32x79x128xi32, #tpu.memory_space<hbm>> -> memref<1x39x128xi32, #tpu.memory_space<hbm>>
      %dma_wait3A_68 = tpu.memref_squeeze %dma_wait3A_67 : memref<1x39x128xi32, #tpu.memory_space<hbm>> -> memref<39x128xi32, #tpu.memory_space<hbm>>
      %dma_wait3A_69 = arith.constant 0 : i32
      %dma_wait3A_70 = arith.constant 0 : i32
      %dma_wait3A_71 = tpu.memref_slice %arg8[%dma_wait3A_69, %dma_wait3A_70] : memref<40x128xi32, #tpu.memory_space<vmem>> -> memref<39x128xi32, #tpu.memory_space<vmem>>
      %dma_wait3A_72 = arith.constant 40 : i32
      %dma_wait3A_73 = arith.constant 0 : i32
      %dma_wait3A_74 = tpu.memref_slice %arg4[%add3A, %dma_wait3A_72, %dma_wait3A_73] : memref<32x79x128xi32, #tpu.memory_space<hbm>> -> memref<1x39x128xi32, #tpu.memory_space<hbm>>
      %dma_wait3A_75 = tpu.memref_squeeze %dma_wait3A_74 : memref<1x39x128xi32, #tpu.memory_space<hbm>> -> memref<39x128xi32, #tpu.memory_space<hbm>>
      tpu.wait_dma2 semaphore(%run_scoped3A_47 : memref<!tpu.dma_semaphore, #tpu.memory_space<semaphore_mem>>) src(%dma_wait3A_75 : memref<39x128xi32, #tpu.memory_space<hbm>>) dst(%dma_wait3A_71 : memref<39x128xi32, #tpu.memory_space<vmem>>)
      tpu.yield
    }) : () -> ()
    %dma_start3A_26 = arith.constant 0 : i32
    %dma_start3A_27 = arith.constant 0 : i32
    %dma_start3A_28 = tpu.memref_slice %arg7[%dma_start3A_26, %dma_start3A_27] : memref<40x128xi32, #tpu.memory_space<vmem>> -> memref<1x128xi32, #tpu.memory_space<vmem>>
    %dma_start3A_29 = tpu.memref_squeeze %dma_start3A_28 : memref<1x128xi32, #tpu.memory_space<vmem>> -> memref<128xi32, #tpu.memory_space<vmem>>
    %dma_start3A_30 = arith.constant 0 : i32
    %dma_start3A_31 = arith.constant 0 : i32
    %dma_start3A_32 = tpu.memref_slice %arg2[%dma_start3A_30, %dma_start3A_31] : memref<10240x128xf32, #tpu.memory_space<hbm>> -> memref<10240x128xf32, #tpu.memory_space<hbm>>
    tpu.enqueue_indirect_dma source(%dma_start3A_32 : memref<10240x128xf32, #tpu.memory_space<hbm>>) target(%arg9 : memref<128x128xf32, #tpu.memory_space<vmem>>) offsets(%dma_start3A_29 : memref<128xi32, #tpu.memory_space<vmem>>) semaphore(%arg11 : memref<!tpu.dma_semaphore, #tpu.memory_space<semaphore_mem>>)
    %scan3A_33 = arith.constant 0 : i32
    %scan3A_34 = arith.constant 0 : i32
    %scan3A_35 = arith.constant 19 : i32
    %scan3A_36 = arith.addi %scan3A_34, %scan3A_35 : i32
    %scan3A_37 = arith.constant 1 : i32
    scf.for %scan3A_47 = %scan3A_34 to %scan3A_36 step %scan3A_37  : i32 {
      %mul3A_48 = arith.constant 2 : i32
      %mul3A_49 = arith.muli %mul3A_48, %scan3A_47 : i32
      %add3A_50 = arith.constant 1 : i32
      %add3A_51 = arith.addi %mul3A_49, %add3A_50 : i32
      %dma_start3A_52 = arith.constant 0 : i32
      %dma_start3A_53 = tpu.memref_slice %arg7[%add3A_51, %dma_start3A_52] : memref<40x128xi32, #tpu.memory_space<vmem>> -> memref<1x128xi32, #tpu.memory_space<vmem>>
      %dma_start3A_54 = tpu.memref_squeeze %dma_start3A_53 : memref<1x128xi32, #tpu.memory_space<vmem>> -> memref<128xi32, #tpu.memory_space<vmem>>
      %dma_start3A_55 = arith.constant 0 : i32
      %dma_start3A_56 = arith.constant 0 : i32
      %dma_start3A_57 = tpu.memref_slice %arg2[%dma_start3A_55, %dma_start3A_56] : memref<10240x128xf32, #tpu.memory_space<hbm>> -> memref<10240x128xf32, #tpu.memory_space<hbm>>
      tpu.enqueue_indirect_dma source(%dma_start3A_57 : memref<10240x128xf32, #tpu.memory_space<hbm>>) target(%arg10 : memref<128x128xf32, #tpu.memory_space<vmem>>) offsets(%dma_start3A_54 : memref<128xi32, #tpu.memory_space<vmem>>) semaphore(%arg12 : memref<!tpu.dma_semaphore, #tpu.memory_space<semaphore_mem>>)
      %dma_wait3A_58 = arith.constant 0 : i32
      %dma_wait3A_59 = arith.constant 0 : i32
      %dma_wait3A_60 = tpu.memref_slice %arg7[%dma_wait3A_58, %dma_wait3A_59] : memref<40x128xi32, #tpu.memory_space<vmem>> -> memref<1x128xi32, #tpu.memory_space<vmem>>
      %dma_wait3A_61 = tpu.memref_squeeze %dma_wait3A_60 : memref<1x128xi32, #tpu.memory_space<vmem>> -> memref<128xi32, #tpu.memory_space<vmem>>
      %dma_wait3A_62 = arith.constant 0 : i32
      %dma_wait3A_63 = arith.constant 0 : i32
      %dma_wait3A_64 = tpu.memref_slice %arg2[%dma_wait3A_62, %dma_wait3A_63] : memref<10240x128xf32, #tpu.memory_space<hbm>> -> memref<10240x128xf32, #tpu.memory_space<hbm>>
      tpu.wait_indirect_dma semaphore(%arg11 : memref<!tpu.dma_semaphore, #tpu.memory_space<semaphore_mem>>) src(%dma_wait3A_64 : memref<10240x128xf32, #tpu.memory_space<hbm>>) dst(%arg9 : memref<128x128xf32, #tpu.memory_space<vmem>>)
      "tpu.region"() ({
        %run_scoped3A_83 = tpu.sem_alloc : memref<!tpu.dma_semaphore, #tpu.memory_space<semaphore_mem>>
        %dma_start3A_84 = arith.constant 0 : i32
        %dma_start3A_85 = tpu.memref_slice %arg8[%mul3A_49, %dma_start3A_84] : memref<40x128xi32, #tpu.memory_space<vmem>> -> memref<1x128xi32, #tpu.memory_space<vmem>>
        %dma_start3A_86 = tpu.memref_squeeze %dma_start3A_85 : memref<1x128xi32, #tpu.memory_space<vmem>> -> memref<128xi32, #tpu.memory_space<vmem>>
        %dma_start3A_87 = arith.constant 0 : i32
        %dma_start3A_88 = arith.constant 0 : i32
        %dma_start3A_89 = tpu.memref_slice %arg6[%dma_start3A_87, %dma_start3A_88] : memref<10240x128xf32, #tpu.memory_space<vmem_shared>> -> memref<10240x128xf32, #tpu.memory_space<vmem_shared>>
        tpu.enqueue_indirect_dma source(%arg9 : memref<128x128xf32, #tpu.memory_space<vmem>>) target(%dma_start3A_89 : memref<10240x128xf32, #tpu.memory_space<vmem_shared>>) offsets(%dma_start3A_86 : memref<128xi32, #tpu.memory_space<vmem>>) semaphore(%run_scoped3A_83 : memref<!tpu.dma_semaphore, #tpu.memory_space<semaphore_mem>>) {add = true}
        %dma_wait3A_90 = arith.constant 0 : i32
        %dma_wait3A_91 = tpu.memref_slice %arg8[%mul3A_49, %dma_wait3A_90] : memref<40x128xi32, #tpu.memory_space<vmem>> -> memref<1x128xi32, #tpu.memory_space<vmem>>
        %dma_wait3A_92 = tpu.memref_squeeze %dma_wait3A_91 : memref<1x128xi32, #tpu.memory_space<vmem>> -> memref<128xi32, #tpu.memory_space<vmem>>
        %dma_wait3A_93 = arith.constant 0 : i32
        %dma_wait3A_94 = arith.constant 0 : i32
        %dma_wait3A_95 = tpu.memref_slice %arg6[%dma_wait3A_93, %dma_wait3A_94] : memref<10240x128xf32, #tpu.memory_space<vmem_shared>> -> memref<10240x128xf32, #tpu.memory_space<vmem_shared>>
        tpu.wait_indirect_dma semaphore(%run_scoped3A_83 : memref<!tpu.dma_semaphore, #tpu.memory_space<semaphore_mem>>) src(%arg9 : memref<128x128xf32, #tpu.memory_space<vmem>>) dst(%dma_wait3A_95 : memref<10240x128xf32, #tpu.memory_space<vmem_shared>>)
        tpu.yield
      }) : () -> ()
      %add3A_65 = arith.constant 2 : i32
      %add3A_66 = arith.addi %mul3A_49, %add3A_65 : i32
      %min3A = arith.constant 38 : i32
      %min3A_67 = arith.minsi %add3A_66, %min3A : i32
      %dma_start3A_68 = arith.constant 0 : i32
      %dma_start3A_69 = tpu.memref_slice %arg7[%min3A_67, %dma_start3A_68] : memref<40x128xi32, #tpu.memory_space<vmem>> -> memref<1x128xi32, #tpu.memory_space<vmem>>
      %dma_start3A_70 = tpu.memref_squeeze %dma_start3A_69 : memref<1x128xi32, #tpu.memory_space<vmem>> -> memref<128xi32, #tpu.memory_space<vmem>>
      %dma_start3A_71 = arith.constant 0 : i32
      %dma_start3A_72 = arith.constant 0 : i32
      %dma_start3A_73 = tpu.memref_slice %arg2[%dma_start3A_71, %dma_start3A_72] : memref<10240x128xf32, #tpu.memory_space<hbm>> -> memref<10240x128xf32, #tpu.memory_space<hbm>>
      tpu.enqueue_indirect_dma source(%dma_start3A_73 : memref<10240x128xf32, #tpu.memory_space<hbm>>) target(%arg9 : memref<128x128xf32, #tpu.memory_space<vmem>>) offsets(%dma_start3A_70 : memref<128xi32, #tpu.memory_space<vmem>>) semaphore(%arg11 : memref<!tpu.dma_semaphore, #tpu.memory_space<semaphore_mem>>)
      %dma_wait3A_74 = arith.constant 0 : i32
      %dma_wait3A_75 = arith.constant 0 : i32
      %dma_wait3A_76 = tpu.memref_slice %arg7[%dma_wait3A_74, %dma_wait3A_75] : memref<40x128xi32, #tpu.memory_space<vmem>> -> memref<1x128xi32, #tpu.memory_space<vmem>>
      %dma_wait3A_77 = tpu.memref_squeeze %dma_wait3A_76 : memref<1x128xi32, #tpu.memory_space<vmem>> -> memref<128xi32, #tpu.memory_space<vmem>>
      %dma_wait3A_78 = arith.constant 0 : i32
      %dma_wait3A_79 = arith.constant 0 : i32
      %dma_wait3A_80 = tpu.memref_slice %arg2[%dma_wait3A_78, %dma_wait3A_79] : memref<10240x128xf32, #tpu.memory_space<hbm>> -> memref<10240x128xf32, #tpu.memory_space<hbm>>
      tpu.wait_indirect_dma semaphore(%arg12 : memref<!tpu.dma_semaphore, #tpu.memory_space<semaphore_mem>>) src(%dma_wait3A_80 : memref<10240x128xf32, #tpu.memory_space<hbm>>) dst(%arg10 : memref<128x128xf32, #tpu.memory_space<vmem>>)
      %add3A_81 = arith.constant 1 : i32
      %add3A_82 = arith.addi %mul3A_49, %add3A_81 : i32
      "tpu.region"() ({
        %run_scoped3A_83 = tpu.sem_alloc : memref<!tpu.dma_semaphore, #tpu.memory_space<semaphore_mem>>
        %dma_start3A_84 = arith.constant 0 : i32
        %dma_start3A_85 = tpu.memref_slice %arg8[%add3A_82, %dma_start3A_84] : memref<40x128xi32, #tpu.memory_space<vmem>> -> memref<1x128xi32, #tpu.memory_space<vmem>>
        %dma_start3A_86 = tpu.memref_squeeze %dma_start3A_85 : memref<1x128xi32, #tpu.memory_space<vmem>> -> memref<128xi32, #tpu.memory_space<vmem>>
        %dma_start3A_87 = arith.constant 0 : i32
        %dma_start3A_88 = arith.constant 0 : i32
        %dma_start3A_89 = tpu.memref_slice %arg6[%dma_start3A_87, %dma_start3A_88] : memref<10240x128xf32, #tpu.memory_space<vmem_shared>> -> memref<10240x128xf32, #tpu.memory_space<vmem_shared>>
        tpu.enqueue_indirect_dma source(%arg10 : memref<128x128xf32, #tpu.memory_space<vmem>>) target(%dma_start3A_89 : memref<10240x128xf32, #tpu.memory_space<vmem_shared>>) offsets(%dma_start3A_86 : memref<128xi32, #tpu.memory_space<vmem>>) semaphore(%run_scoped3A_83 : memref<!tpu.dma_semaphore, #tpu.memory_space<semaphore_mem>>) {add = true}
        %dma_wait3A_90 = arith.constant 0 : i32
        %dma_wait3A_91 = tpu.memref_slice %arg8[%add3A_82, %dma_wait3A_90] : memref<40x128xi32, #tpu.memory_space<vmem>> -> memref<1x128xi32, #tpu.memory_space<vmem>>
        %dma_wait3A_92 = tpu.memref_squeeze %dma_wait3A_91 : memref<1x128xi32, #tpu.memory_space<vmem>> -> memref<128xi32, #tpu.memory_space<vmem>>
        %dma_wait3A_93 = arith.constant 0 : i32
        %dma_wait3A_94 = arith.constant 0 : i32
        %dma_wait3A_95 = tpu.memref_slice %arg6[%dma_wait3A_93, %dma_wait3A_94] : memref<10240x128xf32, #tpu.memory_space<vmem_shared>> -> memref<10240x128xf32, #tpu.memory_space<vmem_shared>>
        tpu.wait_indirect_dma semaphore(%run_scoped3A_83 : memref<!tpu.dma_semaphore, #tpu.memory_space<semaphore_mem>>) src(%arg10 : memref<128x128xf32, #tpu.memory_space<vmem>>) dst(%dma_wait3A_95 : memref<10240x128xf32, #tpu.memory_space<vmem_shared>>)
        tpu.yield
      }) : () -> ()
    }
    %scan3A_38 = arith.constant 19 : i32
    %dma_wait3A_39 = arith.constant 0 : i32
    %dma_wait3A_40 = arith.constant 0 : i32
    %dma_wait3A_41 = tpu.memref_slice %arg7[%dma_wait3A_39, %dma_wait3A_40] : memref<40x128xi32, #tpu.memory_space<vmem>> -> memref<1x128xi32, #tpu.memory_space<vmem>>
    %dma_wait3A_42 = tpu.memref_squeeze %dma_wait3A_41 : memref<1x128xi32, #tpu.memory_space<vmem>> -> memref<128xi32, #tpu.memory_space<vmem>>
    %dma_wait3A_43 = arith.constant 0 : i32
    %dma_wait3A_44 = arith.constant 0 : i32
    %dma_wait3A_45 = tpu.memref_slice %arg2[%dma_wait3A_43, %dma_wait3A_44] : memref<10240x128xf32, #tpu.memory_space<hbm>> -> memref<10240x128xf32, #tpu.memory_space<hbm>>
    tpu.wait_indirect_dma semaphore(%arg11 : memref<!tpu.dma_semaphore, #tpu.memory_space<semaphore_mem>>) src(%dma_wait3A_45 : memref<10240x128xf32, #tpu.memory_space<hbm>>) dst(%arg9 : memref<128x128xf32, #tpu.memory_space<vmem>>)
    %run_scoped3A = arith.constant 38 : i32
    "tpu.region"() ({
      %run_scoped3A_47 = tpu.sem_alloc : memref<!tpu.dma_semaphore, #tpu.memory_space<semaphore_mem>>
      %dma_start3A_48 = arith.constant 0 : i32
      %dma_start3A_49 = tpu.memref_slice %arg8[%run_scoped3A, %dma_start3A_48] : memref<40x128xi32, #tpu.memory_space<vmem>> -> memref<1x128xi32, #tpu.memory_space<vmem>>
      %dma_start3A_50 = tpu.memref_squeeze %dma_start3A_49 : memref<1x128xi32, #tpu.memory_space<vmem>> -> memref<128xi32, #tpu.memory_space<vmem>>
      %dma_start3A_51 = arith.constant 0 : i32
      %dma_start3A_52 = arith.constant 0 : i32
      %dma_start3A_53 = tpu.memref_slice %arg6[%dma_start3A_51, %dma_start3A_52] : memref<10240x128xf32, #tpu.memory_space<vmem_shared>> -> memref<10240x128xf32, #tpu.memory_space<vmem_shared>>
      tpu.enqueue_indirect_dma source(%arg9 : memref<128x128xf32, #tpu.memory_space<vmem>>) target(%dma_start3A_53 : memref<10240x128xf32, #tpu.memory_space<vmem_shared>>) offsets(%dma_start3A_50 : memref<128xi32, #tpu.memory_space<vmem>>) semaphore(%run_scoped3A_47 : memref<!tpu.dma_semaphore, #tpu.memory_space<semaphore_mem>>) {add = true}
      %dma_wait3A_54 = arith.constant 0 : i32
      %dma_wait3A_55 = tpu.memref_slice %arg8[%run_scoped3A, %dma_wait3A_54] : memref<40x128xi32, #tpu.memory_space<vmem>> -> memref<1x128xi32, #tpu.memory_space<vmem>>
      %dma_wait3A_56 = tpu.memref_squeeze %dma_wait3A_55 : memref<1x128xi32, #tpu.memory_space<vmem>> -> memref<128xi32, #tpu.memory_space<vmem>>
      %dma_wait3A_57 = arith.constant 0 : i32
      %dma_wait3A_58 = arith.constant 0 : i32
      %dma_wait3A_59 = tpu.memref_slice %arg6[%dma_wait3A_57, %dma_wait3A_58] : memref<10240x128xf32, #tpu.memory_space<vmem_shared>> -> memref<10240x128xf32, #tpu.memory_space<vmem_shared>>
      tpu.wait_indirect_dma semaphore(%run_scoped3A_47 : memref<!tpu.dma_semaphore, #tpu.memory_space<semaphore_mem>>) src(%arg9 : memref<128x128xf32, #tpu.memory_space<vmem>>) dst(%dma_wait3A_59 : memref<10240x128xf32, #tpu.memory_space<vmem_shared>>)
      tpu.yield
    }) : () -> ()
    %barrier3A_46 = arith.constant 0 : index
    tpu.barrier barrier_id(%barrier3A_46)
    "tpu.region"() ({
      %run_scoped3A_47 = tpu.sem_alloc : memref<!tpu.dma_semaphore, #tpu.memory_space<semaphore_mem>>
      %dma_start3A_48 = arith.constant 0 : i32
      %dma_start3A_49 = tpu.memref_slice %arg5[%arg0, %mul3A_2, %dma_start3A_48] : memref<2x10240x128xf32, #tpu.memory_space<hbm>> -> memref<1x640x128xf32, #tpu.memory_space<hbm>>
      %dma_start3A_50 = tpu.memref_squeeze %dma_start3A_49 : memref<1x640x128xf32, #tpu.memory_space<hbm>> -> memref<640x128xf32, #tpu.memory_space<hbm>>
      %dma_start3A_51 = arith.constant 0 : i32
      %dma_start3A_52 = tpu.memref_slice %arg6[%mul3A_2, %dma_start3A_51] : memref<10240x128xf32, #tpu.memory_space<vmem_shared>> -> memref<640x128xf32, #tpu.memory_space<vmem_shared>>
      tpu.enqueue_dma source(%dma_start3A_52 : memref<640x128xf32, #tpu.memory_space<vmem_shared>>) target(%dma_start3A_50 : memref<640x128xf32, #tpu.memory_space<hbm>>) target_semaphore(%run_scoped3A_47 : memref<!tpu.dma_semaphore, #tpu.memory_space<semaphore_mem>>)
      %dma_wait3A_53 = arith.constant 0 : i32
      %dma_wait3A_54 = tpu.memref_slice %arg5[%arg0, %mul3A_2, %dma_wait3A_53] : memref<2x10240x128xf32, #tpu.memory_space<hbm>> -> memref<1x640x128xf32, #tpu.memory_space<hbm>>
      %dma_wait3A_55 = tpu.memref_squeeze %dma_wait3A_54 : memref<1x640x128xf32, #tpu.memory_space<hbm>> -> memref<640x128xf32, #tpu.memory_space<hbm>>
      %dma_wait3A_56 = arith.constant 0 : i32
      %dma_wait3A_57 = tpu.memref_slice %arg6[%mul3A_2, %dma_wait3A_56] : memref<10240x128xf32, #tpu.memory_space<vmem_shared>> -> memref<640x128xf32, #tpu.memory_space<vmem_shared>>
      tpu.wait_dma2 semaphore(%run_scoped3A_47 : memref<!tpu.dma_semaphore, #tpu.memory_space<semaphore_mem>>) src(%dma_wait3A_57 : memref<640x128xf32, #tpu.memory_space<vmem_shared>>) dst(%dma_wait3A_55 : memref<640x128xf32, #tpu.memory_space<hbm>>)
      tpu.yield
    }) : () -> ()
    return
  }
}

module attributes {stable_mosaic.version = 14 : i64} {
  func.func @_enc_body(%arg0: i32, %arg1: memref<1024x128xf32, #tpu.memory_space<vmem>>, %arg2: memref<128x128xf32, #tpu.memory_space<vmem>>, %arg3: memref<1x128xf32, #tpu.memory_space<vmem>>, %arg4: memref<1x128xf32, #tpu.memory_space<vmem>>, %arg5: memref<128x128xf32, #tpu.memory_space<vmem>>, %arg6: memref<1x128xf32, #tpu.memory_space<vmem>>, %arg7: memref<1024x128xf32, #tpu.memory_space<vmem>>, %arg8: memref<1x128xf32, #tpu.memory_space<vmem>>) attributes {dimension_semantics = [#tpu.dimension_semantics<arbitrary>], iteration_bounds = array<i64: 10>, scalar_prefetch = 0 : i64, scratch_operands = 0 : i64, tpu.core_type = #tpu.core_type<tc>, window_params = [{transform_indices = @transform_0, window_bounds = array<i64: 1024, 128>}, {pipeline_mode = #tpu.pipeline_mode<synchronous>, transform_indices = @transform_1, window_bounds = array<i64: 128, 128>}, {pipeline_mode = #tpu.pipeline_mode<synchronous>, transform_indices = @transform_2, window_bounds = array<i64: 1, 128>}, {pipeline_mode = #tpu.pipeline_mode<synchronous>, transform_indices = @transform_3, window_bounds = array<i64: 1, 128>}, {pipeline_mode = #tpu.pipeline_mode<synchronous>, transform_indices = @transform_4, window_bounds = array<i64: 128, 128>}, {pipeline_mode = #tpu.pipeline_mode<synchronous>, transform_indices = @transform_5, window_bounds = array<i64: 1, 128>}, {transform_indices = @transform_6, window_bounds = array<i64: 1024, 128>}, {pipeline_mode = #tpu.pipeline_mode<synchronous>, transform_indices = @transform_7, window_bounds = array<i64: 1, 128>}]} {
    %get3A = arith.constant 0 : index
    %get3A_0 = arith.constant 0 : index
    %get3A_1 = vector.load %arg1[%get3A, %get3A_0] : memref<1024x128xf32, #tpu.memory_space<vmem>>, vector<1024x128xf32>
    %get3A_2 = arith.constant 0 : index
    %get3A_3 = arith.constant 0 : index
    %get3A_4 = vector.load %arg2[%get3A_2, %get3A_3] : memref<128x128xf32, #tpu.memory_space<vmem>>, vector<128x128xf32>
    %dot_general3A = arith.constant dense<0.000000e+00> : vector<1024x128xf32>
    %dot_general3A_5 = tpu.matmul %get3A_1, %get3A_4, %dot_general3A {dimension_numbers = #tpu.dot_dimension_numbers<[1], [0], [0], [1], [0, 0, 1, 1], [], []>, transpose_lhs_hint = false} : vector<1024x128xf32>, vector<128x128xf32>, vector<1024x128xf32> -> vector<1024x128xf32>
    %get3A_6 = arith.constant 0 : index
    %get3A_7 = arith.constant 0 : index
    %get3A_8 = vector.load %arg3[%get3A_6, %get3A_7] : memref<1x128xf32, #tpu.memory_space<vmem>>, vector<1x128xf32>
    %add3A = vector.broadcast %get3A_8 : vector<1x128xf32> to vector<1024x128xf32>
    %add3A_9 = arith.addf %dot_general3A_5, %add3A : vector<1024x128xf32>
    %swap3A = arith.constant 0 : index
    %swap3A_10 = arith.constant 0 : index
    %swap3A_11 = vector.load %arg7[%swap3A, %swap3A_10] : memref<1024x128xf32, #tpu.memory_space<vmem>>, vector<1024x128xf32>
    tpu.vector_store %arg7[%swap3A, %swap3A_10], %add3A_9 {strides = array<i32>} : memref<1024x128xf32, #tpu.memory_space<vmem>>, vector<1024x128xf32>,
    %eq3A = arith.constant 0 : i32
    %eq3A_12 = arith.cmpi eq, %arg0, %eq3A : i32
    %convert_element_type3A = arith.extui %eq3A_12 : i1 to i32
    %cond3A = arith.constant 0 : i32
    %cond3A_13 = arith.cmpi ne, %convert_element_type3A, %cond3A : i32
    scf.if %cond3A_13 {
      %get3A_14 = arith.constant 0 : index
      %get3A_15 = arith.constant 0 : index
      %get3A_16 = vector.load %arg4[%get3A_14, %get3A_15] : memref<1x128xf32, #tpu.memory_space<vmem>>, vector<1x128xf32>
      %get3A_17 = arith.constant 0 : index
      %get3A_18 = arith.constant 0 : index
      %get3A_19 = vector.load %arg5[%get3A_17, %get3A_18] : memref<128x128xf32, #tpu.memory_space<vmem>>, vector<128x128xf32>
      %dot_general3A_20 = arith.constant dense<0.000000e+00> : vector<1x128xf32>
      %dot_general3A_21 = tpu.matmul %get3A_16, %get3A_19, %dot_general3A_20 {dimension_numbers = #tpu.dot_dimension_numbers<[1], [0], [0], [1], [0, 0, 1, 1], [], []>, transpose_lhs_hint = false} : vector<1x128xf32>, vector<128x128xf32>, vector<1x128xf32> -> vector<1x128xf32>
      %get3A_22 = arith.constant 0 : index
      %get3A_23 = arith.constant 0 : index
      %get3A_24 = vector.load %arg6[%get3A_22, %get3A_23] : memref<1x128xf32, #tpu.memory_space<vmem>>, vector<1x128xf32>
      %add3A_25 = arith.addf %dot_general3A_21, %get3A_24 : vector<1x128xf32>
      %swap3A_26 = arith.constant 0 : index
      %swap3A_27 = arith.constant 0 : index
      %swap3A_28 = vector.load %arg8[%swap3A_26, %swap3A_27] : memref<1x128xf32, #tpu.memory_space<vmem>>, vector<1x128xf32>
      tpu.vector_store %arg8[%swap3A_26, %swap3A_27], %add3A_25 {strides = array<i32>} : memref<1x128xf32, #tpu.memory_space<vmem>>, vector<1x128xf32>,
    } else {
    }
    return
  }
  func.func @transform_0(%arg0: i32) -> (i32, i32) {
    %c0_i32 = arith.constant 0 : i32
    %c0_i32_0 = arith.constant 0 : i32
    return %arg0, %c0_i32 : i32, i32
  }
  func.func @transform_1(%arg0: i32) -> (i32, i32) {
    %c0_i32 = arith.constant 0 : i32
    %c0_i32_0 = arith.constant 0 : i32
    %c0_i32_1 = arith.constant 0 : i32
    return %c0_i32, %c0_i32_0 : i32, i32
  }
  func.func @transform_2(%arg0: i32) -> (i32, i32) {
    %c0_i32 = arith.constant 0 : i32
    %c0_i32_0 = arith.constant 0 : i32
    %c0_i32_1 = arith.constant 0 : i32
    return %c0_i32, %c0_i32_0 : i32, i32
  }
  func.func @transform_3(%arg0: i32) -> (i32, i32) {
    %c0_i32 = arith.constant 0 : i32
    %c0_i32_0 = arith.constant 0 : i32
    %c0_i32_1 = arith.constant 0 : i32
    return %c0_i32, %c0_i32_0 : i32, i32
  }
  func.func @transform_4(%arg0: i32) -> (i32, i32) {
    %c0_i32 = arith.constant 0 : i32
    %c0_i32_0 = arith.constant 0 : i32
    %c0_i32_1 = arith.constant 0 : i32
    return %c0_i32, %c0_i32_0 : i32, i32
  }
  func.func @transform_5(%arg0: i32) -> (i32, i32) {
    %c0_i32 = arith.constant 0 : i32
    %c0_i32_0 = arith.constant 0 : i32
    %c0_i32_1 = arith.constant 0 : i32
    return %c0_i32, %c0_i32_0 : i32, i32
  }
  func.func @transform_6(%arg0: i32) -> (i32, i32) {
    %c0_i32 = arith.constant 0 : i32
    %c0_i32_0 = arith.constant 0 : i32
    return %arg0, %c0_i32 : i32, i32
  }
  func.func @transform_7(%arg0: i32) -> (i32, i32) {
    %c0_i32 = arith.constant 0 : i32
    %c0_i32_0 = arith.constant 0 : i32
    %c0_i32_1 = arith.constant 0 : i32
    return %c0_i32, %c0_i32_0 : i32, i32
  }
}

module attributes {stable_mosaic.version = 14 : i64} {
  func.func @_pre_body(%arg0: i32, %arg1: memref<1024x128xf32, #tpu.memory_space<vmem>>, %arg2: memref<1024x1xf32, #tpu.memory_space<vmem>>, %arg3: memref<1024x128xf32, #tpu.memory_space<vmem>>) attributes {dimension_semantics = [#tpu.dimension_semantics<arbitrary>], iteration_bounds = array<i64: 10>, scalar_prefetch = 0 : i64, scratch_operands = 0 : i64, tpu.core_type = #tpu.core_type<tc>, window_params = [{transform_indices = @transform_0, window_bounds = array<i64: 1024, 128>}, {transform_indices = @transform_1, window_bounds = array<i64: 1024, 1>}, {transform_indices = @transform_2, window_bounds = array<i64: 1024, 128>}]} {
    %mul3A = arith.constant 1024 : i32
    %mul3A_0 = arith.muli %arg0, %mul3A : i32
    %iota3A = tpu.iota {dimensions = array<i32: 0>} : vector<1024x1xi32>
    %add3A = vector.broadcast %mul3A_0 : i32 to vector<1024x1xi32>
    %add3A_1 = arith.addi %add3A, %iota3A : vector<1024x1xi32>
    %lt3A = arith.constant 10000 : i32
    %lt3A_2 = vector.broadcast %lt3A : i32 to vector<1024x1xi32>
    %lt3A_3 = arith.cmpi slt, %add3A_1, %lt3A_2 : vector<1024x1xi32>
    %convert_element_type3A = arith.extui %lt3A_3 : vector<1024x1xi1> to vector<1024x1xi32>
    %convert_element_type3A_4 = arith.sitofp %convert_element_type3A : vector<1024x1xi32> to vector<1024x1xf32>
    %get3A = arith.constant 0 : index
    %get3A_5 = arith.constant 0 : index
    %get3A_6 = vector.load %arg1[%get3A, %get3A_5] : memref<1024x128xf32, #tpu.memory_space<vmem>>, vector<1024x128xf32>
    %get3A_7 = arith.constant 0 : index
    %get3A_8 = arith.constant 0 : index
    %get3A_9 = vector.load %arg2[%get3A_7, %get3A_8] : memref<1024x1xf32, #tpu.memory_space<vmem>>, vector<1024x1xf32>
    %mul3A_10 = vector.broadcast %get3A_9 : vector<1024x1xf32> to vector<1024x128xf32>
    %mul3A_11 = arith.mulf %get3A_6, %mul3A_10 : vector<1024x128xf32>
    %mul3A_12 = vector.broadcast %convert_element_type3A_4 : vector<1024x1xf32> to vector<1024x128xf32>
    %mul3A_13 = arith.mulf %mul3A_11, %mul3A_12 : vector<1024x128xf32>
    %swap3A = arith.constant 0 : index
    %swap3A_14 = arith.constant 0 : index
    %swap3A_15 = vector.load %arg3[%swap3A, %swap3A_14] : memref<1024x128xf32, #tpu.memory_space<vmem>>, vector<1024x128xf32>
    tpu.vector_store %arg3[%swap3A, %swap3A_14], %mul3A_13 {strides = array<i32>} : memref<1024x128xf32, #tpu.memory_space<vmem>>, vector<1024x128xf32>,
    return
  }
  func.func @transform_0(%arg0: i32) -> (i32, i32) {
    %c0_i32 = arith.constant 0 : i32
    %c0_i32_0 = arith.constant 0 : i32
    return %arg0, %c0_i32 : i32, i32
  }
  func.func @transform_1(%arg0: i32) -> (i32, i32) {
    %c0_i32 = arith.constant 0 : i32
    %c0_i32_0 = arith.constant 0 : i32
    return %arg0, %c0_i32 : i32, i32
  }
  func.func @transform_2(%arg0: i32) -> (i32, i32) {
    %c0_i32 = arith.constant 0 : i32
    %c0_i32_0 = arith.constant 0 : i32
    return %arg0, %c0_i32 : i32, i32
  }
}

module attributes {stable_mosaic.version = 14 : i64} {
  func.func @_upd_body(%arg0: i32, %arg1: memref<1x1024x128xf32, #tpu.memory_space<vmem>>, %arg2: memref<1x1024x128xf32, #tpu.memory_space<vmem>>, %arg3: memref<1024x1xf32, #tpu.memory_space<vmem>>, %arg4: memref<1024x128xf32, #tpu.memory_space<vmem>>, %arg5: memref<1024x128xf32, #tpu.memory_space<vmem>>) attributes {dimension_semantics = [#tpu.dimension_semantics<arbitrary>], iteration_bounds = array<i64: 10>, scalar_prefetch = 0 : i64, scratch_operands = 0 : i64, tpu.core_type = #tpu.core_type<tc>, window_params = [{transform_indices = @transform_0, window_bounds = array<i64: 1, 1024, 128>}, {transform_indices = @transform_1, window_bounds = array<i64: 1, 1024, 128>}, {transform_indices = @transform_2, window_bounds = array<i64: 1024, 1>}, {transform_indices = @transform_3, window_bounds = array<i64: 1024, 128>}, {transform_indices = @transform_4, window_bounds = array<i64: 1024, 128>}]} {
    %get3A = arith.constant 0 : index
    %get3A_0 = arith.constant 0 : index
    %get3A_1 = arith.constant 0 : index
    %get3A_2 = vector.load %arg1[%get3A, %get3A_0, %get3A_1] : memref<1x1024x128xf32, #tpu.memory_space<vmem>>, vector<1x1024x128xf32>
    %get3A_3 = vector.shape_cast %get3A_2 : vector<1x1024x128xf32> to vector<1024x128xf32>
    %get3A_4 = arith.constant 0 : index
    %get3A_5 = arith.constant 0 : index
    %get3A_6 = arith.constant 0 : index
    %get3A_7 = vector.load %arg2[%get3A_4, %get3A_5, %get3A_6] : memref<1x1024x128xf32, #tpu.memory_space<vmem>>, vector<1x1024x128xf32>
    %get3A_8 = vector.shape_cast %get3A_7 : vector<1x1024x128xf32> to vector<1024x128xf32>
    %add3A = arith.addf %get3A_3, %get3A_8 : vector<1024x128xf32>
    %get3A_9 = arith.constant 0 : index
    %get3A_10 = arith.constant 0 : index
    %get3A_11 = vector.load %arg3[%get3A_9, %get3A_10] : memref<1024x1xf32, #tpu.memory_space<vmem>>, vector<1024x1xf32>
    %mul3A = arith.constant 0.899999976 : f32
    %mul3A_12 = vector.broadcast %mul3A : f32 to vector<1024x1xf32>
    %mul3A_13 = arith.mulf %mul3A_12, %get3A_11 : vector<1024x1xf32>
    %mul3A_14 = vector.broadcast %mul3A_13 : vector<1024x1xf32> to vector<1024x128xf32>
    %mul3A_15 = arith.mulf %mul3A_14, %add3A : vector<1024x128xf32>
    %get3A_16 = arith.constant 0 : index
    %get3A_17 = arith.constant 0 : index
    %get3A_18 = vector.load %arg4[%get3A_16, %get3A_17] : memref<1024x128xf32, #tpu.memory_space<vmem>>, vector<1024x128xf32>
    %mul3A_19 = arith.constant 1.000000e-01 : f32
    %mul3A_20 = vector.broadcast %mul3A_19 : f32 to vector<1024x128xf32>
    %mul3A_21 = arith.mulf %mul3A_20, %get3A_18 : vector<1024x128xf32>
    %add3A_22 = arith.addf %mul3A_15, %mul3A_21 : vector<1024x128xf32>
    %mul3A_23 = arith.constant 1024 : i32
    %mul3A_24 = arith.muli %arg0, %mul3A_23 : i32
    %iota3A = tpu.iota {dimensions = array<i32: 0>} : vector<1024x1xi32>
    %add3A_25 = vector.broadcast %mul3A_24 : i32 to vector<1024x1xi32>
    %add3A_26 = arith.addi %add3A_25, %iota3A : vector<1024x1xi32>
    %lt3A = arith.constant 10000 : i32
    %lt3A_27 = vector.broadcast %lt3A : i32 to vector<1024x1xi32>
    %lt3A_28 = arith.cmpi slt, %add3A_26, %lt3A_27 : vector<1024x1xi32>
    %convert_element_type3A = arith.extui %lt3A_28 : vector<1024x1xi1> to vector<1024x1xi32>
    %convert_element_type3A_29 = arith.sitofp %convert_element_type3A : vector<1024x1xi32> to vector<1024x1xf32>
    %get3A_30 = arith.constant 0 : index
    %get3A_31 = arith.constant 0 : index
    %get3A_32 = vector.load %arg3[%get3A_30, %get3A_31] : memref<1024x1xf32, #tpu.memory_space<vmem>>, vector<1024x1xf32>
    %mul3A_33 = vector.broadcast %get3A_32 : vector<1024x1xf32> to vector<1024x128xf32>
    %mul3A_34 = arith.mulf %add3A_22, %mul3A_33 : vector<1024x128xf32>
    %mul3A_35 = vector.broadcast %convert_element_type3A_29 : vector<1024x1xf32> to vector<1024x128xf32>
    %mul3A_36 = arith.mulf %mul3A_34, %mul3A_35 : vector<1024x128xf32>
    %swap3A = arith.constant 0 : index
    %swap3A_37 = arith.constant 0 : index
    %swap3A_38 = vector.load %arg5[%swap3A, %swap3A_37] : memref<1024x128xf32, #tpu.memory_space<vmem>>, vector<1024x128xf32>
    tpu.vector_store %arg5[%swap3A, %swap3A_37], %mul3A_36 {strides = array<i32>} : memref<1024x128xf32, #tpu.memory_space<vmem>>, vector<1024x128xf32>,
    return
  }
  func.func @transform_0(%arg0: i32) -> (i32, i32, i32) {
    %c0_i32 = arith.constant 0 : i32
    %c0_i32_0 = arith.constant 0 : i32
    %c0_i32_1 = arith.constant 0 : i32
    return %c0_i32, %arg0, %c0_i32_0 : i32, i32, i32
  }
  func.func @transform_1(%arg0: i32) -> (i32, i32, i32) {
    %c1_i32 = arith.constant 1 : i32
    %c0_i32 = arith.constant 0 : i32
    %c0_i32_0 = arith.constant 0 : i32
    return %c1_i32, %arg0, %c0_i32 : i32, i32, i32
  }
  func.func @transform_2(%arg0: i32) -> (i32, i32) {
    %c0_i32 = arith.constant 0 : i32
    %c0_i32_0 = arith.constant 0 : i32
    return %arg0, %c0_i32 : i32, i32
  }
  func.func @transform_3(%arg0: i32) -> (i32, i32) {
    %c0_i32 = arith.constant 0 : i32
    %c0_i32_0 = arith.constant 0 : i32
    return %arg0, %c0_i32 : i32, i32
  }
  func.func @transform_4(%arg0: i32) -> (i32, i32) {
    %c0_i32 = arith.constant 0 : i32
    %c0_i32_0 = arith.constant 0 : i32
    return %arg0, %c0_i32 : i32, i32
  }
}

module attributes {stable_mosaic.version = 14 : i64} {
  func.func @_upd_body(%arg0: i32, %arg1: memref<1x1024x128xf32, #tpu.memory_space<vmem>>, %arg2: memref<1x1024x128xf32, #tpu.memory_space<vmem>>, %arg3: memref<1024x1xf32, #tpu.memory_space<vmem>>, %arg4: memref<1024x128xf32, #tpu.memory_space<vmem>>, %arg5: memref<1024x128xf32, #tpu.memory_space<vmem>>) attributes {dimension_semantics = [#tpu.dimension_semantics<arbitrary>], iteration_bounds = array<i64: 10>, scalar_prefetch = 0 : i64, scratch_operands = 0 : i64, tpu.core_type = #tpu.core_type<tc>, window_params = [{transform_indices = @transform_0, window_bounds = array<i64: 1, 1024, 128>}, {transform_indices = @transform_1, window_bounds = array<i64: 1, 1024, 128>}, {transform_indices = @transform_2, window_bounds = array<i64: 1024, 1>}, {transform_indices = @transform_3, window_bounds = array<i64: 1024, 128>}, {transform_indices = @transform_4, window_bounds = array<i64: 1024, 128>}]} {
    %get3A = arith.constant 0 : index
    %get3A_0 = arith.constant 0 : index
    %get3A_1 = arith.constant 0 : index
    %get3A_2 = vector.load %arg1[%get3A, %get3A_0, %get3A_1] : memref<1x1024x128xf32, #tpu.memory_space<vmem>>, vector<1x1024x128xf32>
    %get3A_3 = vector.shape_cast %get3A_2 : vector<1x1024x128xf32> to vector<1024x128xf32>
    %get3A_4 = arith.constant 0 : index
    %get3A_5 = arith.constant 0 : index
    %get3A_6 = arith.constant 0 : index
    %get3A_7 = vector.load %arg2[%get3A_4, %get3A_5, %get3A_6] : memref<1x1024x128xf32, #tpu.memory_space<vmem>>, vector<1x1024x128xf32>
    %get3A_8 = vector.shape_cast %get3A_7 : vector<1x1024x128xf32> to vector<1024x128xf32>
    %add3A = arith.addf %get3A_3, %get3A_8 : vector<1024x128xf32>
    %get3A_9 = arith.constant 0 : index
    %get3A_10 = arith.constant 0 : index
    %get3A_11 = vector.load %arg3[%get3A_9, %get3A_10] : memref<1024x1xf32, #tpu.memory_space<vmem>>, vector<1024x1xf32>
    %mul3A = arith.constant 0.899999976 : f32
    %mul3A_12 = vector.broadcast %mul3A : f32 to vector<1024x1xf32>
    %mul3A_13 = arith.mulf %mul3A_12, %get3A_11 : vector<1024x1xf32>
    %mul3A_14 = vector.broadcast %mul3A_13 : vector<1024x1xf32> to vector<1024x128xf32>
    %mul3A_15 = arith.mulf %mul3A_14, %add3A : vector<1024x128xf32>
    %get3A_16 = arith.constant 0 : index
    %get3A_17 = arith.constant 0 : index
    %get3A_18 = vector.load %arg4[%get3A_16, %get3A_17] : memref<1024x128xf32, #tpu.memory_space<vmem>>, vector<1024x128xf32>
    %mul3A_19 = arith.constant 1.000000e-01 : f32
    %mul3A_20 = vector.broadcast %mul3A_19 : f32 to vector<1024x128xf32>
    %mul3A_21 = arith.mulf %mul3A_20, %get3A_18 : vector<1024x128xf32>
    %add3A_22 = arith.addf %mul3A_15, %mul3A_21 : vector<1024x128xf32>
    %swap3A = arith.constant 0 : index
    %swap3A_23 = arith.constant 0 : index
    %swap3A_24 = vector.load %arg5[%swap3A, %swap3A_23] : memref<1024x128xf32, #tpu.memory_space<vmem>>, vector<1024x128xf32>
    tpu.vector_store %arg5[%swap3A, %swap3A_23], %add3A_22 {strides = array<i32>} : memref<1024x128xf32, #tpu.memory_space<vmem>>, vector<1024x128xf32>,
    return
  }
  func.func @transform_0(%arg0: i32) -> (i32, i32, i32) {
    %c0_i32 = arith.constant 0 : i32
    %c0_i32_0 = arith.constant 0 : i32
    %c0_i32_1 = arith.constant 0 : i32
    return %c0_i32, %arg0, %c0_i32_0 : i32, i32, i32
  }
  func.func @transform_1(%arg0: i32) -> (i32, i32, i32) {
    %c1_i32 = arith.constant 1 : i32
    %c0_i32 = arith.constant 0 : i32
    %c0_i32_0 = arith.constant 0 : i32
    return %c1_i32, %arg0, %c0_i32 : i32, i32, i32
  }
  func.func @transform_2(%arg0: i32) -> (i32, i32) {
    %c0_i32 = arith.constant 0 : i32
    %c0_i32_0 = arith.constant 0 : i32
    return %arg0, %c0_i32 : i32, i32
  }
  func.func @transform_3(%arg0: i32) -> (i32, i32) {
    %c0_i32 = arith.constant 0 : i32
    %c0_i32_0 = arith.constant 0 : i32
    return %arg0, %c0_i32 : i32, i32
  }
  func.func @transform_4(%arg0: i32) -> (i32, i32) {
    %c0_i32 = arith.constant 0 : i32
    %c0_i32_0 = arith.constant 0 : i32
    return %arg0, %c0_i32 : i32, i32
  }
}

</mosaic_0001>

<sc_bundles>
// kernel: _run.12.cloned.1.call-start
scs
__scs_entry_jumppad:
0x0: {  	(pc) =	sbr.rel $0x88, $3  }
0x1: {  	(tag) =	ssettag $0x0;
	lr =	simm.s32 $0x1  }
0x2: {  	[smem:$0x3F9A] =	sst lr;
	_ =	strace $0xD0000000  }
0x3: {  	_ = 	snop  }
0x4: {  	_ = 	snop  }
0x5: {  	_ = 	snop  }
0x6: {  	_ = 	snop  }
0x7: {  	_ = 	snop  }
__scs_overlays_trampoline_lowered:
0x8: {  	[smem:$0x3FA9] =	sst s0  }
0x9: {  	[smem:$0x3FAA] =	sst s1  }
0xa: {  	[smem:$0x3FAB] =	sst s2  }
0xb: {  	[smem:$0x3FAC] =	sst s3  }
0xc: {  	[smem:$0x3FAD] =	sst s4  }
0xd: {  	[smem:$0x3FAE] =	sst s5  }
0xe: {  	[smem:$0x3FAF] =	sst s6  }
0xf: {  	[smem:$0x3FB0] =	sst s7  }
0x10: {  	[smem:$0x3FB1] =	sst s8  }
0x11: {  	[smem:$0x3FB2] =	sst s9;
	s0 =	simm.s32 @!p0 $0x0  }
0x12: {  	s1 =	sld [smem:$0x3F98];
	s0 =	simm.s32 @p0 $0x1  }
0x13: {  	[smem:$0x3FB3] =	sst s0;
	s0 =	simm.s32 @!p1 $0x0  }
0x14: {  	s2 =	sld [smem:$0x3F97];
	s0 =	simm.s32 @p1 $0x1  }
0x15: {  	[smem:$0x3FB4] =	sst s0;
	s0 =	simm.s32 @!p2 $0x0  }
0x16: {  	s3 =	sld [smem:$0x3FDB];
	s0 =	simm.s32 @p2 $0x1  }
0x17: {  	s4 =	simm.s32 $0x1BF5;
	[smem:$0x3FB6] =	sst s0  }
0x18: {  	s0 =	sld [smem:$0x3F99];
	_ =	swait.ge [sflag:s4], $0x0  }
0x19: {  	s7 =	sld [smem:$0x3F9A]  }
0x1a: {  	s8 =	sadd.s32 $0xFFFFE003, lr  }
0x1b: {  	s9 =	sadd.s32 $0xFFFFFEF7, lr;
	s5 =	simm.s32 $0xFFFFFFFF;
	p2 =	slt.u32 s8, $0xFFFFF086  }
0x1c: {  	p1 =	slt.u32 s9, $0xF7A;
	s5 =	simm.s32 @!p2 $0x0  }
0x1d: {  	s5 =	simm.s32 @p1 $0x1;
	p0 =	seq.s32 s7, s2  }
0x1e: {  	s7 =	smul.u32 @!p0 $0xF7A, s2;
	p2 =	seq.s32 @!p0 s5, $0x0  }
0x1f: {  	s9 =	smul.u32 $0xF7A, s1;
	s8 =	simm.s32 @!p0 $0x1BF5;
	p2 =	por !p2, p0  }
0x20: {  	[sflag:s8] =	ssyncset.s32 @!p0 $0xFFFFF086;
	s6 =	sadd.s32 @!p0 s3, s7;
	s7 =	simm.s32 @!p0 $0x108  }
0x21: {  	s3 =	sadd.s32 s3, s9;
	s6 =	sadd.s32 @!p0 $0x88, s6;
	s7 =	simm.s32 @p2 $0x1082  }
0x22: {  	[simem:s7], [sflag:s8] =	dma.local @!p0 [hbm:s6], $0xF7A  }
0x23: {  	s9 =	sor.u32 $0xD0000000, s2;
	s6 =	simm.s32 $0x108;
	_ =	swait.ge @!p0 [sflag:s8], $0x0  }
0x24: {  	s3 =	sadd.s32 $0x88, s3;
	s6 =	simm.s32 @!p1 $0x1082;
	[sflag:s4] =	ssyncset.s32 $0xFFFFF086  }
0x25: {  	[simem:s6], [sflag:s4] =	dma.local [hbm:s3], $0xF7A  }
0x26: {  	[smem:$0x3F9A] =	sst s1;
	(tag) =	ssettag s2;
	_ =	strace s9  }
0x27: {  	s1 =	sld [smem:$0x3FAA]  }
0x28: {  	s2 =	sld [smem:$0x3FAB]  }
0x29: {  	s4 =	sld [smem:$0x3FAD]  }
0x2a: {  	p0 =	seq.s32 s5, $0x0;
	s5 =	sld [smem:$0x3FAE]  }
0x2b: {  	s6 =	sld [smem:$0x3FAF]  }
0x2c: {  	s7 =	sld [smem:$0x3FB0]  }
0x2d: {  	s3 =	simm.s32 $0x108;
	s8 =	sld [smem:$0x3FB1]  }
0x2e: {  	s3 =	simm.s32 @!p0 $0x1082;
	s9 =	sld [smem:$0x3FB2]  }
0x2f: {  	lr =	sadd.s32 s0, s3;
	s0 =	sld [smem:$0x3FA9]  }
0x30: {  	s3 =	sld [smem:$0x3FAC]  }
0x31: {  	[smem:$0x3FB5] =	sst s10  }
0x32: {  	s10 =	sld [smem:$0x3FB3];
	_ =	sdelay $0x3  }
0x33: {  	p0 =	seq.s32 s10, $0x1;
	s10 =	sld [smem:$0x3FB5];
	_ =	sdelay $0x3  }
0x34: {  	[smem:$0x3FB5] =	sst s10  }
0x35: {  	s10 =	sld [smem:$0x3FB4];
	_ =	sdelay $0x3  }
0x36: {  	p1 =	seq.s32 s10, $0x1;
	s10 =	sld [smem:$0x3FB5];
	_ =	sdelay $0x3  }
0x37: {  	[smem:$0x3FB5] =	sst s10  }
0x38: {  	s10 =	sld [smem:$0x3FB6]  }
0x39: {  	_ = 	snop;
	(pc) =	sbr.ind lr, $3  }
0x3a: {  	_ = 	snop  }
0x3b: {  	_ = 	snop  }
0x3c: {  	p2 =	seq.s32 s10, $0x1;
	s10 =	sld [smem:$0x3FB5]  }
0x3d: {  	_ =	shalt  }
0x3e: {  	_ =	shalt  }
0x3f: {  	_ =	shalt  }
0x40: {  	_ =	shalt  }
0x41: {  	_ =	shalt  }
0x42: {  	_ =	shalt  }
0x43: {  	_ =	shalt  }
0x44: {  	_ =	shalt  }
0x45: {  	_ =	shalt  }
0x46: {  	_ =	shalt  }
0x47: {  	_ =	shalt  }
0x48: {  	_ =	shalt  }
0x49: {  	_ =	shalt  }
0x4a: {  	_ =	shalt  }
0x4b: {  	_ =	shalt  }
0x4c: {  	_ =	shalt  }
0x4d: {  	_ =	shalt  }
0x4e: {  	_ =	shalt  }
0x4f: {  	_ =	shalt  }
0x50: {  	_ =	shalt  }
0x51: {  	_ =	shalt  }
0x52: {  	_ =	shalt  }
0x53: {  	_ =	shalt  }
0x54: {  	_ =	shalt  }
0x55: {  	_ =	shalt  }
0x56: {  	_ =	shalt  }
0x57: {  	_ =	shalt  }
0x58: {  	_ =	shalt  }
0x59: {  	_ =	shalt  }
0x5a: {  	_ =	shalt  }
0x5b: {  	_ =	shalt  }
0x5c: {  	_ =	shalt  }
0x5d: {  	_ =	shalt  }
0x5e: {  	_ =	shalt  }
0x5f: {  	_ =	shalt  }
0x60: {  	_ =	shalt  }
0x61: {  	_ =	shalt  }
0x62: {  	_ =	shalt  }
0x63: {  	_ =	shalt  }
0x64: {  	_ =	shalt  }
0x65: {  	_ =	shalt  }
0x66: {  	_ =	shalt  }
0x67: {  	_ =	shalt  }
0x68: {  	_ =	shalt  }
0x69: {  	_ =	shalt  }
0x6a: {  	_ =	shalt  }
0x6b: {  	_ =	shalt  }
0x6c: {  	_ =	shalt  }
0x6d: {  	_ =	shalt  }
0x6e: {  	_ =	shalt  }
0x6f: {  	_ =	shalt  }
0x70: {  	_ =	shalt  }
0x71: {  	_ =	shalt  }
0x72: {  	_ =	shalt  }
0x73: {  	_ =	shalt  }
0x74: {  	_ =	shalt  }
0x75: {  	_ =	shalt  }
0x76: {  	_ =	shalt  }
0x77: {  	_ =	shalt  }
0x78: {  	_ =	shalt  }
0x79: {  	_ =	shalt  }
0x7a: {  	_ =	shalt  }
0x7b: {  	_ =	shalt  }
0x7c: {  	_ =	shalt  }
0x7d: {  	_ =	shalt  }
0x7e: {  	_ =	shalt  }
0x7f: {  	_ =	shalt  }
0x80: {  	_ =	shalt  }
0x81: {  	_ =	shalt  }
0x82: {  	_ =	shalt  }
0x83: {  	_ =	shalt  }
0x84: {  	_ =	shalt  }
0x85: {  	_ =	shalt  }
0x86: {  	_ =	shalt  }
0x87: {  	_ =	shalt  }
.Lfunc_end0:
.L_simem_size_0:
called_computation.1_lowered:
.L_overlay_start_0:
0x88: {  	s2 =	sld [smem:$0x3FD9]  }
0x89: {  	s3 =	sld [smem:$0x3FFE];
	_ =	sdelay $0x1  }
0x8a: {  	s1 =	srdreg.scid  }
0x8b: {  	s0 =	sand.u32 $0x1, s1  }
0x8c: {  	s14 =	sshll.u32 s0, $0xA;
	s2 =	sadd.s32 s3, s2  }
0x8d: {  	s2 =	sadd.s32 s2, s14  }
0x8e: {  	[smem:$0x3FC1] =	sst s2  }
0x8f: {  	_ = 	snop  }
0x90: {  	s2 =	sld [smem:$0x3FD0];
	_ =	sdelay $0x2  }
0x91: {  	s15 =	simm.s32 $0xA;
	s4 =	simm.s32 $0x10  }
0x92: {  	[smem:s4], [sflag:s15] =	dma.local [hbm:s2], $0x1  }
0x93: {  	_ =	swait.eq [sflag:s15], $0x1  }
0x94: {  	[sflag:s15] =	ssyncset.done $0x0  }
0x95: {  	[sflag:s15] =	ssyncadd.s32 $0xFFFFFFFF  }
0x96: {  	s16 =	sld [smem:$0x11];
	(tm) =	ssettm $0x1  }
0x97: {  	s17 =	sld [smem:$0x3FFB];
	_ =	sdelay $0x3  }
0x98: {  	_ =	strace s17  }
0x99: {  	s3 =	sld [smem:$0x3FFC];
	_ =	sdelay $0x3  }
0x9a: {  	_ =	strace s3  }
0x9b: {  	s3 =	sld [smem:$0x3FFD];
	_ =	sdelay $0x3  }
0x9c: {  	_ =	strace s3  }
0x9d: {  	_ =	strace $0x8FFFFFFF  }
0x9e: {  	s18 =	sld [smem:$0x3FDB];
	_ =	sdelay $0x1  }
0x9f: {  	s19 =	simm.s32 $_scs_section_size  }
0xa0: {  	s5 =	simm.s32 $_size__tile_overlayer_lowered;
	s6 =	simm.s32 $_tile_overlayer_lowered  }
0xa1: {  	s22 =	simm.s32 $0x1BFF;
	s21 =	sshll.u32 s6, $0x1;
	s3 =	sadd.s32 s19, s18  }
0xa2: {  	s7 =	simm.s32 $0x0;
	s20 =	sshll.u32 s5, $0x1;
	s5 =	sadd.s32 s21, s3  }
0xa3: {  	[timem:s7], [sflag:s22] =	dma.local [hbm:s5], s20  }
0xa4: {  	_ =	swait.ge [sflag:s22], s20  }
0xa5: {  	s4 =	ssub.s32 $0x0, s20;
	[sflag:s22] =	ssyncset.done $0x0  }
0xa6: {  	[sflag:s22] =	ssyncadd.s32 s4;
	_ =	sdelay $0x1  }
0xa7: {  	s23 =	simm.s32 $0x1B8B  }
0xa8: {  	_ =	swait.ge [sflag:s23], $0x1  }
0xa9: {  	[sflag:s23] =	ssyncset.done $0x0  }
0xaa: {  	s25 =	simm.s32 $0x1B8E;
	s24 =	sld [smem:$0x3FFE];
	[sflag:s23] =	ssyncadd.s32 $0xFFFFFFFF  }
0xab: {  	s26 =	simm.s32 $execute0_lowered;
	[smem:$0x3FD2] =	sst s25  }
0xac: {  	s5 =	sshll.u32 s26, $0x1;
	_ =	strace $0x80000049;
	[dreg:$0x1] =	wrdreg $0xFFFFFFFF  }
0xad: {  	s28 =	simm.s32 $_size_execute0_lowered;
	s3 =	sadd.s32 s3, s5;
	[dreg:$0x0] =	wrdreg $0x0  }
0xae: {  	s5 =	sshll.u32 s28, $0x1;
	[dreg:$0x2] =	wrdreg s3  }
0xaf: {  	[dreg:$0x3] =	wrdreg s5  }
0xb0: {  	[dreg:$0x4] =	wrdreg $0xC0  }
0xb1: {  	_ =	task [dreg:s7], $0x5FFFF  }
0xb2: {  	[dreg:$0x1] =	wrdreg $0xFFFFFFFF  }
0xb3: {  	[dreg:$0x0] =	wrdreg $0x60  }
0xb4: {  	[dreg:$0x2] =	wrdreg s24  }
0xb5: {  	[dreg:$0x3] =	wrdreg s16  }
0xb6: {  	[dreg:$0x4] =	wrdreg $0x0  }
0xb7: {  	[dreg:$0x5] =	wrdreg $0x9  }
0xb8: {  	_ =	task.clear_ibuf [dreg:s7], $0x6FFFF;
	_ =	strace $0x90000049  }
0xb9: {  	s29 =	simm.s32 $0x9;
	_ =	strace $0x8000004B  }
0xba: {  	_ =	swait.ge [sflag:s29], $0x1  }
0xbb: {  	[sflag:s29] =	ssyncadd.s32 $0xFFFFFFFF  }
0xbc: {  	_ =	strace $0x9000004B  }
0xbd: {  	_ =	sfence  }
0xbe: {  	s30 =	sld [smem:$0x0];
	_ =	sdelay $0x2  }
0xbf: {  	s31 =	sshll.u32 s1, $0xD;
	s1 =	sshrl.u32 s1, $0x2  }
0xc0: {  	s3 =	sand.u32 $0x4000, s31;
	s1 =	sadd.s32 s1, s30  }
0xc1: {  	s0 =	sor.u32 s3, s0;
	s1 =	sshll.u32 s1, $0x11  }
0xc2: {  	s0 =	sor.u32 s1, s0  }
0xc3: {  	s0 =	sadd.s32 $0x8F2B, s0  }
0xc4: {  	[sflag:s0] =	ssyncadd.remote.s32 $0x1  }
0xc5: {  	_ =	sfence.sel $0xFFFF  }
0xc6: {  	[dreg:$0x0] =	wrdreg $0xFFFFFFFF;
	(pc) =	sbr.abs _section_cstart, $3  }
0xc7: {  	[dreg:$0x1] =	wrdreg $0xFFFFFFFF  }
0xc8: {  	_ =	task.clear_ibuf [dreg:s7], $0x2FFFF;
	_ =	strace $0x9FFFFFFF  }
0xc9: {  	(tm) =	ssettm $0x7FFFFFFF  }
tec
execute0_lowered:
.L_overlay_start_1:
0x0: {  	(tag) =	ssettag $0x1  }
0x1: {  	s0 =	rddreg [dreg:$0x0]  }
0x2: {  	s2 =	rddreg [dreg:$0x1]  }
0x3: {  	s1 =	rddreg [dreg:$0x2]  }
0x4: {  	s3 =	srdreg.scid;
	s4 =	simm.s32 $0x0;
	s10 =	stileid.u32  }
0x5: {  	s28 =	simm.s32 $0x1A800;
	s29 =	simm.s32 $0x1;
	s30 =	simm.s32 $0x2  }
0x6: {  	s31 =	simm.s32 $0x15380;
	s3 =	sand.u32 $0x1, s3;
	s6 =	smul.u32 $0x14000, s10  }
0x7: {  	[smem:$0x7FF] =	sst s4;
	s4 =	sadd.s32 $0xC600, s0;
	s9 =	smul.u32 $0x50000, s10  }
0x8: {  	s7 =	sadd.s32 $0x2600, s0;
	s19 =	sshll.u32 s10, $0x1;
	s22 =	smul.u32 $0x2800, s10  }
0x9: {  	s5 =	smul.u32 $0x140000, s3;
	_ =	strace $0x8000004A;
	s18 =	ssub.s32 $0x2, s3  }
0xa: {  	s20 =	sor.u32 s3, s19;
	p0 =	sne.s32 s3, $0x0;
	s8 =	sshrl.u32 s18, $0x1  }
0xb: {  	s21 =	sshrl.u32 s9, $0x2;
	s23 =	smul.u32 $0x2800, s20;
	s24 =	sadd.s32 s4, s22  }
0xc: {  	s22 =	simm.s32 $0x14000;
	s5 =	sadd.s32 s6, s5;
	s13 =	ssub.s32 s18, s8  }
0xd: {  	s6 =	sadd.s32 $0x33E00, s0;
	[dreg:$0x4] =	wrdreg s24;
	s5 =	sshrl.u32 s5, $0x3  }
0xe: {  	s24 =	simm.s32 $0x15400;
	s13 =	smax.u32 s13, $0x1;
	s12 =	sadd.s32 s5, s0  }
0xf: {  	s5 =	sadd.s32 s21, s1;
	s0 =	sshrl.u32 s23, $0x3;
	s23 =	simm.s32 $0x3  }
0x10: {  	s16 =	sadd.s32 $0x4000, s5;
	s17 =	sadd.s32 $0x8000, s5;
	s18 =	sadd.s32 $0xC000, s5  }
0x11: {  	s19 =	sadd.s32 $0x10000, s5;
	s25 =	sadd.s32 s7, s0;
	s26 =	sadd.s32 s2, s0  }
0x12: {  	s0 =	sadd.s32 $0x280, s0;
	s12 =	sadd.s32 $0x34600, s12;
	[dreg:$0x5] =	wrdreg s25  }
0x13: {  	s15 =	sshrl.u32 @p0 s5, $0x3;
	s21 =	sshrl.u32 @!p0 s5, $0x3;
	[dreg:$0x6] =	wrdreg s26  }
0x14: {  	s7 =	sadd.s32 s7, s0;
	s11 =	sadd.s32 s2, s0;
	s0 =	sshll.u32 @p0 s10, $0x6  }
0x15: {  	s16 =	sshrl.u32 @p0 s16, $0x3;
	s17 =	sshrl.u32 @p0 s17, $0x3;
	s18 =	sshrl.u32 @p0 s18, $0x3  }
0x16: {  	s19 =	sshrl.u32 @p0 s19, $0x3;
	s25 =	simm.s32 $0x80;
	s26 =	simm.s32 $0x16800  }
0x17: {  	s2 =	simm.s32 $0x0;
	s14 =	sor.u32 @p0 $0x1C03, s0;
	s0 =	sshll.u32 @!p0 s10, $0x6  }
0x18: {  	[dreg:$0x7] =	wrdreg s7;
	s20 =	sor.u32 @!p0 $0x1C03, s0;
	s0 =	simm.s32 $0x16700  }
.LBB2_1:
0x19: {  	[spmem:s15], [sflag:s14] =	dma.local @p0 [hbm:s6], $0x800  }
0x1a: {  	s3 =	simm.s32 @p0 $0x3  }
0x1b: {  	_ =	swait.ge @p0 [sflag:s3], $0x800  }
0x1c: {  	[sflag:s3] =	ssyncset.done @p0 $0x0  }
0x1d: {  	[sflag:s3] =	ssyncadd.s32 @p0 $0xFFFFF800  }
0x1e: {  	[spmem:s16], [sflag:s14] =	dma.local @p0 [hbm:s6], $0x800  }
0x1f: {  	_ =	swait.ge @p0 [sflag:s3], $0x800  }
0x20: {  	[sflag:s3] =	ssyncset.done @p0 $0x0  }
0x21: {  	[sflag:s3] =	ssyncadd.s32 @p0 $0xFFFFF800  }
0x22: {  	[spmem:s17], [sflag:s14] =	dma.local @p0 [hbm:s6], $0x800  }
0x23: {  	_ =	swait.ge @p0 [sflag:s3], $0x800  }
0x24: {  	[sflag:s3] =	ssyncset.done @p0 $0x0  }
0x25: {  	[sflag:s3] =	ssyncadd.s32 @p0 $0xFFFFF800  }
0x26: {  	[spmem:s18], [sflag:s14] =	dma.local @p0 [hbm:s6], $0x800  }
0x27: {  	_ =	swait.ge @p0 [sflag:s3], $0x800  }
0x28: {  	[sflag:s3] =	ssyncset.done @p0 $0x0  }
0x29: {  	[sflag:s3] =	ssyncadd.s32 @p0 $0xFFFFF800  }
0x2a: {  	[spmem:s19], [sflag:s14] =	dma.local @p0 [hbm:s6], $0x800  }
0x2b: {  	_ =	swait.ge @p0 [sflag:s3], $0x800  }
0x2c: {  	[sflag:s3] =	ssyncset.done @p0 $0x0  }
0x2d: {  	[sflag:s3] =	ssyncadd.s32 @p0 $0xFFFFF800;
	s3 =	rddreg [dreg:$0x4]  }
0x2e: {  	[spmem:s21], [sflag:s20] =	dma.local @!p0 [hbm:s3], $0x2800  }
0x2f: {  	s3 =	simm.s32 @!p0 $0x3  }
0x30: {  	_ =	swait.ge @!p0 [sflag:s3], $0x2800  }
0x31: {  	[sflag:s3] =	ssyncset.done @!p0 $0x0  }
0x32: {  	[sflag:s3] =	ssyncadd.s32 @!p0 $0xFFFFD800  }
0x33: {  	[bflag:$0x0] =	sbarrier.arrive $0xFFFF  }
0x34: {  	s9 =	simm.s32 $0x0;
	s7 =	rddreg [dreg:$0x5]  }
0x35: {  	[tilespmem:s22], [sflag:$0x3] =	stream.linear.gather [hbm4b:s7+s9], $0x1400, $0x38;
	[tilespmem:$0x1E800] =	vst v63  }
0x36: {  	_ =	swait.ge [sflag:s23], $0x1400  }
0x37: {  	[sflag:s23] =	ssyncset.done $0x0  }
0x38: {  	s10 =	rddreg [dreg:$0x6];
	[sflag:s23] =	ssyncadd.s32 $0xFFFFEC00  }
0x39: {  	[tilespmem:s24], [sflag:$0x3] =	stream.linear.gather [hbm4b:s10+s9], $0x1400, $0x38;
	[tilespmem:$0x1E800] =	vst v63  }
0x3a: {  	_ =	swait.ge [sflag:s23], $0x1400  }
0x3b: {  	[sflag:s23] =	ssyncset.done $0x0  }
0x3c: {  	[sflag:s23] =	ssyncadd.s32 $0xFFFFEC00  }
0x3d: {  	[tilespmem:s26], [sflag:$0x1] =	stream.indirect.gather [hbm4b:s4+s25], $0x80, s22, s25, $0xb8;
	[tilespmem:$0x1E800] =	vst v63  }
0x3e: {  	s7 =	simm.s32 $0x14080  }
0x3f: {  	[tilespmem:s28], [sflag:$0x2] =	stream.indirect.gather [hbm4b:s4+s25], $0x80, s7, s25, $0xb8;
	[tilespmem:$0x1E800] =	vst v63  }
0x40: {  	_ =	swait.ge [sflag:s29], $0x4000  }
0x41: {  	[sflag:s29] =	ssyncset.done $0x0  }
0x42: {  	s8 =	simm.s32 $0x15400;
	[sflag:s29] =	ssyncadd.s32 $0xFFFFC000  }
0x43: {  	[spmem:s1] =	stream.indirect.scatter.add.f32 [tilespmem:s26], [sflag:$0x3], $0x80, s8, s25, $0xb8;
	[tilespmem:$0x1E800] =	vst v63  }
0x44: {  	_ =	swait.ge [sflag:s23], $0x4000  }
0x45: {  	[sflag:s23] =	ssyncset.done $0x0  }
0x46: {  	s9 =	simm.s32 $0x14100;
	[sflag:s23] =	ssyncadd.s32 $0xFFFFC000  }
0x47: {  	[tilespmem:s26], [sflag:$0x1] =	stream.indirect.gather [hbm4b:s4+s25], $0x80, s9, s25, $0xb8;
	[tilespmem:$0x1E800] =	vst v63  }
0x48: {  	_ =	swait.ge [sflag:s30], $0x4000  }
0x49: {  	[sflag:s30] =	ssyncset.done $0x0  }
0x4a: {  	s10 =	simm.s32 $0x15480;
	[sflag:s30] =	ssyncadd.s32 $0xFFFFC000  }
0x4b: {  	[spmem:s1] =	stream.indirect.scatter.add.f32 [tilespmem:s28], [sflag:$0x3], $0x80, s10, s25, $0xb8;
	[tilespmem:$0x1E800] =	vst v63  }
0x4c: {  	_ =	swait.ge [sflag:s23], $0x4000  }
0x4d: {  	s3 =	simm.s32 $0x100;
	s7 =	simm.s32 $0x800;
	[sflag:s23] =	ssyncset.done $0x0  }
.LBB2_2:
0x4e: {  	s8 =	sadd.s32 $0x14080, s3  }
0x4f: {  	[sflag:s23] =	ssyncadd.s32 $0xFFFFC000;
	s9 =	smov.u32 s7;
	s10 =	sadd.s32 $0x400, s7  }
0x50: {  	[tilespmem:s28], [sflag:$0x2] =	stream.indirect.gather [hbm4b:s4+s25], $0x80, s8, s25, $0xb8;
	[tilespmem:$0x1E800] =	vst v63  }
0x51: {  	p1 =	sne.s32 s7, $0x4800;
	_ =	swait.ge [sflag:s29], $0x4000  }
0x52: {  	[sflag:s29] =	ssyncset.done $0x0  }
0x53: {  	s7 =	sadd.s32 $0x15400, s3;
	[sflag:s29] =	ssyncadd.s32 $0xFFFFC000  }
0x54: {  	[spmem:s1] =	stream.indirect.scatter.add.f32 [tilespmem:s26], [sflag:$0x3], $0x80, s7, s25, $0xb8;
	[tilespmem:$0x1E800] =	vst v63  }
0x55: {  	_ =	swait.ge [sflag:s23], $0x4000  }
0x56: {  	[sflag:s23] =	ssyncset.done $0x0  }
0x57: {  	s7 =	sadd.s32 $0x14100, s3;
	[sflag:s23] =	ssyncadd.s32 $0xFFFFC000  }
0x58: {  	[tilespmem:s26], [sflag:$0x1] =	stream.indirect.gather [hbm4b:s4+s25], $0x80, s7, s25, $0xb8;
	[tilespmem:$0x1E800] =	vst v63  }
0x59: {  	_ =	swait.ge [sflag:s30], $0x4000  }
.Ltmp0:
0x5a: {  	[sflag:s30] =	ssyncset.done $0x0;
	(pc) =	sbr.rel @p1 .LBB2_2-.Ltmp0, $4  }
0x5b: {  	s3 =	sadd.s32 $0x15480, s3;
	[sflag:s30] =	ssyncadd.s32 $0xFFFFC000  }
0x5c: {  	[spmem:s1] =	stream.indirect.scatter.add.f32 [tilespmem:s28], [sflag:$0x3], $0x80, s3, s25, $0xb8;
	[tilespmem:$0x1E800] =	vst v63  }
0x5d: {  	_ =	swait.ge [sflag:s23], $0x4000  }
0x5e: {  	s7 =	smov.u32 s10;
	s3 =	sshra.s32 s9, $0x2;
	[sflag:s23] =	ssyncset.done $0x0  }
0x5f: {  	s7 =	sadd.s32 $0x14080, s3;
	[sflag:s23] =	ssyncadd.s32 $0xFFFFC000  }
0x60: {  	[tilespmem:s28], [sflag:$0x2] =	stream.indirect.gather [hbm4b:s4+s25], $0x80, s7, s25, $0xb8;
	[tilespmem:$0x1E800] =	vst v63  }
0x61: {  	_ =	swait.ge [sflag:s29], $0x4000  }
0x62: {  	[sflag:s29] =	ssyncset.done $0x0  }
0x63: {  	s9 =	sadd.s32 $0x15400, s3;
	[sflag:s29] =	ssyncadd.s32 $0xFFFFC000  }
0x64: {  	[spmem:s1] =	stream.indirect.scatter.add.f32 [tilespmem:s26], [sflag:$0x3], $0x80, s9, s25, $0xb8;
	[tilespmem:$0x1E800] =	vst v63  }
0x65: {  	_ =	swait.ge [sflag:s23], $0x4000  }
0x66: {  	[sflag:s23] =	ssyncset.done $0x0  }
0x67: {  	s10 =	sadd.s32 $0x14100, s3;
	[sflag:s23] =	ssyncadd.s32 $0xFFFFC000  }
0x68: {  	[tilespmem:s26], [sflag:$0x1] =	stream.indirect.gather [hbm4b:s4+s25], $0x80, s10, s25, $0xb8;
	[tilespmem:$0x1E800] =	vst v63  }
0x69: {  	_ =	swait.ge [sflag:s30], $0x4000  }
0x6a: {  	[sflag:s30] =	ssyncset.done $0x0  }
0x6b: {  	s7 =	sadd.s32 $0x15480, s3;
	[sflag:s30] =	ssyncadd.s32 $0xFFFFC000  }
0x6c: {  	[spmem:s1] =	stream.indirect.scatter.add.f32 [tilespmem:s28], [sflag:$0x3], $0x80, s7, s25, $0xb8;
	[tilespmem:$0x1E800] =	vst v63  }
0x6d: {  	_ =	swait.ge [sflag:s23], $0x4000  }
0x6e: {  	[sflag:s23] =	ssyncset.done $0x0  }
0x6f: {  	[sflag:s23] =	ssyncadd.s32 $0xFFFFC000  }
0x70: {  	[tilespmem:s28], [sflag:$0x2] =	stream.indirect.gather [hbm4b:s4+s25], $0x80, s31, s25, $0xb8;
	[tilespmem:$0x1E800] =	vst v63  }
0x71: {  	_ =	swait.ge [sflag:s29], $0x4000  }
0x72: {  	[sflag:s29] =	ssyncset.done $0x0  }
0x73: {  	[sflag:s29] =	ssyncadd.s32 $0xFFFFC000  }
0x74: {  	[spmem:s1] =	stream.indirect.scatter.add.f32 [tilespmem:s26], [sflag:$0x3], $0x80, s0, s25, $0xb8;
	[tilespmem:$0x1E800] =	vst v63  }
0x75: {  	_ =	swait.ge [sflag:s23], $0x4000  }
0x76: {  	[sflag:s23] =	ssyncset.done $0x0  }
0x77: {  	[sflag:s23] =	ssyncadd.s32 $0xFFFFC000  }
0x78: {  	[tilespmem:s26], [sflag:$0x1] =	stream.indirect.gather [hbm4b:s4+s25], $0x80, s31, s25, $0xb8;
	[tilespmem:$0x1E800] =	vst v63  }
0x79: {  	_ =	swait.ge [sflag:s30], $0x4000  }
0x7a: {  	[sflag:s30] =	ssyncset.done $0x0  }
0x7b: {  	s8 =	simm.s32 $0x16780;
	[sflag:s30] =	ssyncadd.s32 $0xFFFFC000  }
0x7c: {  	[spmem:s1] =	stream.indirect.scatter.add.f32 [tilespmem:s28], [sflag:$0x3], $0x80, s8, s25, $0xb8;
	[tilespmem:$0x1E800] =	vst v63  }
0x7d: {  	_ =	swait.ge [sflag:s23], $0x4000  }
0x7e: {  	[sflag:s23] =	ssyncset.done $0x0  }
0x7f: {  	[sflag:s23] =	ssyncadd.s32 $0xFFFFC000  }
0x80: {  	_ =	swait.ge [sflag:s29], $0x4000  }
0x81: {  	[sflag:s29] =	ssyncset.done $0x0  }
0x82: {  	s9 =	simm.s32 $0x0;
	s10 =	rddreg [dreg:$0x7];
	[sflag:s29] =	ssyncadd.s32 $0xFFFFC000  }
0x83: {  	[tilespmem:s22], [sflag:$0x3] =	stream.linear.gather [hbm4b:s10+s9], $0x1380, $0x38;
	[tilespmem:$0x1E800] =	vst v63  }
0x84: {  	_ =	swait.ge [sflag:s23], $0x1380  }
0x85: {  	[sflag:s23] =	ssyncset.done $0x0  }
0x86: {  	[sflag:s23] =	ssyncadd.s32 $0xFFFFEC80  }
0x87: {  	[tilespmem:s24], [sflag:$0x3] =	stream.linear.gather [hbm4b:s11+s9], $0x1380, $0x38;
	[tilespmem:$0x1E800] =	vst v63  }
0x88: {  	_ =	swait.ge [sflag:s23], $0x1380  }
0x89: {  	[sflag:s23] =	ssyncset.done $0x0  }
0x8a: {  	[sflag:s23] =	ssyncadd.s32 $0xFFFFEC80  }
0x8b: {  	[tilespmem:s26], [sflag:$0x1] =	stream.indirect.gather [hbm4b:s4+s25], $0x80, s22, s25, $0xb8;
	[tilespmem:$0x1E800] =	vst v63  }
0x8c: {  	s7 =	simm.s32 $0x14080  }
0x8d: {  	[tilespmem:s28], [sflag:$0x2] =	stream.indirect.gather [hbm4b:s4+s25], $0x80, s7, s25, $0xb8;
	[tilespmem:$0x1E800] =	vst v63  }
0x8e: {  	_ =	swait.ge [sflag:s29], $0x4000  }
0x8f: {  	[sflag:s29] =	ssyncset.done $0x0  }
0x90: {  	s8 =	simm.s32 $0x15400;
	[sflag:s29] =	ssyncadd.s32 $0xFFFFC000  }
0x91: {  	[spmem:s1] =	stream.indirect.scatter.add.f32 [tilespmem:s26], [sflag:$0x3], $0x80, s8, s25, $0xb8;
	[tilespmem:$0x1E800] =	vst v63  }
0x92: {  	_ =	swait.ge [sflag:s23], $0x4000  }
0x93: {  	[sflag:s23] =	ssyncset.done $0x0  }
0x94: {  	s9 =	simm.s32 $0x14100;
	[sflag:s23] =	ssyncadd.s32 $0xFFFFC000  }
0x95: {  	[tilespmem:s26], [sflag:$0x1] =	stream.indirect.gather [hbm4b:s4+s25], $0x80, s9, s25, $0xb8;
	[tilespmem:$0x1E800] =	vst v63  }
0x96: {  	_ =	swait.ge [sflag:s30], $0x4000  }
0x97: {  	[sflag:s30] =	ssyncset.done $0x0  }
0x98: {  	s10 =	simm.s32 $0x15480;
	[sflag:s30] =	ssyncadd.s32 $0xFFFFC000  }
0x99: {  	[spmem:s1] =	stream.indirect.scatter.add.f32 [tilespmem:s28], [sflag:$0x3], $0x80, s10, s25, $0xb8;
	[tilespmem:$0x1E800] =	vst v63  }
0x9a: {  	_ =	swait.ge [sflag:s23], $0x4000  }
0x9b: {  	s3 =	simm.s32 $0x100;
	s7 =	simm.s32 $0x800;
	[sflag:s23] =	ssyncset.done $0x0  }
.LBB2_4:
0x9c: {  	s8 =	sadd.s32 $0x14080, s3  }
0x9d: {  	[sflag:s23] =	ssyncadd.s32 $0xFFFFC000;
	s9 =	smov.u32 s7;
	s10 =	sadd.s32 $0x400, s7  }
0x9e: {  	[tilespmem:s28], [sflag:$0x2] =	stream.indirect.gather [hbm4b:s4+s25], $0x80, s8, s25, $0xb8;
	[tilespmem:$0x1E800] =	vst v63  }
0x9f: {  	p1 =	sne.s32 s7, $0x4800;
	_ =	swait.ge [sflag:s29], $0x4000  }
0xa0: {  	[sflag:s29] =	ssyncset.done $0x0  }
0xa1: {  	s7 =	sadd.s32 $0x15400, s3;
	[sflag:s29] =	ssyncadd.s32 $0xFFFFC000  }
0xa2: {  	[spmem:s1] =	stream.indirect.scatter.add.f32 [tilespmem:s26], [sflag:$0x3], $0x80, s7, s25, $0xb8;
	[tilespmem:$0x1E800] =	vst v63  }
0xa3: {  	_ =	swait.ge [sflag:s23], $0x4000  }
0xa4: {  	[sflag:s23] =	ssyncset.done $0x0  }
0xa5: {  	s7 =	sadd.s32 $0x14100, s3;
	[sflag:s23] =	ssyncadd.s32 $0xFFFFC000  }
0xa6: {  	[tilespmem:s26], [sflag:$0x1] =	stream.indirect.gather [hbm4b:s4+s25], $0x80, s7, s25, $0xb8;
	[tilespmem:$0x1E800] =	vst v63  }
0xa7: {  	_ =	swait.ge [sflag:s30], $0x4000  }
.Ltmp1:
0xa8: {  	[sflag:s30] =	ssyncset.done $0x0;
	(pc) =	sbr.rel @p1 .LBB2_4-.Ltmp1, $4  }
0xa9: {  	s3 =	sadd.s32 $0x15480, s3;
	[sflag:s30] =	ssyncadd.s32 $0xFFFFC000  }
0xaa: {  	[spmem:s1] =	stream.indirect.scatter.add.f32 [tilespmem:s28], [sflag:$0x3], $0x80, s3, s25, $0xb8;
	[tilespmem:$0x1E800] =	vst v63  }
0xab: {  	_ =	swait.ge [sflag:s23], $0x4000  }
0xac: {  	s7 =	smov.u32 s10;
	s3 =	sshra.s32 s9, $0x2;
	[sflag:s23] =	ssyncset.done $0x0  }
0xad: {  	s7 =	sadd.s32 $0x14080, s3;
	[sflag:s23] =	ssyncadd.s32 $0xFFFFC000  }
0xae: {  	[tilespmem:s28], [sflag:$0x2] =	stream.indirect.gather [hbm4b:s4+s25], $0x80, s7, s25, $0xb8;
	[tilespmem:$0x1E800] =	vst v63  }
0xaf: {  	_ =	swait.ge [sflag:s29], $0x4000  }
0xb0: {  	[sflag:s29] =	ssyncset.done $0x0  }
0xb1: {  	s9 =	sadd.s32 $0x15400, s3;
	[sflag:s29] =	ssyncadd.s32 $0xFFFFC000  }
0xb2: {  	[spmem:s1] =	stream.indirect.scatter.add.f32 [tilespmem:s26], [sflag:$0x3], $0x80, s9, s25, $0xb8;
	[tilespmem:$0x1E800] =	vst v63  }
0xb3: {  	_ =	swait.ge [sflag:s23], $0x4000  }
0xb4: {  	[sflag:s23] =	ssyncset.done $0x0  }
0xb5: {  	s10 =	sadd.s32 $0x14100, s3;
	[sflag:s23] =	ssyncadd.s32 $0xFFFFC000  }
0xb6: {  	[tilespmem:s26], [sflag:$0x1] =	stream.indirect.gather [hbm4b:s4+s25], $0x80, s10, s25, $0xb8;
	[tilespmem:$0x1E800] =	vst v63  }
0xb7: {  	_ =	swait.ge [sflag:s30], $0x4000  }
0xb8: {  	[sflag:s30] =	ssyncset.done $0x0  }
0xb9: {  	s8 =	sadd.s32 $0x15480, s3;
	[sflag:s30] =	ssyncadd.s32 $0xFFFFC000  }
0xba: {  	[spmem:s1] =	stream.indirect.scatter.add.f32 [tilespmem:s28], [sflag:$0x3], $0x80, s8, s25, $0xb8;
	[tilespmem:$0x1E800] =	vst v63  }
0xbb: {  	_ =	swait.ge [sflag:s23], $0x4000  }
0xbc: {  	[sflag:s23] =	ssyncset.done $0x0  }
0xbd: {  	[sflag:s23] =	ssyncadd.s32 $0xFFFFC000  }
0xbe: {  	_ =	swait.ge [sflag:s29], $0x4000  }
0xbf: {  	[sflag:s29] =	ssyncset.done $0x0  }
0xc0: {  	[sflag:s29] =	ssyncadd.s32 $0xFFFFC000  }
0xc1: {  	[spmem:s1] =	stream.indirect.scatter.add.f32 [tilespmem:s26], [sflag:$0x3], $0x80, s0, s25, $0xb8;
	[tilespmem:$0x1E800] =	vst v63  }
0xc2: {  	s9 =	stileid.u32;
	_ =	swait.ge [sflag:s23], $0x4000  }
0xc3: {  	s2 =	sadd.s32 $0x1, s2;
	s3 =	sshll.u32 s9, $0x6;
	[sflag:s23] =	ssyncset.done $0x0  }
0xc4: {  	p1 =	sne.s32 s2, s13;
	s3 =	sor.u32 $0x1C03, s3;
	[sflag:s23] =	ssyncadd.s32 $0xFFFFC000  }
.Ltmp2:
0xc5: {  	s10 =	sshrl.u32 s5, $0x3;
	[bflag:$0x0] =	sbarrier.arrive $0xFFFF;
	(pc) =	sbr.rel @p1 .LBB2_1-.Ltmp2, $4  }
0xc6: {  	[hbm:s12], [sflag:s3] =	dma.local [spmem:s10], $0x2800  }
0xc7: {  	_ =	swait.ge [sflag:s23], $0x2800  }
0xc8: {  	[sflag:s23] =	ssyncset.done $0x0  }
0xc9: {  	[sflag:s23] =	ssyncadd.s32 $0xFFFFD800  }
0xca: {  	_ =	sfence.sel $0x180000  }
0xcb: {  	[bflag:$0x0] =	sbarrier.arrive $0xFFFF  }
0xcc: {  	_ =	strace $0x9000004A  }
0xcd: {  	s0 =	stileid.u32;
	[bflag:$0x2] =	sbarrier.arrive $0xFFFF  }
0xce: {  	p0 =	sne.s32 s0, $0x0;
	s0 =	rddreg [dreg:$0x3]  }
0xcf: {  	s0 =	sadd.s32 @!p0 $0x100000, s0  }
0xd0: {  	[sflag:s0] =	ssyncadd.tile.s32 @!p0 $0x1;
	_ =	shalt  }
.Lfunc_end2:
_tile_overlayer_lowered:
.L_overlay_start_2:
0xd1: {  	(tag) =	ssettag $0x2  }
0xd2: {  	s0 =	rddreg [dreg:$0x0];
	s2 =	stileid.u32  }
0xd3: {  	s1 =	rddreg [dreg:$0x1];
	p0 =	sne.s32 s2, $0x0  }
0xd4: {  	s3 =	rddreg [dreg:$0x2];
	[bflag:$0x3] =	sbarrier.arrive $0xFFFF;
	s2 =	simm.s32 @!p0 $0x1C03  }
0xd5: {  	[timem:s3], [sflag:s2] =	dma.local @!p0 [hbm:s0], s1  }
0xd6: {  	s0 =	simm.s32 @!p0 $0x3  }
0xd7: {  	_ =	swait.ge @!p0 [sflag:s0], s1  }
0xd8: {  	s1 =	ssub.s32 @!p0 $0x0, s1;
	[sflag:s0] =	ssyncset.done @!p0 $0x0  }
0xd9: {  	[sflag:s0] =	ssyncadd.s32 @!p0 s1  }
0xda: {  	[bflag:$0x3] =	sbarrier.arrive $0xFFFF  }
0xdb: {  	_ =	shalt  }

// kernel: _run.15.cloned.1.call-start
scs
__scs_entry_jumppad:
0x0: {  	(pc) =	sbr.rel $0x88, $3  }
0x1: {  	(tag) =	ssettag $0x0;
	lr =	simm.s32 $0x1  }
0x2: {  	[smem:$0x3F9A] =	sst lr;
	_ =	strace $0xD0000000  }
0x3: {  	_ = 	snop  }
0x4: {  	_ = 	snop  }
0x5: {  	_ = 	snop  }
0x6: {  	_ = 	snop  }
0x7: {  	_ = 	snop  }
__scs_overlays_trampoline_lowered:
0x8: {  	[smem:$0x3FA9] =	sst s0  }
0x9: {  	[smem:$0x3FAA] =	sst s1  }
0xa: {  	[smem:$0x3FAB] =	sst s2  }
0xb: {  	[smem:$0x3FAC] =	sst s3  }
0xc: {  	[smem:$0x3FAD] =	sst s4  }
0xd: {  	[smem:$0x3FAE] =	sst s5  }
0xe: {  	[smem:$0x3FAF] =	sst s6  }
0xf: {  	[smem:$0x3FB0] =	sst s7  }
0x10: {  	[smem:$0x3FB1] =	sst s8  }
0x11: {  	[smem:$0x3FB2] =	sst s9;
	s0 =	simm.s32 @!p0 $0x0  }
0x12: {  	s1 =	sld [smem:$0x3F98];
	s0 =	simm.s32 @p0 $0x1  }
0x13: {  	[smem:$0x3FB3] =	sst s0;
	s0 =	simm.s32 @!p1 $0x0  }
0x14: {  	s2 =	sld [smem:$0x3F97];
	s0 =	simm.s32 @p1 $0x1  }
0x15: {  	[smem:$0x3FB4] =	sst s0;
	s0 =	simm.s32 @!p2 $0x0  }
0x16: {  	s3 =	sld [smem:$0x3FDB];
	s0 =	simm.s32 @p2 $0x1  }
0x17: {  	s4 =	simm.s32 $0x1BF5;
	[smem:$0x3FB6] =	sst s0  }
0x18: {  	s0 =	sld [smem:$0x3F99];
	_ =	swait.ge [sflag:s4], $0x0  }
0x19: {  	s7 =	sld [smem:$0x3F9A]  }
0x1a: {  	s8 =	sadd.s32 $0xFFFFE003, lr  }
0x1b: {  	s9 =	sadd.s32 $0xFFFFFEF7, lr;
	s5 =	simm.s32 $0xFFFFFFFF;
	p2 =	slt.u32 s8, $0xFFFFF086  }
0x1c: {  	p1 =	slt.u32 s9, $0xF7A;
	s5 =	simm.s32 @!p2 $0x0  }
0x1d: {  	s5 =	simm.s32 @p1 $0x1;
	p0 =	seq.s32 s7, s2  }
0x1e: {  	s7 =	smul.u32 @!p0 $0xF7A, s2;
	p2 =	seq.s32 @!p0 s5, $0x0  }
0x1f: {  	s9 =	smul.u32 $0xF7A, s1;
	s8 =	simm.s32 @!p0 $0x1BF5;
	p2 =	por !p2, p0  }
0x20: {  	[sflag:s8] =	ssyncset.s32 @!p0 $0xFFFFF086;
	s6 =	sadd.s32 @!p0 s3, s7;
	s7 =	simm.s32 @!p0 $0x108  }
0x21: {  	s3 =	sadd.s32 s3, s9;
	s6 =	sadd.s32 @!p0 $0x88, s6;
	s7 =	simm.s32 @p2 $0x1082  }
0x22: {  	[simem:s7], [sflag:s8] =	dma.local @!p0 [hbm:s6], $0xF7A  }
0x23: {  	s9 =	sor.u32 $0xD0000000, s2;
	s6 =	simm.s32 $0x108;
	_ =	swait.ge @!p0 [sflag:s8], $0x0  }
0x24: {  	s3 =	sadd.s32 $0x88, s3;
	s6 =	simm.s32 @!p1 $0x1082;
	[sflag:s4] =	ssyncset.s32 $0xFFFFF086  }
0x25: {  	[simem:s6], [sflag:s4] =	dma.local [hbm:s3], $0xF7A  }
0x26: {  	[smem:$0x3F9A] =	sst s1;
	(tag) =	ssettag s2;
	_ =	strace s9  }
0x27: {  	s1 =	sld [smem:$0x3FAA]  }
0x28: {  	s2 =	sld [smem:$0x3FAB]  }
0x29: {  	s4 =	sld [smem:$0x3FAD]  }
0x2a: {  	p0 =	seq.s32 s5, $0x0;
	s5 =	sld [smem:$0x3FAE]  }
0x2b: {  	s6 =	sld [smem:$0x3FAF]  }
0x2c: {  	s7 =	sld [smem:$0x3FB0]  }
0x2d: {  	s3 =	simm.s32 $0x108;
	s8 =	sld [smem:$0x3FB1]  }
0x2e: {  	s3 =	simm.s32 @!p0 $0x1082;
	s9 =	sld [smem:$0x3FB2]  }
0x2f: {  	lr =	sadd.s32 s0, s3;
	s0 =	sld [smem:$0x3FA9]  }
0x30: {  	s3 =	sld [smem:$0x3FAC]  }
0x31: {  	[smem:$0x3FB5] =	sst s10  }
0x32: {  	s10 =	sld [smem:$0x3FB3];
	_ =	sdelay $0x3  }
0x33: {  	p0 =	seq.s32 s10, $0x1;
	s10 =	sld [smem:$0x3FB5];
	_ =	sdelay $0x3  }
0x34: {  	[smem:$0x3FB5] =	sst s10  }
0x35: {  	s10 =	sld [smem:$0x3FB4];
	_ =	sdelay $0x3  }
0x36: {  	p1 =	seq.s32 s10, $0x1;
	s10 =	sld [smem:$0x3FB5];
	_ =	sdelay $0x3  }
0x37: {  	[smem:$0x3FB5] =	sst s10  }
0x38: {  	s10 =	sld [smem:$0x3FB6]  }
0x39: {  	_ = 	snop;
	(pc) =	sbr.ind lr, $3  }
0x3a: {  	_ = 	snop  }
0x3b: {  	_ = 	snop  }
0x3c: {  	p2 =	seq.s32 s10, $0x1;
	s10 =	sld [smem:$0x3FB5]  }
0x3d: {  	_ =	shalt  }
0x3e: {  	_ =	shalt  }
0x3f: {  	_ =	shalt  }
0x40: {  	_ =	shalt  }
0x41: {  	_ =	shalt  }
0x42: {  	_ =	shalt  }
0x43: {  	_ =	shalt  }
0x44: {  	_ =	shalt  }
0x45: {  	_ =	shalt  }
0x46: {  	_ =	shalt  }
0x47: {  	_ =	shalt  }
0x48: {  	_ =	shalt  }
0x49: {  	_ =	shalt  }
0x4a: {  	_ =	shalt  }
0x4b: {  	_ =	shalt  }
0x4c: {  	_ =	shalt  }
0x4d: {  	_ =	shalt  }
0x4e: {  	_ =	shalt  }
0x4f: {  	_ =	shalt  }
0x50: {  	_ =	shalt  }
0x51: {  	_ =	shalt  }
0x52: {  	_ =	shalt  }
0x53: {  	_ =	shalt  }
0x54: {  	_ =	shalt  }
0x55: {  	_ =	shalt  }
0x56: {  	_ =	shalt  }
0x57: {  	_ =	shalt  }
0x58: {  	_ =	shalt  }
0x59: {  	_ =	shalt  }
0x5a: {  	_ =	shalt  }
0x5b: {  	_ =	shalt  }
0x5c: {  	_ =	shalt  }
0x5d: {  	_ =	shalt  }
0x5e: {  	_ =	shalt  }
0x5f: {  	_ =	shalt  }
0x60: {  	_ =	shalt  }
0x61: {  	_ =	shalt  }
0x62: {  	_ =	shalt  }
0x63: {  	_ =	shalt  }
0x64: {  	_ =	shalt  }
0x65: {  	_ =	shalt  }
0x66: {  	_ =	shalt  }
0x67: {  	_ =	shalt  }
0x68: {  	_ =	shalt  }
0x69: {  	_ =	shalt  }
0x6a: {  	_ =	shalt  }
0x6b: {  	_ =	shalt  }
0x6c: {  	_ =	shalt  }
0x6d: {  	_ =	shalt  }
0x6e: {  	_ =	shalt  }
0x6f: {  	_ =	shalt  }
0x70: {  	_ =	shalt  }
0x71: {  	_ =	shalt  }
0x72: {  	_ =	shalt  }
0x73: {  	_ =	shalt  }
0x74: {  	_ =	shalt  }
0x75: {  	_ =	shalt  }
0x76: {  	_ =	shalt  }
0x77: {  	_ =	shalt  }
0x78: {  	_ =	shalt  }
0x79: {  	_ =	shalt  }
0x7a: {  	_ =	shalt  }
0x7b: {  	_ =	shalt  }
0x7c: {  	_ =	shalt  }
0x7d: {  	_ =	shalt  }
0x7e: {  	_ =	shalt  }
0x7f: {  	_ =	shalt  }
0x80: {  	_ =	shalt  }
0x81: {  	_ =	shalt  }
0x82: {  	_ =	shalt  }
0x83: {  	_ =	shalt  }
0x84: {  	_ =	shalt  }
0x85: {  	_ =	shalt  }
0x86: {  	_ =	shalt  }
0x87: {  	_ =	shalt  }
.Lfunc_end0:
.L_simem_size_0:
called_computation.2_lowered:
.L_overlay_start_0:
0x88: {  	s2 =	sld [smem:$0x3FD9]  }
0x89: {  	s3 =	sld [smem:$0x3FFE];
	_ =	sdelay $0x1  }
0x8a: {  	s1 =	srdreg.scid  }
0x8b: {  	s0 =	sand.u32 $0x1, s1  }
0x8c: {  	s14 =	sshll.u32 s0, $0xA;
	s2 =	sadd.s32 s3, s2  }
0x8d: {  	s2 =	sadd.s32 s2, s14  }
0x8e: {  	[smem:$0x3FC1] =	sst s2  }
0x8f: {  	_ = 	snop  }
0x90: {  	s2 =	sld [smem:$0x3FD0];
	_ =	sdelay $0x2  }
0x91: {  	s15 =	simm.s32 $0xA;
	s4 =	simm.s32 $0x10  }
0x92: {  	[smem:s4], [sflag:s15] =	dma.local [hbm:s2], $0x1  }
0x93: {  	_ =	swait.eq [sflag:s15], $0x1  }
0x94: {  	[sflag:s15] =	ssyncset.done $0x0  }
0x95: {  	[sflag:s15] =	ssyncadd.s32 $0xFFFFFFFF  }
0x96: {  	s16 =	sld [smem:$0x11];
	(tm) =	ssettm $0x1  }
0x97: {  	s17 =	sld [smem:$0x3FFB];
	_ =	sdelay $0x3  }
0x98: {  	_ =	strace s17  }
0x99: {  	s3 =	sld [smem:$0x3FFC];
	_ =	sdelay $0x3  }
0x9a: {  	_ =	strace s3  }
0x9b: {  	s3 =	sld [smem:$0x3FFD];
	_ =	sdelay $0x3  }
0x9c: {  	_ =	strace s3  }
0x9d: {  	_ =	strace $0x8FFFFFFF  }
0x9e: {  	s18 =	sld [smem:$0x3FDB];
	_ =	sdelay $0x1  }
0x9f: {  	s19 =	simm.s32 $_scs_section_size  }
0xa0: {  	s5 =	simm.s32 $_size__tile_overlayer_lowered;
	s6 =	simm.s32 $_tile_overlayer_lowered  }
0xa1: {  	s22 =	simm.s32 $0x1BFF;
	s21 =	sshll.u32 s6, $0x1;
	s3 =	sadd.s32 s19, s18  }
0xa2: {  	s7 =	simm.s32 $0x0;
	s20 =	sshll.u32 s5, $0x1;
	s5 =	sadd.s32 s21, s3  }
0xa3: {  	[timem:s7], [sflag:s22] =	dma.local [hbm:s5], s20  }
0xa4: {  	_ =	swait.ge [sflag:s22], s20  }
0xa5: {  	s4 =	ssub.s32 $0x0, s20;
	[sflag:s22] =	ssyncset.done $0x0  }
0xa6: {  	[sflag:s22] =	ssyncadd.s32 s4;
	_ =	sdelay $0x1  }
0xa7: {  	s23 =	simm.s32 $0x1B8B  }
0xa8: {  	_ =	swait.ge [sflag:s23], $0x1  }
0xa9: {  	[sflag:s23] =	ssyncset.done $0x0  }
0xaa: {  	s25 =	simm.s32 $0x1B8E;
	s24 =	sld [smem:$0x3FFE];
	[sflag:s23] =	ssyncadd.s32 $0xFFFFFFFF  }
0xab: {  	s26 =	simm.s32 $execute0_lowered;
	[smem:$0x3FD2] =	sst s25  }
0xac: {  	s5 =	sshll.u32 s26, $0x1;
	_ =	strace $0x8000004C;
	[dreg:$0x1] =	wrdreg $0xFFFFFFFF  }
0xad: {  	s28 =	simm.s32 $_size_execute0_lowered;
	s3 =	sadd.s32 s3, s5;
	[dreg:$0x0] =	wrdreg $0x0  }
0xae: {  	s5 =	sshll.u32 s28, $0x1;
	[dreg:$0x2] =	wrdreg s3  }
0xaf: {  	[dreg:$0x3] =	wrdreg s5  }
0xb0: {  	[dreg:$0x4] =	wrdreg $0xC0  }
0xb1: {  	_ =	task [dreg:s7], $0x5FFFF  }
0xb2: {  	[dreg:$0x1] =	wrdreg $0xFFFFFFFF  }
0xb3: {  	[dreg:$0x0] =	wrdreg $0x60  }
0xb4: {  	[dreg:$0x2] =	wrdreg s24  }
0xb5: {  	[dreg:$0x3] =	wrdreg s16  }
0xb6: {  	[dreg:$0x4] =	wrdreg $0x0  }
0xb7: {  	[dreg:$0x5] =	wrdreg $0x9  }
0xb8: {  	_ =	task.clear_ibuf [dreg:s7], $0x6FFFF;
	_ =	strace $0x9000004C  }
0xb9: {  	s29 =	simm.s32 $0x9;
	_ =	strace $0x8000004E  }
0xba: {  	_ =	swait.ge [sflag:s29], $0x1  }
0xbb: {  	[sflag:s29] =	ssyncadd.s32 $0xFFFFFFFF  }
0xbc: {  	_ =	strace $0x9000004E  }
0xbd: {  	_ =	sfence  }
0xbe: {  	s30 =	sld [smem:$0x0];
	_ =	sdelay $0x2  }
0xbf: {  	s31 =	sshll.u32 s1, $0xD;
	s1 =	sshrl.u32 s1, $0x2  }
0xc0: {  	s3 =	sand.u32 $0x4000, s31;
	s1 =	sadd.s32 s1, s30  }
0xc1: {  	s0 =	sor.u32 s3, s0;
	s1 =	sshll.u32 s1, $0x11  }
0xc2: {  	s0 =	sor.u32 s1, s0  }
0xc3: {  	s0 =	sadd.s32 $0x8F2B, s0  }
0xc4: {  	[sflag:s0] =	ssyncadd.remote.s32 $0x1  }
0xc5: {  	_ =	sfence.sel $0xFFFF  }
0xc6: {  	[dreg:$0x0] =	wrdreg $0xFFFFFFFF;
	(pc) =	sbr.abs _section_cstart, $3  }
0xc7: {  	[dreg:$0x1] =	wrdreg $0xFFFFFFFF  }
0xc8: {  	_ =	task.clear_ibuf [dreg:s7], $0x2FFFF;
	_ =	strace $0x9FFFFFFF  }
0xc9: {  	(tm) =	ssettm $0x7FFFFFFF  }
tec
execute0_lowered:
.L_overlay_start_1:
0x0: {  	(tag) =	ssettag $0x1  }
0x1: {  	s0 =	rddreg [dreg:$0x0]  }
0x2: {  	s2 =	rddreg [dreg:$0x1]  }
0x3: {  	s1 =	rddreg [dreg:$0x2]  }
0x4: {  	s3 =	srdreg.scid;
	s4 =	simm.s32 $0x0;
	s10 =	stileid.u32  }
0x5: {  	s28 =	simm.s32 $0x1A800;
	s29 =	simm.s32 $0x1;
	s30 =	simm.s32 $0x2  }
0x6: {  	s31 =	simm.s32 $0x15380;
	s3 =	sand.u32 $0x1, s3;
	s6 =	smul.u32 $0x14000, s10  }
0x7: {  	[smem:$0x7FF] =	sst s4;
	s4 =	sadd.s32 $0xC600, s0;
	s9 =	smul.u32 $0x50000, s10  }
0x8: {  	s7 =	sadd.s32 $0x2600, s0;
	s19 =	sshll.u32 s10, $0x1;
	s22 =	smul.u32 $0x2800, s10  }
0x9: {  	s5 =	smul.u32 $0x140000, s3;
	_ =	strace $0x8000004D;
	s18 =	ssub.s32 $0x2, s3  }
0xa: {  	s20 =	sor.u32 s3, s19;
	p0 =	sne.s32 s3, $0x0;
	s8 =	sshrl.u32 s18, $0x1  }
0xb: {  	s21 =	sshrl.u32 s9, $0x2;
	s23 =	smul.u32 $0x2800, s20;
	s24 =	sadd.s32 s4, s22  }
0xc: {  	s22 =	simm.s32 $0x14000;
	s5 =	sadd.s32 s6, s5;
	s13 =	ssub.s32 s18, s8  }
0xd: {  	s6 =	sadd.s32 $0x33E00, s0;
	[dreg:$0x4] =	wrdreg s24;
	s5 =	sshrl.u32 s5, $0x3  }
0xe: {  	s24 =	simm.s32 $0x15400;
	s13 =	smax.u32 s13, $0x1;
	s12 =	sadd.s32 s5, s0  }
0xf: {  	s5 =	sadd.s32 s21, s1;
	s0 =	sshrl.u32 s23, $0x3;
	s23 =	simm.s32 $0x3  }
0x10: {  	s16 =	sadd.s32 $0x4000, s5;
	s17 =	sadd.s32 $0x8000, s5;
	s18 =	sadd.s32 $0xC000, s5  }
0x11: {  	s19 =	sadd.s32 $0x10000, s5;
	s25 =	sadd.s32 s7, s0;
	s26 =	sadd.s32 s2, s0  }
0x12: {  	s0 =	sadd.s32 $0x280, s0;
	s12 =	sadd.s32 $0x34600, s12;
	[dreg:$0x5] =	wrdreg s25  }
0x13: {  	s15 =	sshrl.u32 @p0 s5, $0x3;
	s21 =	sshrl.u32 @!p0 s5, $0x3;
	[dreg:$0x6] =	wrdreg s26  }
0x14: {  	s7 =	sadd.s32 s7, s0;
	s11 =	sadd.s32 s2, s0;
	s0 =	sshll.u32 @p0 s10, $0x6  }
0x15: {  	s16 =	sshrl.u32 @p0 s16, $0x3;
	s17 =	sshrl.u32 @p0 s17, $0x3;
	s18 =	sshrl.u32 @p0 s18, $0x3  }
0x16: {  	s19 =	sshrl.u32 @p0 s19, $0x3;
	s25 =	simm.s32 $0x80;
	s26 =	simm.s32 $0x16800  }
0x17: {  	s2 =	simm.s32 $0x0;
	s14 =	sor.u32 @p0 $0x1C03, s0;
	s0 =	sshll.u32 @!p0 s10, $0x6  }
0x18: {  	[dreg:$0x7] =	wrdreg s7;
	s20 =	sor.u32 @!p0 $0x1C03, s0;
	s0 =	simm.s32 $0x16700  }
.LBB2_1:
0x19: {  	[spmem:s15], [sflag:s14] =	dma.local @p0 [hbm:s6], $0x800  }
0x1a: {  	s3 =	simm.s32 @p0 $0x3  }
0x1b: {  	_ =	swait.ge @p0 [sflag:s3], $0x800  }
0x1c: {  	[sflag:s3] =	ssyncset.done @p0 $0x0  }
0x1d: {  	[sflag:s3] =	ssyncadd.s32 @p0 $0xFFFFF800  }
0x1e: {  	[spmem:s16], [sflag:s14] =	dma.local @p0 [hbm:s6], $0x800  }
0x1f: {  	_ =	swait.ge @p0 [sflag:s3], $0x800  }
0x20: {  	[sflag:s3] =	ssyncset.done @p0 $0x0  }
0x21: {  	[sflag:s3] =	ssyncadd.s32 @p0 $0xFFFFF800  }
0x22: {  	[spmem:s17], [sflag:s14] =	dma.local @p0 [hbm:s6], $0x800  }
0x23: {  	_ =	swait.ge @p0 [sflag:s3], $0x800  }
0x24: {  	[sflag:s3] =	ssyncset.done @p0 $0x0  }
0x25: {  	[sflag:s3] =	ssyncadd.s32 @p0 $0xFFFFF800  }
0x26: {  	[spmem:s18], [sflag:s14] =	dma.local @p0 [hbm:s6], $0x800  }
0x27: {  	_ =	swait.ge @p0 [sflag:s3], $0x800  }
0x28: {  	[sflag:s3] =	ssyncset.done @p0 $0x0  }
0x29: {  	[sflag:s3] =	ssyncadd.s32 @p0 $0xFFFFF800  }
0x2a: {  	[spmem:s19], [sflag:s14] =	dma.local @p0 [hbm:s6], $0x800  }
0x2b: {  	_ =	swait.ge @p0 [sflag:s3], $0x800  }
0x2c: {  	[sflag:s3] =	ssyncset.done @p0 $0x0  }
0x2d: {  	[sflag:s3] =	ssyncadd.s32 @p0 $0xFFFFF800;
	s3 =	rddreg [dreg:$0x4]  }
0x2e: {  	[spmem:s21], [sflag:s20] =	dma.local @!p0 [hbm:s3], $0x2800  }
0x2f: {  	s3 =	simm.s32 @!p0 $0x3  }
0x30: {  	_ =	swait.ge @!p0 [sflag:s3], $0x2800  }
0x31: {  	[sflag:s3] =	ssyncset.done @!p0 $0x0  }
0x32: {  	[sflag:s3] =	ssyncadd.s32 @!p0 $0xFFFFD800  }
0x33: {  	[bflag:$0x0] =	sbarrier.arrive $0xFFFF  }
0x34: {  	s9 =	simm.s32 $0x0;
	s7 =	rddreg [dreg:$0x5]  }
0x35: {  	[tilespmem:s22], [sflag:$0x3] =	stream.linear.gather [hbm4b:s7+s9], $0x1400, $0x38;
	[tilespmem:$0x1E800] =	vst v63  }
0x36: {  	_ =	swait.ge [sflag:s23], $0x1400  }
0x37: {  	[sflag:s23] =	ssyncset.done $0x0  }
0x38: {  	s10 =	rddreg [dreg:$0x6];
	[sflag:s23] =	ssyncadd.s32 $0xFFFFEC00  }
0x39: {  	[tilespmem:s24], [sflag:$0x3] =	stream.linear.gather [hbm4b:s10+s9], $0x1400, $0x38;
	[tilespmem:$0x1E800] =	vst v63  }
0x3a: {  	_ =	swait.ge [sflag:s23], $0x1400  }
0x3b: {  	[sflag:s23] =	ssyncset.done $0x0  }
0x3c: {  	[sflag:s23] =	ssyncadd.s32 $0xFFFFEC00  }
0x3d: {  	[tilespmem:s26], [sflag:$0x1] =	stream.indirect.gather [hbm4b:s4+s25], $0x80, s22, s25, $0xb8;
	[tilespmem:$0x1E800] =	vst v63  }
0x3e: {  	s7 =	simm.s32 $0x14080  }
0x3f: {  	[tilespmem:s28], [sflag:$0x2] =	stream.indirect.gather [hbm4b:s4+s25], $0x80, s7, s25, $0xb8;
	[tilespmem:$0x1E800] =	vst v63  }
0x40: {  	_ =	swait.ge [sflag:s29], $0x4000  }
0x41: {  	[sflag:s29] =	ssyncset.done $0x0  }
0x42: {  	s8 =	simm.s32 $0x15400;
	[sflag:s29] =	ssyncadd.s32 $0xFFFFC000  }
0x43: {  	[spmem:s1] =	stream.indirect.scatter.add.f32 [tilespmem:s26], [sflag:$0x3], $0x80, s8, s25, $0xb8;
	[tilespmem:$0x1E800] =	vst v63  }
0x44: {  	_ =	swait.ge [sflag:s23], $0x4000  }
0x45: {  	[sflag:s23] =	ssyncset.done $0x0  }
0x46: {  	s9 =	simm.s32 $0x14100;
	[sflag:s23] =	ssyncadd.s32 $0xFFFFC000  }
0x47: {  	[tilespmem:s26], [sflag:$0x1] =	stream.indirect.gather [hbm4b:s4+s25], $0x80, s9, s25, $0xb8;
	[tilespmem:$0x1E800] =	vst v63  }
0x48: {  	_ =	swait.ge [sflag:s30], $0x4000  }
0x49: {  	[sflag:s30] =	ssyncset.done $0x0  }
0x4a: {  	s10 =	simm.s32 $0x15480;
	[sflag:s30] =	ssyncadd.s32 $0xFFFFC000  }
0x4b: {  	[spmem:s1] =	stream.indirect.scatter.add.f32 [tilespmem:s28], [sflag:$0x3], $0x80, s10, s25, $0xb8;
	[tilespmem:$0x1E800] =	vst v63  }
0x4c: {  	_ =	swait.ge [sflag:s23], $0x4000  }
0x4d: {  	s3 =	simm.s32 $0x100;
	s7 =	simm.s32 $0x800;
	[sflag:s23] =	ssyncset.done $0x0  }
.LBB2_2:
0x4e: {  	s8 =	sadd.s32 $0x14080, s3  }
0x4f: {  	[sflag:s23] =	ssyncadd.s32 $0xFFFFC000;
	s9 =	smov.u32 s7;
	s10 =	sadd.s32 $0x400, s7  }
0x50: {  	[tilespmem:s28], [sflag:$0x2] =	stream.indirect.gather [hbm4b:s4+s25], $0x80, s8, s25, $0xb8;
	[tilespmem:$0x1E800] =	vst v63  }
0x51: {  	p1 =	sne.s32 s7, $0x4800;
	_ =	swait.ge [sflag:s29], $0x4000  }
0x52: {  	[sflag:s29] =	ssyncset.done $0x0  }
0x53: {  	s7 =	sadd.s32 $0x15400, s3;
	[sflag:s29] =	ssyncadd.s32 $0xFFFFC000  }
0x54: {  	[spmem:s1] =	stream.indirect.scatter.add.f32 [tilespmem:s26], [sflag:$0x3], $0x80, s7, s25, $0xb8;
	[tilespmem:$0x1E800] =	vst v63  }
0x55: {  	_ =	swait.ge [sflag:s23], $0x4000  }
0x56: {  	[sflag:s23] =	ssyncset.done $0x0  }
0x57: {  	s7 =	sadd.s32 $0x14100, s3;
	[sflag:s23] =	ssyncadd.s32 $0xFFFFC000  }
0x58: {  	[tilespmem:s26], [sflag:$0x1] =	stream.indirect.gather [hbm4b:s4+s25], $0x80, s7, s25, $0xb8;
	[tilespmem:$0x1E800] =	vst v63  }
0x59: {  	_ =	swait.ge [sflag:s30], $0x4000  }
.Ltmp0:
0x5a: {  	[sflag:s30] =	ssyncset.done $0x0;
	(pc) =	sbr.rel @p1 .LBB2_2-.Ltmp0, $4  }
0x5b: {  	s3 =	sadd.s32 $0x15480, s3;
	[sflag:s30] =	ssyncadd.s32 $0xFFFFC000  }
0x5c: {  	[spmem:s1] =	stream.indirect.scatter.add.f32 [tilespmem:s28], [sflag:$0x3], $0x80, s3, s25, $0xb8;
	[tilespmem:$0x1E800] =	vst v63  }
0x5d: {  	_ =	swait.ge [sflag:s23], $0x4000  }
0x5e: {  	s7 =	smov.u32 s10;
	s3 =	sshra.s32 s9, $0x2;
	[sflag:s23] =	ssyncset.done $0x0  }
0x5f: {  	s7 =	sadd.s32 $0x14080, s3;
	[sflag:s23] =	ssyncadd.s32 $0xFFFFC000  }
0x60: {  	[tilespmem:s28], [sflag:$0x2] =	stream.indirect.gather [hbm4b:s4+s25], $0x80, s7, s25, $0xb8;
	[tilespmem:$0x1E800] =	vst v63  }
0x61: {  	_ =	swait.ge [sflag:s29], $0x4000  }
0x62: {  	[sflag:s29] =	ssyncset.done $0x0  }
0x63: {  	s9 =	sadd.s32 $0x15400, s3;
	[sflag:s29] =	ssyncadd.s32 $0xFFFFC000  }
0x64: {  	[spmem:s1] =	stream.indirect.scatter.add.f32 [tilespmem:s26], [sflag:$0x3], $0x80, s9, s25, $0xb8;
	[tilespmem:$0x1E800] =	vst v63  }
0x65: {  	_ =	swait.ge [sflag:s23], $0x4000  }
0x66: {  	[sflag:s23] =	ssyncset.done $0x0  }
0x67: {  	s10 =	sadd.s32 $0x14100, s3;
	[sflag:s23] =	ssyncadd.s32 $0xFFFFC000  }
0x68: {  	[tilespmem:s26], [sflag:$0x1] =	stream.indirect.gather [hbm4b:s4+s25], $0x80, s10, s25, $0xb8;
	[tilespmem:$0x1E800] =	vst v63  }
0x69: {  	_ =	swait.ge [sflag:s30], $0x4000  }
0x6a: {  	[sflag:s30] =	ssyncset.done $0x0  }
0x6b: {  	s7 =	sadd.s32 $0x15480, s3;
	[sflag:s30] =	ssyncadd.s32 $0xFFFFC000  }
0x6c: {  	[spmem:s1] =	stream.indirect.scatter.add.f32 [tilespmem:s28], [sflag:$0x3], $0x80, s7, s25, $0xb8;
	[tilespmem:$0x1E800] =	vst v63  }
0x6d: {  	_ =	swait.ge [sflag:s23], $0x4000  }
0x6e: {  	[sflag:s23] =	ssyncset.done $0x0  }
0x6f: {  	[sflag:s23] =	ssyncadd.s32 $0xFFFFC000  }
0x70: {  	[tilespmem:s28], [sflag:$0x2] =	stream.indirect.gather [hbm4b:s4+s25], $0x80, s31, s25, $0xb8;
	[tilespmem:$0x1E800] =	vst v63  }
0x71: {  	_ =	swait.ge [sflag:s29], $0x4000  }
0x72: {  	[sflag:s29] =	ssyncset.done $0x0  }
0x73: {  	[sflag:s29] =	ssyncadd.s32 $0xFFFFC000  }
0x74: {  	[spmem:s1] =	stream.indirect.scatter.add.f32 [tilespmem:s26], [sflag:$0x3], $0x80, s0, s25, $0xb8;
	[tilespmem:$0x1E800] =	vst v63  }
0x75: {  	_ =	swait.ge [sflag:s23], $0x4000  }
0x76: {  	[sflag:s23] =	ssyncset.done $0x0  }
0x77: {  	[sflag:s23] =	ssyncadd.s32 $0xFFFFC000  }
0x78: {  	[tilespmem:s26], [sflag:$0x1] =	stream.indirect.gather [hbm4b:s4+s25], $0x80, s31, s25, $0xb8;
	[tilespmem:$0x1E800] =	vst v63  }
0x79: {  	_ =	swait.ge [sflag:s30], $0x4000  }
0x7a: {  	[sflag:s30] =	ssyncset.done $0x0  }
0x7b: {  	s8 =	simm.s32 $0x16780;
	[sflag:s30] =	ssyncadd.s32 $0xFFFFC000  }
0x7c: {  	[spmem:s1] =	stream.indirect.scatter.add.f32 [tilespmem:s28], [sflag:$0x3], $0x80, s8, s25, $0xb8;
	[tilespmem:$0x1E800] =	vst v63  }
0x7d: {  	_ =	swait.ge [sflag:s23], $0x4000  }
0x7e: {  	[sflag:s23] =	ssyncset.done $0x0  }
0x7f: {  	[sflag:s23] =	ssyncadd.s32 $0xFFFFC000  }
0x80: {  	_ =	swait.ge [sflag:s29], $0x4000  }
0x81: {  	[sflag:s29] =	ssyncset.done $0x0  }
0x82: {  	s9 =	simm.s32 $0x0;
	s10 =	rddreg [dreg:$0x7];
	[sflag:s29] =	ssyncadd.s32 $0xFFFFC000  }
0x83: {  	[tilespmem:s22], [sflag:$0x3] =	stream.linear.gather [hbm4b:s10+s9], $0x1380, $0x38;
	[tilespmem:$0x1E800] =	vst v63  }
0x84: {  	_ =	swait.ge [sflag:s23], $0x1380  }
0x85: {  	[sflag:s23] =	ssyncset.done $0x0  }
0x86: {  	[sflag:s23] =	ssyncadd.s32 $0xFFFFEC80  }
0x87: {  	[tilespmem:s24], [sflag:$0x3] =	stream.linear.gather [hbm4b:s11+s9], $0x1380, $0x38;
	[tilespmem:$0x1E800] =	vst v63  }
0x88: {  	_ =	swait.ge [sflag:s23], $0x1380  }
0x89: {  	[sflag:s23] =	ssyncset.done $0x0  }
0x8a: {  	[sflag:s23] =	ssyncadd.s32 $0xFFFFEC80  }
0x8b: {  	[tilespmem:s26], [sflag:$0x1] =	stream.indirect.gather [hbm4b:s4+s25], $0x80, s22, s25, $0xb8;
	[tilespmem:$0x1E800] =	vst v63  }
0x8c: {  	s7 =	simm.s32 $0x14080  }
0x8d: {  	[tilespmem:s28], [sflag:$0x2] =	stream.indirect.gather [hbm4b:s4+s25], $0x80, s7, s25, $0xb8;
	[tilespmem:$0x1E800] =	vst v63  }
0x8e: {  	_ =	swait.ge [sflag:s29], $0x4000  }
0x8f: {  	[sflag:s29] =	ssyncset.done $0x0  }
0x90: {  	s8 =	simm.s32 $0x15400;
	[sflag:s29] =	ssyncadd.s32 $0xFFFFC000  }
0x91: {  	[spmem:s1] =	stream.indirect.scatter.add.f32 [tilespmem:s26], [sflag:$0x3], $0x80, s8, s25, $0xb8;
	[tilespmem:$0x1E800] =	vst v63  }
0x92: {  	_ =	swait.ge [sflag:s23], $0x4000  }
0x93: {  	[sflag:s23] =	ssyncset.done $0x0  }
0x94: {  	s9 =	simm.s32 $0x14100;
	[sflag:s23] =	ssyncadd.s32 $0xFFFFC000  }
0x95: {  	[tilespmem:s26], [sflag:$0x1] =	stream.indirect.gather [hbm4b:s4+s25], $0x80, s9, s25, $0xb8;
	[tilespmem:$0x1E800] =	vst v63  }
0x96: {  	_ =	swait.ge [sflag:s30], $0x4000  }
0x97: {  	[sflag:s30] =	ssyncset.done $0x0  }
0x98: {  	s10 =	simm.s32 $0x15480;
	[sflag:s30] =	ssyncadd.s32 $0xFFFFC000  }
0x99: {  	[spmem:s1] =	stream.indirect.scatter.add.f32 [tilespmem:s28], [sflag:$0x3], $0x80, s10, s25, $0xb8;
	[tilespmem:$0x1E800] =	vst v63  }
0x9a: {  	_ =	swait.ge [sflag:s23], $0x4000  }
0x9b: {  	s3 =	simm.s32 $0x100;
	s7 =	simm.s32 $0x800;
	[sflag:s23] =	ssyncset.done $0x0  }
.LBB2_4:
0x9c: {  	s8 =	sadd.s32 $0x14080, s3  }
0x9d: {  	[sflag:s23] =	ssyncadd.s32 $0xFFFFC000;
	s9 =	smov.u32 s7;
	s10 =	sadd.s32 $0x400, s7  }
0x9e: {  	[tilespmem:s28], [sflag:$0x2] =	stream.indirect.gather [hbm4b:s4+s25], $0x80, s8, s25, $0xb8;
	[tilespmem:$0x1E800] =	vst v63  }
0x9f: {  	p1 =	sne.s32 s7, $0x4800;
	_ =	swait.ge [sflag:s29], $0x4000  }
0xa0: {  	[sflag:s29] =	ssyncset.done $0x0  }
0xa1: {  	s7 =	sadd.s32 $0x15400, s3;
	[sflag:s29] =	ssyncadd.s32 $0xFFFFC000  }
0xa2: {  	[spmem:s1] =	stream.indirect.scatter.add.f32 [tilespmem:s26], [sflag:$0x3], $0x80, s7, s25, $0xb8;
	[tilespmem:$0x1E800] =	vst v63  }
0xa3: {  	_ =	swait.ge [sflag:s23], $0x4000  }
0xa4: {  	[sflag:s23] =	ssyncset.done $0x0  }
0xa5: {  	s7 =	sadd.s32 $0x14100, s3;
	[sflag:s23] =	ssyncadd.s32 $0xFFFFC000  }
0xa6: {  	[tilespmem:s26], [sflag:$0x1] =	stream.indirect.gather [hbm4b:s4+s25], $0x80, s7, s25, $0xb8;
	[tilespmem:$0x1E800] =	vst v63  }
0xa7: {  	_ =	swait.ge [sflag:s30], $0x4000  }
.Ltmp1:
0xa8: {  	[sflag:s30] =	ssyncset.done $0x0;
	(pc) =	sbr.rel @p1 .LBB2_4-.Ltmp1, $4  }
0xa9: {  	s3 =	sadd.s32 $0x15480, s3;
	[sflag:s30] =	ssyncadd.s32 $0xFFFFC000  }
0xaa: {  	[spmem:s1] =	stream.indirect.scatter.add.f32 [tilespmem:s28], [sflag:$0x3], $0x80, s3, s25, $0xb8;
	[tilespmem:$0x1E800] =	vst v63  }
0xab: {  	_ =	swait.ge [sflag:s23], $0x4000  }
0xac: {  	s7 =	smov.u32 s10;
	s3 =	sshra.s32 s9, $0x2;
	[sflag:s23] =	ssyncset.done $0x0  }
0xad: {  	s7 =	sadd.s32 $0x14080, s3;
	[sflag:s23] =	ssyncadd.s32 $0xFFFFC000  }
0xae: {  	[tilespmem:s28], [sflag:$0x2] =	stream.indirect.gather [hbm4b:s4+s25], $0x80, s7, s25, $0xb8;
	[tilespmem:$0x1E800] =	vst v63  }
0xaf: {  	_ =	swait.ge [sflag:s29], $0x4000  }
0xb0: {  	[sflag:s29] =	ssyncset.done $0x0  }
0xb1: {  	s9 =	sadd.s32 $0x15400, s3;
	[sflag:s29] =	ssyncadd.s32 $0xFFFFC000  }
0xb2: {  	[spmem:s1] =	stream.indirect.scatter.add.f32 [tilespmem:s26], [sflag:$0x3], $0x80, s9, s25, $0xb8;
	[tilespmem:$0x1E800] =	vst v63  }
0xb3: {  	_ =	swait.ge [sflag:s23], $0x4000  }
0xb4: {  	[sflag:s23] =	ssyncset.done $0x0  }
0xb5: {  	s10 =	sadd.s32 $0x14100, s3;
	[sflag:s23] =	ssyncadd.s32 $0xFFFFC000  }
0xb6: {  	[tilespmem:s26], [sflag:$0x1] =	stream.indirect.gather [hbm4b:s4+s25], $0x80, s10, s25, $0xb8;
	[tilespmem:$0x1E800] =	vst v63  }
0xb7: {  	_ =	swait.ge [sflag:s30], $0x4000  }
0xb8: {  	[sflag:s30] =	ssyncset.done $0x0  }
0xb9: {  	s8 =	sadd.s32 $0x15480, s3;
	[sflag:s30] =	ssyncadd.s32 $0xFFFFC000  }
0xba: {  	[spmem:s1] =	stream.indirect.scatter.add.f32 [tilespmem:s28], [sflag:$0x3], $0x80, s8, s25, $0xb8;
	[tilespmem:$0x1E800] =	vst v63  }
0xbb: {  	_ =	swait.ge [sflag:s23], $0x4000  }
0xbc: {  	[sflag:s23] =	ssyncset.done $0x0  }
0xbd: {  	[sflag:s23] =	ssyncadd.s32 $0xFFFFC000  }
0xbe: {  	_ =	swait.ge [sflag:s29], $0x4000  }
0xbf: {  	[sflag:s29] =	ssyncset.done $0x0  }
0xc0: {  	[sflag:s29] =	ssyncadd.s32 $0xFFFFC000  }
0xc1: {  	[spmem:s1] =	stream.indirect.scatter.add.f32 [tilespmem:s26], [sflag:$0x3], $0x80, s0, s25, $0xb8;
	[tilespmem:$0x1E800] =	vst v63  }
0xc2: {  	s9 =	stileid.u32;
	_ =	swait.ge [sflag:s23], $0x4000  }
0xc3: {  	s2 =	sadd.s32 $0x1, s2;
	s3 =	sshll.u32 s9, $0x6;
	[sflag:s23] =	ssyncset.done $0x0  }
0xc4: {  	p1 =	sne.s32 s2, s13;
	s3 =	sor.u32 $0x1C03, s3;
	[sflag:s23] =	ssyncadd.s32 $0xFFFFC000  }
.Ltmp2:
0xc5: {  	s10 =	sshrl.u32 s5, $0x3;
	[bflag:$0x0] =	sbarrier.arrive $0xFFFF;
	(pc) =	sbr.rel @p1 .LBB2_1-.Ltmp2, $4  }
0xc6: {  	[hbm:s12], [sflag:s3] =	dma.local [spmem:s10], $0x2800  }
0xc7: {  	_ =	swait.ge [sflag:s23], $0x2800  }
0xc8: {  	[sflag:s23] =	ssyncset.done $0x0  }
0xc9: {  	[sflag:s23] =	ssyncadd.s32 $0xFFFFD800  }
0xca: {  	_ =	sfence.sel $0x180000  }
0xcb: {  	[bflag:$0x0] =	sbarrier.arrive $0xFFFF  }
0xcc: {  	_ =	strace $0x9000004D  }
0xcd: {  	s0 =	stileid.u32;
	[bflag:$0x2] =	sbarrier.arrive $0xFFFF  }
0xce: {  	p0 =	sne.s32 s0, $0x0;
	s0 =	rddreg [dreg:$0x3]  }
0xcf: {  	s0 =	sadd.s32 @!p0 $0x100000, s0  }
0xd0: {  	[sflag:s0] =	ssyncadd.tile.s32 @!p0 $0x1;
	_ =	shalt  }
.Lfunc_end2:
_tile_overlayer_lowered:
.L_overlay_start_2:
0xd1: {  	(tag) =	ssettag $0x2  }
0xd2: {  	s0 =	rddreg [dreg:$0x0];
	s2 =	stileid.u32  }
0xd3: {  	s1 =	rddreg [dreg:$0x1];
	p0 =	sne.s32 s2, $0x0  }
0xd4: {  	s3 =	rddreg [dreg:$0x2];
	[bflag:$0x3] =	sbarrier.arrive $0xFFFF;
	s2 =	simm.s32 @!p0 $0x1C03  }
0xd5: {  	[timem:s3], [sflag:s2] =	dma.local @!p0 [hbm:s0], s1  }
0xd6: {  	s0 =	simm.s32 @!p0 $0x3  }
0xd7: {  	_ =	swait.ge @!p0 [sflag:s0], s1  }
0xd8: {  	s1 =	ssub.s32 @!p0 $0x0, s1;
	[sflag:s0] =	ssyncset.done @!p0 $0x0  }
0xd9: {  	[sflag:s0] =	ssyncadd.s32 @!p0 s1  }
0xda: {  	[bflag:$0x3] =	sbarrier.arrive $0xFFFF  }
0xdb: {  	_ =	shalt  }

// kernel: _run.9.cloned.1.call-start
scs
__scs_entry_jumppad:
0x0: {  	(pc) =	sbr.rel $0x88, $3  }
0x1: {  	(tag) =	ssettag $0x0;
	lr =	simm.s32 $0x1  }
0x2: {  	[smem:$0x3F9A] =	sst lr;
	_ =	strace $0xD0000000  }
0x3: {  	_ = 	snop  }
0x4: {  	_ = 	snop  }
0x5: {  	_ = 	snop  }
0x6: {  	_ = 	snop  }
0x7: {  	_ = 	snop  }
__scs_overlays_trampoline_lowered:
0x8: {  	[smem:$0x3FA9] =	sst s0  }
0x9: {  	[smem:$0x3FAA] =	sst s1  }
0xa: {  	[smem:$0x3FAB] =	sst s2  }
0xb: {  	[smem:$0x3FAC] =	sst s3  }
0xc: {  	[smem:$0x3FAD] =	sst s4  }
0xd: {  	[smem:$0x3FAE] =	sst s5  }
0xe: {  	[smem:$0x3FAF] =	sst s6  }
0xf: {  	[smem:$0x3FB0] =	sst s7  }
0x10: {  	[smem:$0x3FB1] =	sst s8  }
0x11: {  	[smem:$0x3FB2] =	sst s9;
	s0 =	simm.s32 @!p0 $0x0  }
0x12: {  	s1 =	sld [smem:$0x3F98];
	s0 =	simm.s32 @p0 $0x1  }
0x13: {  	[smem:$0x3FB3] =	sst s0;
	s0 =	simm.s32 @!p1 $0x0  }
0x14: {  	s2 =	sld [smem:$0x3F97];
	s0 =	simm.s32 @p1 $0x1  }
0x15: {  	[smem:$0x3FB4] =	sst s0;
	s0 =	simm.s32 @!p2 $0x0  }
0x16: {  	s3 =	sld [smem:$0x3FDB];
	s0 =	simm.s32 @p2 $0x1  }
0x17: {  	s4 =	simm.s32 $0x1BF5;
	[smem:$0x3FB6] =	sst s0  }
0x18: {  	s0 =	sld [smem:$0x3F99];
	_ =	swait.ge [sflag:s4], $0x0  }
0x19: {  	s7 =	sld [smem:$0x3F9A]  }
0x1a: {  	s8 =	sadd.s32 $0xFFFFE003, lr  }
0x1b: {  	s9 =	sadd.s32 $0xFFFFFEF7, lr;
	s5 =	simm.s32 $0xFFFFFFFF;
	p2 =	slt.u32 s8, $0xFFFFF086  }
0x1c: {  	p1 =	slt.u32 s9, $0xF7A;
	s5 =	simm.s32 @!p2 $0x0  }
0x1d: {  	s5 =	simm.s32 @p1 $0x1;
	p0 =	seq.s32 s7, s2  }
0x1e: {  	s7 =	smul.u32 @!p0 $0xF7A, s2;
	p2 =	seq.s32 @!p0 s5, $0x0  }
0x1f: {  	s9 =	smul.u32 $0xF7A, s1;
	s8 =	simm.s32 @!p0 $0x1BF5;
	p2 =	por !p2, p0  }
0x20: {  	[sflag:s8] =	ssyncset.s32 @!p0 $0xFFFFF086;
	s6 =	sadd.s32 @!p0 s3, s7;
	s7 =	simm.s32 @!p0 $0x108  }
0x21: {  	s3 =	sadd.s32 s3, s9;
	s6 =	sadd.s32 @!p0 $0x88, s6;
	s7 =	simm.s32 @p2 $0x1082  }
0x22: {  	[simem:s7], [sflag:s8] =	dma.local @!p0 [hbm:s6], $0xF7A  }
0x23: {  	s9 =	sor.u32 $0xD0000000, s2;
	s6 =	simm.s32 $0x108;
	_ =	swait.ge @!p0 [sflag:s8], $0x0  }
0x24: {  	s3 =	sadd.s32 $0x88, s3;
	s6 =	simm.s32 @!p1 $0x1082;
	[sflag:s4] =	ssyncset.s32 $0xFFFFF086  }
0x25: {  	[simem:s6], [sflag:s4] =	dma.local [hbm:s3], $0xF7A  }
0x26: {  	[smem:$0x3F9A] =	sst s1;
	(tag) =	ssettag s2;
	_ =	strace s9  }
0x27: {  	s1 =	sld [smem:$0x3FAA]  }
0x28: {  	s2 =	sld [smem:$0x3FAB]  }
0x29: {  	s4 =	sld [smem:$0x3FAD]  }
0x2a: {  	p0 =	seq.s32 s5, $0x0;
	s5 =	sld [smem:$0x3FAE]  }
0x2b: {  	s6 =	sld [smem:$0x3FAF]  }
0x2c: {  	s7 =	sld [smem:$0x3FB0]  }
0x2d: {  	s3 =	simm.s32 $0x108;
	s8 =	sld [smem:$0x3FB1]  }
0x2e: {  	s3 =	simm.s32 @!p0 $0x1082;
	s9 =	sld [smem:$0x3FB2]  }
0x2f: {  	lr =	sadd.s32 s0, s3;
	s0 =	sld [smem:$0x3FA9]  }
0x30: {  	s3 =	sld [smem:$0x3FAC]  }
0x31: {  	[smem:$0x3FB5] =	sst s10  }
0x32: {  	s10 =	sld [smem:$0x3FB3];
	_ =	sdelay $0x3  }
0x33: {  	p0 =	seq.s32 s10, $0x1;
	s10 =	sld [smem:$0x3FB5];
	_ =	sdelay $0x3  }
0x34: {  	[smem:$0x3FB5] =	sst s10  }
0x35: {  	s10 =	sld [smem:$0x3FB4];
	_ =	sdelay $0x3  }
0x36: {  	p1 =	seq.s32 s10, $0x1;
	s10 =	sld [smem:$0x3FB5];
	_ =	sdelay $0x3  }
0x37: {  	[smem:$0x3FB5] =	sst s10  }
0x38: {  	s10 =	sld [smem:$0x3FB6]  }
0x39: {  	_ = 	snop;
	(pc) =	sbr.ind lr, $3  }
0x3a: {  	_ = 	snop  }
0x3b: {  	_ = 	snop  }
0x3c: {  	p2 =	seq.s32 s10, $0x1;
	s10 =	sld [smem:$0x3FB5]  }
0x3d: {  	_ =	shalt  }
0x3e: {  	_ =	shalt  }
0x3f: {  	_ =	shalt  }
0x40: {  	_ =	shalt  }
0x41: {  	_ =	shalt  }
0x42: {  	_ =	shalt  }
0x43: {  	_ =	shalt  }
0x44: {  	_ =	shalt  }
0x45: {  	_ =	shalt  }
0x46: {  	_ =	shalt  }
0x47: {  	_ =	shalt  }
0x48: {  	_ =	shalt  }
0x49: {  	_ =	shalt  }
0x4a: {  	_ =	shalt  }
0x4b: {  	_ =	shalt  }
0x4c: {  	_ =	shalt  }
0x4d: {  	_ =	shalt  }
0x4e: {  	_ =	shalt  }
0x4f: {  	_ =	shalt  }
0x50: {  	_ =	shalt  }
0x51: {  	_ =	shalt  }
0x52: {  	_ =	shalt  }
0x53: {  	_ =	shalt  }
0x54: {  	_ =	shalt  }
0x55: {  	_ =	shalt  }
0x56: {  	_ =	shalt  }
0x57: {  	_ =	shalt  }
0x58: {  	_ =	shalt  }
0x59: {  	_ =	shalt  }
0x5a: {  	_ =	shalt  }
0x5b: {  	_ =	shalt  }
0x5c: {  	_ =	shalt  }
0x5d: {  	_ =	shalt  }
0x5e: {  	_ =	shalt  }
0x5f: {  	_ =	shalt  }
0x60: {  	_ =	shalt  }
0x61: {  	_ =	shalt  }
0x62: {  	_ =	shalt  }
0x63: {  	_ =	shalt  }
0x64: {  	_ =	shalt  }
0x65: {  	_ =	shalt  }
0x66: {  	_ =	shalt  }
0x67: {  	_ =	shalt  }
0x68: {  	_ =	shalt  }
0x69: {  	_ =	shalt  }
0x6a: {  	_ =	shalt  }
0x6b: {  	_ =	shalt  }
0x6c: {  	_ =	shalt  }
0x6d: {  	_ =	shalt  }
0x6e: {  	_ =	shalt  }
0x6f: {  	_ =	shalt  }
0x70: {  	_ =	shalt  }
0x71: {  	_ =	shalt  }
0x72: {  	_ =	shalt  }
0x73: {  	_ =	shalt  }
0x74: {  	_ =	shalt  }
0x75: {  	_ =	shalt  }
0x76: {  	_ =	shalt  }
0x77: {  	_ =	shalt  }
0x78: {  	_ =	shalt  }
0x79: {  	_ =	shalt  }
0x7a: {  	_ =	shalt  }
0x7b: {  	_ =	shalt  }
0x7c: {  	_ =	shalt  }
0x7d: {  	_ =	shalt  }
0x7e: {  	_ =	shalt  }
0x7f: {  	_ =	shalt  }
0x80: {  	_ =	shalt  }
0x81: {  	_ =	shalt  }
0x82: {  	_ =	shalt  }
0x83: {  	_ =	shalt  }
0x84: {  	_ =	shalt  }
0x85: {  	_ =	shalt  }
0x86: {  	_ =	shalt  }
0x87: {  	_ =	shalt  }
.Lfunc_end0:
.L_simem_size_0:
called_computation_lowered:
.L_overlay_start_0:
0x88: {  	s2 =	sld [smem:$0x3FD9]  }
0x89: {  	s3 =	sld [smem:$0x3FFE];
	_ =	sdelay $0x1  }
0x8a: {  	s1 =	srdreg.scid  }
0x8b: {  	s0 =	sand.u32 $0x1, s1  }
0x8c: {  	s14 =	sshll.u32 s0, $0xA;
	s2 =	sadd.s32 s3, s2  }
0x8d: {  	s2 =	sadd.s32 s2, s14  }
0x8e: {  	[smem:$0x3FC1] =	sst s2  }
0x8f: {  	_ = 	snop  }
0x90: {  	s2 =	sld [smem:$0x3FD0];
	_ =	sdelay $0x2  }
0x91: {  	s15 =	simm.s32 $0xA;
	s4 =	simm.s32 $0x10  }
0x92: {  	[smem:s4], [sflag:s15] =	dma.local [hbm:s2], $0x1  }
0x93: {  	_ =	swait.eq [sflag:s15], $0x1  }
0x94: {  	[sflag:s15] =	ssyncset.done $0x0  }
0x95: {  	[sflag:s15] =	ssyncadd.s32 $0xFFFFFFFF  }
0x96: {  	s16 =	sld [smem:$0x11];
	(tm) =	ssettm $0x1  }
0x97: {  	s17 =	sld [smem:$0x3FFB];
	_ =	sdelay $0x3  }
0x98: {  	_ =	strace s17  }
0x99: {  	s3 =	sld [smem:$0x3FFC];
	_ =	sdelay $0x3  }
0x9a: {  	_ =	strace s3  }
0x9b: {  	s3 =	sld [smem:$0x3FFD];
	_ =	sdelay $0x3  }
0x9c: {  	_ =	strace s3  }
0x9d: {  	_ =	strace $0x8FFFFFFF  }
0x9e: {  	s18 =	sld [smem:$0x3FDB];
	_ =	sdelay $0x1  }
0x9f: {  	s19 =	simm.s32 $_scs_section_size  }
0xa0: {  	s5 =	simm.s32 $_size__tile_overlayer_lowered;
	s6 =	simm.s32 $_tile_overlayer_lowered  }
0xa1: {  	s22 =	simm.s32 $0x1BFF;
	s21 =	sshll.u32 s6, $0x1;
	s3 =	sadd.s32 s19, s18  }
0xa2: {  	s7 =	simm.s32 $0x0;
	s20 =	sshll.u32 s5, $0x1;
	s5 =	sadd.s32 s21, s3  }
0xa3: {  	[timem:s7], [sflag:s22] =	dma.local [hbm:s5], s20  }
0xa4: {  	_ =	swait.ge [sflag:s22], s20  }
0xa5: {  	s4 =	ssub.s32 $0x0, s20;
	[sflag:s22] =	ssyncset.done $0x0  }
0xa6: {  	[sflag:s22] =	ssyncadd.s32 s4;
	_ =	sdelay $0x1  }
0xa7: {  	s23 =	simm.s32 $0x1B8B  }
0xa8: {  	_ =	swait.ge [sflag:s23], $0x1  }
0xa9: {  	[sflag:s23] =	ssyncset.done $0x0  }
0xaa: {  	s25 =	simm.s32 $0x1B8E;
	s24 =	sld [smem:$0x3FFE];
	[sflag:s23] =	ssyncadd.s32 $0xFFFFFFFF  }
0xab: {  	s26 =	simm.s32 $execute0_lowered;
	[smem:$0x3FD2] =	sst s25  }
0xac: {  	s5 =	sshll.u32 s26, $0x1;
	_ =	strace $0x80000046;
	[dreg:$0x1] =	wrdreg $0xFFFFFFFF  }
0xad: {  	s28 =	simm.s32 $_size_execute0_lowered;
	s3 =	sadd.s32 s3, s5;
	[dreg:$0x0] =	wrdreg $0x0  }
0xae: {  	s5 =	sshll.u32 s28, $0x1;
	[dreg:$0x2] =	wrdreg s3  }
0xaf: {  	[dreg:$0x3] =	wrdreg s5  }
0xb0: {  	[dreg:$0x4] =	wrdreg $0xC0  }
0xb1: {  	_ =	task [dreg:s7], $0x5FFFF  }
0xb2: {  	[dreg:$0x1] =	wrdreg $0xFFFFFFFF  }
0xb3: {  	[dreg:$0x0] =	wrdreg $0x60  }
0xb4: {  	[dreg:$0x2] =	wrdreg s16  }
0xb5: {  	[dreg:$0x3] =	wrdreg s24  }
0xb6: {  	[dreg:$0x4] =	wrdreg $0x0  }
0xb7: {  	[dreg:$0x5] =	wrdreg $0x9  }
0xb8: {  	_ =	task.clear_ibuf [dreg:s7], $0x6FFFF;
	_ =	strace $0x90000046  }
0xb9: {  	s29 =	simm.s32 $0x9;
	_ =	strace $0x80000048  }
0xba: {  	_ =	swait.ge [sflag:s29], $0x1  }
0xbb: {  	[sflag:s29] =	ssyncadd.s32 $0xFFFFFFFF  }
0xbc: {  	_ =	strace $0x90000048  }
0xbd: {  	_ =	sfence  }
0xbe: {  	s30 =	sld [smem:$0x0];
	_ =	sdelay $0x2  }
0xbf: {  	s31 =	sshll.u32 s1, $0xD;
	s1 =	sshrl.u32 s1, $0x2  }
0xc0: {  	s3 =	sand.u32 $0x4000, s31;
	s1 =	sadd.s32 s1, s30  }
0xc1: {  	s0 =	sor.u32 s3, s0;
	s1 =	sshll.u32 s1, $0x11  }
0xc2: {  	s0 =	sor.u32 s1, s0  }
0xc3: {  	s0 =	sadd.s32 $0x8F2B, s0  }
0xc4: {  	[sflag:s0] =	ssyncadd.remote.s32 $0x1  }
0xc5: {  	_ =	sfence.sel $0xFFFF  }
0xc6: {  	[dreg:$0x0] =	wrdreg $0xFFFFFFFF;
	(pc) =	sbr.abs _section_cstart, $3  }
0xc7: {  	[dreg:$0x1] =	wrdreg $0xFFFFFFFF  }
0xc8: {  	_ =	task.clear_ibuf [dreg:s7], $0x2FFFF;
	_ =	strace $0x9FFFFFFF  }
0xc9: {  	(tm) =	ssettm $0x7FFFFFFF  }
tec
execute0_lowered:
.L_overlay_start_1:
0x0: {  	(tag) =	ssettag $0x1  }
0x1: {  	s5 =	rddreg [dreg:$0x0]  }
0x2: {  	s4 =	rddreg [dreg:$0x1]  }
0x3: {  	s2 =	rddreg [dreg:$0x2]  }
0x4: {  	s0 =	rddreg [dreg:$0x3];
	s6 =	srdreg.scid  }
0x5: {  	s1 =	stileid.u32;
	s3 =	simm.s32 $0x0;
	s11 =	simm.s32 $0x80  }
0x6: {  	s12 =	simm.s32 $0x2A80;
	s15 =	simm.s32 $0x20;
	s16 =	simm.s32 $0x10  }
0x7: {  	s17 =	simm.s32 $0x0;
	s6 =	sand.u32 $0x1, s6;
	s7 =	smul.u32 $0x500, s1  }
0x8: {  	[smem:$0x7FF] =	sst s3;
	s29 =	sshll.u32 s1, $0x1;
	s10 =	smul.u32 $0xA00, s1  }
0x9: {  	s13 =	sshll.u32 s1, $0x6;
	s8 =	sshll.u32 s6, $0x7;
	_ =	strace $0x80000047  }
0xa: {  	s9 =	ssub.s32 $0x2, s6;
	s6 =	sor.u32 s6, s29;
	s13 =	sor.u32 $0x1C01, s13  }
0xb: {  	s7 =	sor.u32 s8, s7;
	s30 =	sshrl.u32 s9, $0x1;
	s6 =	smul.u32 $0x500, s6  }
0xc: {  	s31 =	sshrl.u32 s10, $0x2;
	s10 =	simm.s32 $0x280;
	s7 =	sshrl.u32 s7, $0x3  }
0xd: {  	s8 =	ssub.s32 s9, s30;
	s9 =	simm.s32 $0x1;
	s7 =	sadd.s32 s7, s4  }
0xe: {  	s4 =	sadd.s32 s31, s2;
	s5 =	sadd.s32 s5, s6;
	s6 =	sadd.s32 $0x1C00, s7  }
0xf: {  	v0 =	vimm.f32 $1.000000000e+00;
	v1 =	vimm.f32 $0.0e+00;
	s7 =	smax.u32 s8, $0x1;
	s8 =	simm.s32 $0x2B00;
	s14 =	sshrl.u32 s4, $0x3  }
.LBB2_1:
0x10: {  	[tilespmem:$0x2A80] =	vst v0  }
0x11: {  	[tilespmem:$0x2A90] =	vst v0  }
0x12: {  	[tilespmem:$0x2AA0] =	vst v0  }
0x13: {  	[tilespmem:$0x2AB0] =	vst v0  }
0x14: {  	[tilespmem:$0x2AC0] =	vst v0  }
0x15: {  	[tilespmem:$0x2AD0] =	vst v0  }
0x16: {  	[tilespmem:$0x2AE0] =	vst v0  }
0x17: {  	[tilespmem:$0x2AF0] =	vst v0  }
0x18: {  	[tilespmem:$0x2B00] =	vst v1  }
0x19: {  	[tilespmem:$0x2B10] =	vst v1  }
0x1a: {  	[tilespmem:$0x2B20] =	vst v1  }
0x1b: {  	[tilespmem:$0x2B30] =	vst v1  }
0x1c: {  	[tilespmem:$0x2B40] =	vst v1  }
0x1d: {  	[tilespmem:$0x2B50] =	vst v1  }
0x1e: {  	[tilespmem:$0x2B60] =	vst v1  }
0x1f: {  	[tilespmem:$0x2B70] =	vst v1  }
0x20: {  	[tilespmem:$0x2B80] =	vst v1  }
0x21: {  	[tilespmem:$0x2B90] =	vst v1  }
0x22: {  	[tilespmem:$0x2BA0] =	vst v1  }
0x23: {  	[tilespmem:$0x2BB0] =	vst v1  }
0x24: {  	[tilespmem:$0x2BC0] =	vst v1  }
0x25: {  	[tilespmem:$0x2BD0] =	vst v1  }
0x26: {  	[tilespmem:$0x2BE0] =	vst v1  }
0x27: {  	[tilespmem:$0x2BF0] =	vst v1  }
0x28: {  	[tilespmem:$0x2C00] =	vst v1  }
0x29: {  	[tilespmem:$0x2C10] =	vst v1  }
0x2a: {  	[tilespmem:$0x2C20] =	vst v1  }
0x2b: {  	[tilespmem:$0x2C30] =	vst v1  }
0x2c: {  	[tilespmem:$0x2C40] =	vst v1  }
0x2d: {  	[tilespmem:$0x2C50] =	vst v1  }
0x2e: {  	[tilespmem:$0x2C60] =	vst v1  }
0x2f: {  	[tilespmem:$0x2C70] =	vst v1  }
0x30: {  	[tilespmem:$0x2C80] =	vst v1  }
0x31: {  	[tilespmem:$0x2C90] =	vst v1  }
0x32: {  	[tilespmem:$0x2CA0] =	vst v1  }
0x33: {  	[tilespmem:$0x2CB0] =	vst v1  }
0x34: {  	[tilespmem:$0x2CC0] =	vst v1  }
0x35: {  	[tilespmem:$0x2CD0] =	vst v1  }
0x36: {  	[tilespmem:$0x2CE0] =	vst v1  }
0x37: {  	[tilespmem:$0x2CF0] =	vst v1  }
0x38: {  	[tilespmem:$0x2D00] =	vst v1  }
0x39: {  	[tilespmem:$0x2D10] =	vst v1  }
0x3a: {  	[tilespmem:$0x2D20] =	vst v1  }
0x3b: {  	[tilespmem:$0x2D30] =	vst v1  }
0x3c: {  	[tilespmem:$0x2D40] =	vst v1  }
0x3d: {  	[tilespmem:$0x2D50] =	vst v1  }
0x3e: {  	[tilespmem:$0x2D60] =	vst v1  }
0x3f: {  	[tilespmem:$0x2D70] =	vst v1  }
0x40: {  	[spmem:s4] =	stream.linear.scatter [tilespmem:s8], [sflag:$0x1], $0x280, $0x38;
	[tilespmem:$0x2D80] =	vst v63  }
0x41: {  	_ =	swait.ge [sflag:s9], $0x280  }
0x42: {  	[sflag:s9] =	ssyncset.done $0x0  }
0x43: {  	[sflag:s9] =	ssyncadd.s32 $0xFFFFFD80  }
0x44: {  	[bflag:$0x0] =	sbarrier.arrive $0xFFFF  }
0x45: {  	[tilespmem:s10], [sflag:$0x1] =	stream.linear.gather [hbm4b:s5+s3], $0x2780, $0x38;
	[tilespmem:$0x2D80] =	vst v63  }
0x46: {  	_ =	swait.ge [sflag:s9], $0x2780  }
0x47: {  	[sflag:s9] =	ssyncset.done $0x0  }
0x48: {  	s18 =	simm.s32 $0x280;
	[sflag:s9] =	ssyncadd.s32 $0xFFFFD880  }
0x49: {  	[spmem:s2] =	stream.indirect.scatter.add.f32 [tilespmem:s12], [sflag:$0x1], $0x1, s18, s11, $0xb8;
	[tilespmem:$0x2D80] =	vst v63  }
0x4a: {  	s18 =	simm.s32 $0x200;
	_ =	swait.ge [sflag:s9], $0x80  }
.LBB2_2:
0x4b: {  	s19 =	sshra.s32 s18, $0x2;
	[sflag:s9] =	ssyncset.done $0x0;
	p0 =	sne.s32 s18, $0x9C00  }
.Ltmp0:
0x4c: {  	s19 =	sadd.s32 $0x280, s19;
	[sflag:s9] =	ssyncadd.s32 $0xFFFFFF80;
	(pc) =	sbr.rel @p0 .LBB2_2-.Ltmp0, $3  }
0x4d: {  	[spmem:s2] =	stream.indirect.scatter.add.f32 [tilespmem:s12], [sflag:$0x1], $0x1, s19, s11, $0xb8;
	[tilespmem:$0x2D80] =	vst v63  }
0x4e: {  	s18 =	sadd.s32 $0x200, s18;
	_ =	sdelay $0x1  }
0x4f: {  	_ =	swait.ge [sflag:s9], $0x80  }
0x50: {  	[sflag:s9] =	ssyncset.done $0x0;
	s17 =	sadd.s32 $0x1, s17  }
0x51: {  	[sflag:s9] =	ssyncadd.s32 $0xFFFFFF80;
	p0 =	sne.s32 s17, s7  }
.Ltmp1:
0x52: {  	[bflag:$0x0] =	sbarrier.arrive $0xFFFF;
	(pc) =	sbr.rel @p0 .LBB2_1-.Ltmp1, $4  }
0x53: {  	[hbm:s6@s15], [sflag:s13] =	dma.strided [spmem:s14@s16], $0x50, s9, $0x10   }
0x54: {  	_ =	swait.ge [sflag:s9], $0x50  }
0x55: {  	[sflag:s9] =	ssyncset.done $0x0  }
0x56: {  	[sflag:s9] =	ssyncadd.s32 $0xFFFFFFB0  }
0x57: {  	_ =	sfence.sel $0x180000  }
0x58: {  	[bflag:$0x0] =	sbarrier.arrive $0xFFFF  }
0x59: {  	p0 =	sne.s32 s1, $0x0;
	_ =	strace $0x90000047  }
0x5a: {  	s0 =	sadd.s32 @!p0 $0x100000, s0;
	[bflag:$0x2] =	sbarrier.arrive $0xFFFF  }
0x5b: {  	[sflag:s0] =	ssyncadd.tile.s32 @!p0 $0x1;
	_ =	shalt  }
.Lfunc_end2:
_tile_overlayer_lowered:
.L_overlay_start_2:
0x5c: {  	(tag) =	ssettag $0x2  }
0x5d: {  	s0 =	rddreg [dreg:$0x0];
	s2 =	stileid.u32  }
0x5e: {  	s1 =	rddreg [dreg:$0x1];
	p0 =	sne.s32 s2, $0x0  }
0x5f: {  	s3 =	rddreg [dreg:$0x2];
	[bflag:$0x3] =	sbarrier.arrive $0xFFFF;
	s2 =	simm.s32 @!p0 $0x1C01  }
0x60: {  	[timem:s3], [sflag:s2] =	dma.local @!p0 [hbm:s0], s1  }
0x61: {  	s0 =	simm.s32 @!p0 $0x1  }
0x62: {  	_ =	swait.ge @!p0 [sflag:s0], s1  }
0x63: {  	s1 =	ssub.s32 @!p0 $0x0, s1;
	[sflag:s0] =	ssyncset.done @!p0 $0x0  }
0x64: {  	[sflag:s0] =	ssyncadd.s32 @!p0 s1  }
0x65: {  	[bflag:$0x3] =	sbarrier.arrive $0xFFFF  }
0x66: {  	_ =	shalt  }

</sc_bundles>
